<compile_context>
chip_gen: v7x
topology: tpu7x:2x2x1
jax: 0.10.2.dev20260603
libtpu: 0.0.44.dev20260713+nightly
codegen_flags: <defaults>
</compile_context>

<pallas_src>
import functools

import jax
import jax.numpy as jnp
from jax import lax
from jax.experimental import pallas as pl
from jax.experimental.pallas import tpu as pltpu, tpu_sc as plsc

_INFO = plsc.get_sparse_core_info()
_NS, _L = _INFO.num_subcores, _INFO.num_lanes

_B, _S = 16, 2048
_NQ = 4
_Q = _S // _NQ


def _make_sc_call():
    mesh = plsc.VectorSubcoreMesh(core_axis_name="c", subcore_axis_name="s",
                                  num_cores=1)

    @functools.partial(
        pl.kernel,
        mesh=mesh,
        out_type=jax.ShapeDtypeStruct((_B, _S), jnp.float32),
        scratch_types=[
            pltpu.VMEM((_S,), jnp.float32),
            pltpu.VMEM((_S,), jnp.int32),
            pltpu.VMEM((_L,), jnp.float32),
            pltpu.SemaphoreType.DMA,
            pltpu.SemaphoreType.DMA,
        ],
    )
    def sc_kernel(scores_hbm, mask_hbm, bias_hbm, out_hbm,
                  scores_v, mask_v, bias_v, sem, out_sem):
        row = lax.axis_index("s") + lax.axis_index("c")
        db = pltpu.async_copy(bias_hbm, bias_v.at[pl.ds(0, 1)], sem)
        ins = []
        for q in range(_NQ):
            qs = pl.ds(q * _Q, _Q)
            ins.append((
                pltpu.async_copy(scores_hbm.at[row, qs], scores_v.at[qs], sem),
                pltpu.async_copy(mask_hbm.at[row, qs], mask_v.at[qs], sem),
            ))
        db.wait()
        bias_vec = jnp.full((_L,), bias_v[...][0], dtype=jnp.float32)
        outs = []
        for q in range(_NQ):
            dq_s, dq_m = ins[q]
            dq_s.wait()
            dq_m.wait()
            for i in range(q * _Q // _L, (q + 1) * _Q // _L):
                sl = pl.ds(i * _L, _L)
                scores_v[sl] = ((scores_v[sl] + bias_vec)
                                * mask_v[sl].astype(jnp.float32))
            qs = pl.ds(q * _Q, _Q)
            outs.append(
                pltpu.async_copy(scores_v.at[qs], out_hbm.at[row, qs], out_sem))
        for w in outs:
            w.wait()

    return sc_kernel


_SC_CALL = _make_sc_call()


@jax.jit
def kernel(sent_group_scores, sel_sent_emb, sel_sent_masks, group_embs,
           candi_sent_masks, bias):
    return _SC_CALL(sent_group_scores, candi_sent_masks,
                    jnp.reshape(bias, (1,)))

# --- scband reference (transcript-rebuilt; emitter-appended) ---
"""Pipeline reference for scband-hit-map-bilinear-match-model-5695126635148 (READ-ONLY COPY).

The authoritative reference and input builder live on the scoring server;
editing this copy changes nothing except your own understanding.
"""

import jax, jax.numpy as jnp
import numpy as np

def setup_inputs(seed: int = 0) -> dict:
    key = jax.random.key(seed)
    k1, k2, k3, k4, k5 = jax.random.split(key, 5)
    B, S, SEL, D = 16, 2048, 128, 768
    return {
        "sent_group_scores": jax.random.normal(k1, (B, S), dtype=jnp.float32),
        "sel_sent_emb": jax.random.normal(k2, (B, SEL, D), dtype=jnp.float32),
        "sel_sent_masks": jax.random.randint(k3, (B, SEL), 0, 2, dtype=jnp.int32),
        "group_embs": jax.random.normal(k4, (B, S, D), dtype=jnp.float32),
        "candi_sent_masks": jax.random.randint(k5, (B, S), 0, 2, dtype=jnp.int32),
        "bias": jnp.zeros((), dtype=jnp.float32),
    }

def reference(sent_group_scores, sel_sent_emb, sel_sent_masks, group_embs, candi_sent_masks, bias):
    # Faithful translation of HitMapBilinearMatchModel.forward with
    # sel_sent_hit_map=None (its default), which selects the simple branch:
    #   h_3 = sent_group_scores + self.bias
    #   sent_scores = h_3 * candi_sent_masks.float()
    h_3 = sent_group_scores + bias
    sent_scores = h_3 * candi_sent_masks.astype(jnp.float32)
    return sent_scores

if __name__ == "__main__":
    import jax
    _d = setup_inputs()
    print(jax.jit(kernel)(*tuple(_d.values())))

</pallas_src>

<mosaic_0001>
#map = affine_map<(d0, d1) -> (0, 0)>
#map1 = affine_map<(d0, d1) -> (0)>
module attributes {stable_mosaic.version = 14 : i64} {
  func.func @sc_kernel(%arg0: i32, %arg1: i32, %arg2: memref<16x2048xf32, #tpu.memory_space<hbm>>, %arg3: memref<16x2048xi32, #tpu.memory_space<hbm>>, %arg4: memref<1xf32, #tpu.memory_space<hbm>>, %arg5: memref<16x2048xf32, #tpu.memory_space<hbm>>, %arg6: memref<2048xf32, #tpu.memory_space<vmem>>, %arg7: memref<2048xi32, #tpu.memory_space<vmem>>, %arg8: memref<16xf32, #tpu.memory_space<vmem>>, %arg9: memref<!tpu.dma_semaphore, #tpu.memory_space<semaphore_mem>>, %arg10: memref<!tpu.dma_semaphore, #tpu.memory_space<semaphore_mem>>) attributes {dimension_semantics = [#tpu.dimension_semantics<core_parallel>, #tpu.dimension_semantics<subcore_parallel>], iteration_bounds = array<i64: 1, 16>, scalar_prefetch = 0 : i64, scratch_operands = 5 : i64, tpu.core_type = #tpu.core_type<sc_vector_subcore>, window_params = [{transform_indices = #map}, {transform_indices = #map}, {transform_indices = #map1}, {transform_indices = #map}]} {
    %add3A = arith.addi %arg1, %arg0 : i32
    %dma_start3A = arith.constant 0 : i32
    %dma_start3A_0 = tpu.memref_slice %arg8[%dma_start3A] : memref<16xf32, #tpu.memory_space<vmem>> -> memref<1xf32, #tpu.memory_space<vmem>>
    %dma_start3A_1 = arith.constant 0 : i32
    %dma_start3A_2 = tpu.memref_slice %arg8[%dma_start3A_1] : memref<16xf32, #tpu.memory_space<vmem>> -> memref<1xf32, #tpu.memory_space<vmem>>
    tpu.enqueue_dma source(%arg4 : memref<1xf32, #tpu.memory_space<hbm>>) target(%dma_start3A_2 : memref<1xf32, #tpu.memory_space<vmem>>) target_semaphore(%arg9 : memref<!tpu.dma_semaphore, #tpu.memory_space<semaphore_mem>>)
    %dma_start3A_3 = arith.constant 0 : i32
    %dma_start3A_4 = tpu.memref_slice %arg6[%dma_start3A_3] : memref<2048xf32, #tpu.memory_space<vmem>> -> memref<512xf32, #tpu.memory_space<vmem>>
    %dma_start3A_5 = arith.constant 0 : i32
    %dma_start3A_6 = tpu.memref_slice %arg2[%add3A, %dma_start3A_5] : memref<16x2048xf32, #tpu.memory_space<hbm>> -> memref<1x512xf32, #tpu.memory_space<hbm>>
    %dma_start3A_7 = tpu.memref_squeeze %dma_start3A_6 : memref<1x512xf32, #tpu.memory_space<hbm>> -> memref<512xf32, #tpu.memory_space<hbm>>
    %dma_start3A_8 = arith.constant 0 : i32
    %dma_start3A_9 = tpu.memref_slice %arg6[%dma_start3A_8] : memref<2048xf32, #tpu.memory_space<vmem>> -> memref<512xf32, #tpu.memory_space<vmem>>
    %dma_start3A_10 = arith.constant 0 : i32
    %dma_start3A_11 = tpu.memref_slice %arg2[%add3A, %dma_start3A_10] : memref<16x2048xf32, #tpu.memory_space<hbm>> -> memref<1x512xf32, #tpu.memory_space<hbm>>
    %dma_start3A_12 = tpu.memref_squeeze %dma_start3A_11 : memref<1x512xf32, #tpu.memory_space<hbm>> -> memref<512xf32, #tpu.memory_space<hbm>>
    tpu.enqueue_dma source(%dma_start3A_12 : memref<512xf32, #tpu.memory_space<hbm>>) target(%dma_start3A_9 : memref<512xf32, #tpu.memory_space<vmem>>) target_semaphore(%arg9 : memref<!tpu.dma_semaphore, #tpu.memory_space<semaphore_mem>>)
    %dma_start3A_13 = arith.constant 0 : i32
    %dma_start3A_14 = tpu.memref_slice %arg7[%dma_start3A_13] : memref<2048xi32, #tpu.memory_space<vmem>> -> memref<512xi32, #tpu.memory_space<vmem>>
    %dma_start3A_15 = arith.constant 0 : i32
    %dma_start3A_16 = tpu.memref_slice %arg3[%add3A, %dma_start3A_15] : memref<16x2048xi32, #tpu.memory_space<hbm>> -> memref<1x512xi32, #tpu.memory_space<hbm>>
    %dma_start3A_17 = tpu.memref_squeeze %dma_start3A_16 : memref<1x512xi32, #tpu.memory_space<hbm>> -> memref<512xi32, #tpu.memory_space<hbm>>
    %dma_start3A_18 = arith.constant 0 : i32
    %dma_start3A_19 = tpu.memref_slice %arg7[%dma_start3A_18] : memref<2048xi32, #tpu.memory_space<vmem>> -> memref<512xi32, #tpu.memory_space<vmem>>
    %dma_start3A_20 = arith.constant 0 : i32
    %dma_start3A_21 = tpu.memref_slice %arg3[%add3A, %dma_start3A_20] : memref<16x2048xi32, #tpu.memory_space<hbm>> -> memref<1x512xi32, #tpu.memory_space<hbm>>
    %dma_start3A_22 = tpu.memref_squeeze %dma_start3A_21 : memref<1x512xi32, #tpu.memory_space<hbm>> -> memref<512xi32, #tpu.memory_space<hbm>>
    tpu.enqueue_dma source(%dma_start3A_22 : memref<512xi32, #tpu.memory_space<hbm>>) target(%dma_start3A_19 : memref<512xi32, #tpu.memory_space<vmem>>) target_semaphore(%arg9 : memref<!tpu.dma_semaphore, #tpu.memory_space<semaphore_mem>>)
    %dma_start3A_23 = arith.constant 512 : i32
    %dma_start3A_24 = tpu.memref_slice %arg6[%dma_start3A_23] : memref<2048xf32, #tpu.memory_space<vmem>> -> memref<512xf32, #tpu.memory_space<vmem>>
    %dma_start3A_25 = arith.constant 512 : i32
    %dma_start3A_26 = tpu.memref_slice %arg2[%add3A, %dma_start3A_25] : memref<16x2048xf32, #tpu.memory_space<hbm>> -> memref<1x512xf32, #tpu.memory_space<hbm>>
    %dma_start3A_27 = tpu.memref_squeeze %dma_start3A_26 : memref<1x512xf32, #tpu.memory_space<hbm>> -> memref<512xf32, #tpu.memory_space<hbm>>
    %dma_start3A_28 = arith.constant 512 : i32
    %dma_start3A_29 = tpu.memref_slice %arg6[%dma_start3A_28] : memref<2048xf32, #tpu.memory_space<vmem>> -> memref<512xf32, #tpu.memory_space<vmem>>
    %dma_start3A_30 = arith.constant 512 : i32
    %dma_start3A_31 = tpu.memref_slice %arg2[%add3A, %dma_start3A_30] : memref<16x2048xf32, #tpu.memory_space<hbm>> -> memref<1x512xf32, #tpu.memory_space<hbm>>
    %dma_start3A_32 = tpu.memref_squeeze %dma_start3A_31 : memref<1x512xf32, #tpu.memory_space<hbm>> -> memref<512xf32, #tpu.memory_space<hbm>>
    tpu.enqueue_dma source(%dma_start3A_32 : memref<512xf32, #tpu.memory_space<hbm>>) target(%dma_start3A_29 : memref<512xf32, #tpu.memory_space<vmem>>) target_semaphore(%arg9 : memref<!tpu.dma_semaphore, #tpu.memory_space<semaphore_mem>>)
    %dma_start3A_33 = arith.constant 512 : i32
    %dma_start3A_34 = tpu.memref_slice %arg7[%dma_start3A_33] : memref<2048xi32, #tpu.memory_space<vmem>> -> memref<512xi32, #tpu.memory_space<vmem>>
    %dma_start3A_35 = arith.constant 512 : i32
    %dma_start3A_36 = tpu.memref_slice %arg3[%add3A, %dma_start3A_35] : memref<16x2048xi32, #tpu.memory_space<hbm>> -> memref<1x512xi32, #tpu.memory_space<hbm>>
    %dma_start3A_37 = tpu.memref_squeeze %dma_start3A_36 : memref<1x512xi32, #tpu.memory_space<hbm>> -> memref<512xi32, #tpu.memory_space<hbm>>
    %dma_start3A_38 = arith.constant 512 : i32
    %dma_start3A_39 = tpu.memref_slice %arg7[%dma_start3A_38] : memref<2048xi32, #tpu.memory_space<vmem>> -> memref<512xi32, #tpu.memory_space<vmem>>
    %dma_start3A_40 = arith.constant 512 : i32
    %dma_start3A_41 = tpu.memref_slice %arg3[%add3A, %dma_start3A_40] : memref<16x2048xi32, #tpu.memory_space<hbm>> -> memref<1x512xi32, #tpu.memory_space<hbm>>
    %dma_start3A_42 = tpu.memref_squeeze %dma_start3A_41 : memref<1x512xi32, #tpu.memory_space<hbm>> -> memref<512xi32, #tpu.memory_space<hbm>>
    tpu.enqueue_dma source(%dma_start3A_42 : memref<512xi32, #tpu.memory_space<hbm>>) target(%dma_start3A_39 : memref<512xi32, #tpu.memory_space<vmem>>) target_semaphore(%arg9 : memref<!tpu.dma_semaphore, #tpu.memory_space<semaphore_mem>>)
    %dma_start3A_43 = arith.constant 1024 : i32
    %dma_start3A_44 = tpu.memref_slice %arg6[%dma_start3A_43] : memref<2048xf32, #tpu.memory_space<vmem>> -> memref<512xf32, #tpu.memory_space<vmem>>
    %dma_start3A_45 = arith.constant 1024 : i32
    %dma_start3A_46 = tpu.memref_slice %arg2[%add3A, %dma_start3A_45] : memref<16x2048xf32, #tpu.memory_space<hbm>> -> memref<1x512xf32, #tpu.memory_space<hbm>>
    %dma_start3A_47 = tpu.memref_squeeze %dma_start3A_46 : memref<1x512xf32, #tpu.memory_space<hbm>> -> memref<512xf32, #tpu.memory_space<hbm>>
    %dma_start3A_48 = arith.constant 1024 : i32
    %dma_start3A_49 = tpu.memref_slice %arg6[%dma_start3A_48] : memref<2048xf32, #tpu.memory_space<vmem>> -> memref<512xf32, #tpu.memory_space<vmem>>
    %dma_start3A_50 = arith.constant 1024 : i32
    %dma_start3A_51 = tpu.memref_slice %arg2[%add3A, %dma_start3A_50] : memref<16x2048xf32, #tpu.memory_space<hbm>> -> memref<1x512xf32, #tpu.memory_space<hbm>>
    %dma_start3A_52 = tpu.memref_squeeze %dma_start3A_51 : memref<1x512xf32, #tpu.memory_space<hbm>> -> memref<512xf32, #tpu.memory_space<hbm>>
    tpu.enqueue_dma source(%dma_start3A_52 : memref<512xf32, #tpu.memory_space<hbm>>) target(%dma_start3A_49 : memref<512xf32, #tpu.memory_space<vmem>>) target_semaphore(%arg9 : memref<!tpu.dma_semaphore, #tpu.memory_space<semaphore_mem>>)
    %dma_start3A_53 = arith.constant 1024 : i32
    %dma_start3A_54 = tpu.memref_slice %arg7[%dma_start3A_53] : memref<2048xi32, #tpu.memory_space<vmem>> -> memref<512xi32, #tpu.memory_space<vmem>>
    %dma_start3A_55 = arith.constant 1024 : i32
    %dma_start3A_56 = tpu.memref_slice %arg3[%add3A, %dma_start3A_55] : memref<16x2048xi32, #tpu.memory_space<hbm>> -> memref<1x512xi32, #tpu.memory_space<hbm>>
    %dma_start3A_57 = tpu.memref_squeeze %dma_start3A_56 : memref<1x512xi32, #tpu.memory_space<hbm>> -> memref<512xi32, #tpu.memory_space<hbm>>
    %dma_start3A_58 = arith.constant 1024 : i32
    %dma_start3A_59 = tpu.memref_slice %arg7[%dma_start3A_58] : memref<2048xi32, #tpu.memory_space<vmem>> -> memref<512xi32, #tpu.memory_space<vmem>>
    %dma_start3A_60 = arith.constant 1024 : i32
    %dma_start3A_61 = tpu.memref_slice %arg3[%add3A, %dma_start3A_60] : memref<16x2048xi32, #tpu.memory_space<hbm>> -> memref<1x512xi32, #tpu.memory_space<hbm>>
    %dma_start3A_62 = tpu.memref_squeeze %dma_start3A_61 : memref<1x512xi32, #tpu.memory_space<hbm>> -> memref<512xi32, #tpu.memory_space<hbm>>
    tpu.enqueue_dma source(%dma_start3A_62 : memref<512xi32, #tpu.memory_space<hbm>>) target(%dma_start3A_59 : memref<512xi32, #tpu.memory_space<vmem>>) target_semaphore(%arg9 : memref<!tpu.dma_semaphore, #tpu.memory_space<semaphore_mem>>)
    %dma_start3A_63 = arith.constant 1536 : i32
    %dma_start3A_64 = tpu.memref_slice %arg6[%dma_start3A_63] : memref<2048xf32, #tpu.memory_space<vmem>> -> memref<512xf32, #tpu.memory_space<vmem>>
    %dma_start3A_65 = arith.constant 1536 : i32
    %dma_start3A_66 = tpu.memref_slice %arg2[%add3A, %dma_start3A_65] : memref<16x2048xf32, #tpu.memory_space<hbm>> -> memref<1x512xf32, #tpu.memory_space<hbm>>
    %dma_start3A_67 = tpu.memref_squeeze %dma_start3A_66 : memref<1x512xf32, #tpu.memory_space<hbm>> -> memref<512xf32, #tpu.memory_space<hbm>>
    %dma_start3A_68 = arith.constant 1536 : i32
    %dma_start3A_69 = tpu.memref_slice %arg6[%dma_start3A_68] : memref<2048xf32, #tpu.memory_space<vmem>> -> memref<512xf32, #tpu.memory_space<vmem>>
    %dma_start3A_70 = arith.constant 1536 : i32
    %dma_start3A_71 = tpu.memref_slice %arg2[%add3A, %dma_start3A_70] : memref<16x2048xf32, #tpu.memory_space<hbm>> -> memref<1x512xf32, #tpu.memory_space<hbm>>
    %dma_start3A_72 = tpu.memref_squeeze %dma_start3A_71 : memref<1x512xf32, #tpu.memory_space<hbm>> -> memref<512xf32, #tpu.memory_space<hbm>>
    tpu.enqueue_dma source(%dma_start3A_72 : memref<512xf32, #tpu.memory_space<hbm>>) target(%dma_start3A_69 : memref<512xf32, #tpu.memory_space<vmem>>) target_semaphore(%arg9 : memref<!tpu.dma_semaphore, #tpu.memory_space<semaphore_mem>>)
    %dma_start3A_73 = arith.constant 1536 : i32
    %dma_start3A_74 = tpu.memref_slice %arg7[%dma_start3A_73] : memref<2048xi32, #tpu.memory_space<vmem>> -> memref<512xi32, #tpu.memory_space<vmem>>
    %dma_start3A_75 = arith.constant 1536 : i32
    %dma_start3A_76 = tpu.memref_slice %arg3[%add3A, %dma_start3A_75] : memref<16x2048xi32, #tpu.memory_space<hbm>> -> memref<1x512xi32, #tpu.memory_space<hbm>>
    %dma_start3A_77 = tpu.memref_squeeze %dma_start3A_76 : memref<1x512xi32, #tpu.memory_space<hbm>> -> memref<512xi32, #tpu.memory_space<hbm>>
    %dma_start3A_78 = arith.constant 1536 : i32
    %dma_start3A_79 = tpu.memref_slice %arg7[%dma_start3A_78] : memref<2048xi32, #tpu.memory_space<vmem>> -> memref<512xi32, #tpu.memory_space<vmem>>
    %dma_start3A_80 = arith.constant 1536 : i32
    %dma_start3A_81 = tpu.memref_slice %arg3[%add3A, %dma_start3A_80] : memref<16x2048xi32, #tpu.memory_space<hbm>> -> memref<1x512xi32, #tpu.memory_space<hbm>>
    %dma_start3A_82 = tpu.memref_squeeze %dma_start3A_81 : memref<1x512xi32, #tpu.memory_space<hbm>> -> memref<512xi32, #tpu.memory_space<hbm>>
    tpu.enqueue_dma source(%dma_start3A_82 : memref<512xi32, #tpu.memory_space<hbm>>) target(%dma_start3A_79 : memref<512xi32, #tpu.memory_space<vmem>>) target_semaphore(%arg9 : memref<!tpu.dma_semaphore, #tpu.memory_space<semaphore_mem>>)
    %dma_wait3A = arith.constant 0 : i32
    %dma_wait3A_83 = tpu.memref_slice %arg8[%dma_wait3A] : memref<16xf32, #tpu.memory_space<vmem>> -> memref<1xf32, #tpu.memory_space<vmem>>
    %dma_wait3A_84 = arith.constant 0 : i32
    %dma_wait3A_85 = tpu.memref_slice %arg8[%dma_wait3A_84] : memref<16xf32, #tpu.memory_space<vmem>> -> memref<1xf32, #tpu.memory_space<vmem>>
    tpu.wait_dma2 semaphore(%arg9 : memref<!tpu.dma_semaphore, #tpu.memory_space<semaphore_mem>>) src(%arg4 : memref<1xf32, #tpu.memory_space<hbm>>) dst(%dma_wait3A_85 : memref<1xf32, #tpu.memory_space<vmem>>)
    %get3A = arith.constant 0 : index
    %get3A_86 = tpu.vector_load %arg8[%get3A] {strides = array<i32>} : memref<16xf32, #tpu.memory_space<vmem>>, vector<16xf32>,
    %get3A_87 = vector.shape_cast %get3A_86 : vector<16xf32> to vector<16xf32>
    %slice3A = vector.extract_strided_slice %get3A_87 {offsets = [0], sizes = [1], strides = [1]} : vector<16xf32> to vector<1xf32>
    %squeeze3A = vector.extract %slice3A[0] : f32 from vector<1xf32>
    %broadcast_in_dim3A = vector.broadcast %squeeze3A : f32 to vector<16xf32>
    %dma_wait3A_88 = arith.constant 0 : i32
    %dma_wait3A_89 = tpu.memref_slice %arg6[%dma_wait3A_88] : memref<2048xf32, #tpu.memory_space<vmem>> -> memref<512xf32, #tpu.memory_space<vmem>>
    %dma_wait3A_90 = arith.constant 0 : i32
    %dma_wait3A_91 = tpu.memref_slice %arg2[%add3A, %dma_wait3A_90] : memref<16x2048xf32, #tpu.memory_space<hbm>> -> memref<1x512xf32, #tpu.memory_space<hbm>>
    %dma_wait3A_92 = tpu.memref_squeeze %dma_wait3A_91 : memref<1x512xf32, #tpu.memory_space<hbm>> -> memref<512xf32, #tpu.memory_space<hbm>>
    %dma_wait3A_93 = arith.constant 0 : i32
    %dma_wait3A_94 = tpu.memref_slice %arg6[%dma_wait3A_93] : memref<2048xf32, #tpu.memory_space<vmem>> -> memref<512xf32, #tpu.memory_space<vmem>>
    %dma_wait3A_95 = arith.constant 0 : i32
    %dma_wait3A_96 = tpu.memref_slice %arg2[%add3A, %dma_wait3A_95] : memref<16x2048xf32, #tpu.memory_space<hbm>> -> memref<1x512xf32, #tpu.memory_space<hbm>>
    %dma_wait3A_97 = tpu.memref_squeeze %dma_wait3A_96 : memref<1x512xf32, #tpu.memory_space<hbm>> -> memref<512xf32, #tpu.memory_space<hbm>>
    tpu.wait_dma2 semaphore(%arg9 : memref<!tpu.dma_semaphore, #tpu.memory_space<semaphore_mem>>) src(%dma_wait3A_97 : memref<512xf32, #tpu.memory_space<hbm>>) dst(%dma_wait3A_94 : memref<512xf32, #tpu.memory_space<vmem>>)
    %dma_wait3A_98 = arith.constant 0 : i32
    %dma_wait3A_99 = tpu.memref_slice %arg7[%dma_wait3A_98] : memref<2048xi32, #tpu.memory_space<vmem>> -> memref<512xi32, #tpu.memory_space<vmem>>
    %dma_wait3A_100 = arith.constant 0 : i32
    %dma_wait3A_101 = tpu.memref_slice %arg3[%add3A, %dma_wait3A_100] : memref<16x2048xi32, #tpu.memory_space<hbm>> -> memref<1x512xi32, #tpu.memory_space<hbm>>
    %dma_wait3A_102 = tpu.memref_squeeze %dma_wait3A_101 : memref<1x512xi32, #tpu.memory_space<hbm>> -> memref<512xi32, #tpu.memory_space<hbm>>
    %dma_wait3A_103 = arith.constant 0 : i32
    %dma_wait3A_104 = tpu.memref_slice %arg7[%dma_wait3A_103] : memref<2048xi32, #tpu.memory_space<vmem>> -> memref<512xi32, #tpu.memory_space<vmem>>
    %dma_wait3A_105 = arith.constant 0 : i32
    %dma_wait3A_106 = tpu.memref_slice %arg3[%add3A, %dma_wait3A_105] : memref<16x2048xi32, #tpu.memory_space<hbm>> -> memref<1x512xi32, #tpu.memory_space<hbm>>
    %dma_wait3A_107 = tpu.memref_squeeze %dma_wait3A_106 : memref<1x512xi32, #tpu.memory_space<hbm>> -> memref<512xi32, #tpu.memory_space<hbm>>
    tpu.wait_dma2 semaphore(%arg9 : memref<!tpu.dma_semaphore, #tpu.memory_space<semaphore_mem>>) src(%dma_wait3A_107 : memref<512xi32, #tpu.memory_space<hbm>>) dst(%dma_wait3A_104 : memref<512xi32, #tpu.memory_space<vmem>>)
    %get3A_108 = arith.constant 0 : index
    %get3A_109 = tpu.vector_load %arg6[%get3A_108] {strides = array<i32>} : memref<2048xf32, #tpu.memory_space<vmem>>, vector<16xf32>,
    %get3A_110 = vector.shape_cast %get3A_109 : vector<16xf32> to vector<16xf32>
    %add3A_111 = arith.addf %get3A_110, %broadcast_in_dim3A : vector<16xf32>
    %get3A_112 = arith.constant 0 : index
    %get3A_113 = tpu.vector_load %arg7[%get3A_112] {strides = array<i32>} : memref<2048xi32, #tpu.memory_space<vmem>>, vector<16xi32>,
    %get3A_114 = vector.shape_cast %get3A_113 : vector<16xi32> to vector<16xi32>
    %convert_element_type3A = arith.sitofp %get3A_114 : vector<16xi32> to vector<16xf32>
    %mul3A = arith.mulf %add3A_111, %convert_element_type3A : vector<16xf32>
    %swap3A = arith.constant 0 : index
    %swap3A_115 = tpu.vector_load %arg6[%swap3A] {strides = array<i32>} : memref<2048xf32, #tpu.memory_space<vmem>>, vector<16xf32>,
    %swap3A_116 = vector.shape_cast %swap3A_115 : vector<16xf32> to vector<16xf32>
    %swap3A_117 = vector.shape_cast %mul3A : vector<16xf32> to vector<16xf32>
    tpu.vector_store %arg6[%swap3A], %swap3A_117 {strides = array<i32>} : memref<2048xf32, #tpu.memory_space<vmem>>, vector<16xf32>,
    %get3A_118 = arith.constant 16 : index
    %get3A_119 = tpu.vector_load %arg6[%get3A_118] {strides = array<i32>} : memref<2048xf32, #tpu.memory_space<vmem>>, vector<16xf32>,
    %get3A_120 = vector.shape_cast %get3A_119 : vector<16xf32> to vector<16xf32>
    %add3A_121 = arith.addf %get3A_120, %broadcast_in_dim3A : vector<16xf32>
    %get3A_122 = arith.constant 16 : index
    %get3A_123 = tpu.vector_load %arg7[%get3A_122] {strides = array<i32>} : memref<2048xi32, #tpu.memory_space<vmem>>, vector<16xi32>,
    %get3A_124 = vector.shape_cast %get3A_123 : vector<16xi32> to vector<16xi32>
    %convert_element_type3A_125 = arith.sitofp %get3A_124 : vector<16xi32> to vector<16xf32>
    %mul3A_126 = arith.mulf %add3A_121, %convert_element_type3A_125 : vector<16xf32>
    %swap3A_127 = arith.constant 16 : index
    %swap3A_128 = tpu.vector_load %arg6[%swap3A_127] {strides = array<i32>} : memref<2048xf32, #tpu.memory_space<vmem>>, vector<16xf32>,
    %swap3A_129 = vector.shape_cast %swap3A_128 : vector<16xf32> to vector<16xf32>
    %swap3A_130 = vector.shape_cast %mul3A_126 : vector<16xf32> to vector<16xf32>
    tpu.vector_store %arg6[%swap3A_127], %swap3A_130 {strides = array<i32>} : memref<2048xf32, #tpu.memory_space<vmem>>, vector<16xf32>,
    %get3A_131 = arith.constant 32 : index
    %get3A_132 = tpu.vector_load %arg6[%get3A_131] {strides = array<i32>} : memref<2048xf32, #tpu.memory_space<vmem>>, vector<16xf32>,
    %get3A_133 = vector.shape_cast %get3A_132 : vector<16xf32> to vector<16xf32>
    %add3A_134 = arith.addf %get3A_133, %broadcast_in_dim3A : vector<16xf32>
    %get3A_135 = arith.constant 32 : index
    %get3A_136 = tpu.vector_load %arg7[%get3A_135] {strides = array<i32>} : memref<2048xi32, #tpu.memory_space<vmem>>, vector<16xi32>,
    %get3A_137 = vector.shape_cast %get3A_136 : vector<16xi32> to vector<16xi32>
    %convert_element_type3A_138 = arith.sitofp %get3A_137 : vector<16xi32> to vector<16xf32>
    %mul3A_139 = arith.mulf %add3A_134, %convert_element_type3A_138 : vector<16xf32>
    %swap3A_140 = arith.constant 32 : index
    %swap3A_141 = tpu.vector_load %arg6[%swap3A_140] {strides = array<i32>} : memref<2048xf32, #tpu.memory_space<vmem>>, vector<16xf32>,
    %swap3A_142 = vector.shape_cast %swap3A_141 : vector<16xf32> to vector<16xf32>
    %swap3A_143 = vector.shape_cast %mul3A_139 : vector<16xf32> to vector<16xf32>
    tpu.vector_store %arg6[%swap3A_140], %swap3A_143 {strides = array<i32>} : memref<2048xf32, #tpu.memory_space<vmem>>, vector<16xf32>,
    %get3A_144 = arith.constant 48 : index
    %get3A_145 = tpu.vector_load %arg6[%get3A_144] {strides = array<i32>} : memref<2048xf32, #tpu.memory_space<vmem>>, vector<16xf32>,
    %get3A_146 = vector.shape_cast %get3A_145 : vector<16xf32> to vector<16xf32>
    %add3A_147 = arith.addf %get3A_146, %broadcast_in_dim3A : vector<16xf32>
    %get3A_148 = arith.constant 48 : index
    %get3A_149 = tpu.vector_load %arg7[%get3A_148] {strides = array<i32>} : memref<2048xi32, #tpu.memory_space<vmem>>, vector<16xi32>,
    %get3A_150 = vector.shape_cast %get3A_149 : vector<16xi32> to vector<16xi32>
    %convert_element_type3A_151 = arith.sitofp %get3A_150 : vector<16xi32> to vector<16xf32>
    %mul3A_152 = arith.mulf %add3A_147, %convert_element_type3A_151 : vector<16xf32>
    %swap3A_153 = arith.constant 48 : index
    %swap3A_154 = tpu.vector_load %arg6[%swap3A_153] {strides = array<i32>} : memref<2048xf32, #tpu.memory_space<vmem>>, vector<16xf32>,
    %swap3A_155 = vector.shape_cast %swap3A_154 : vector<16xf32> to vector<16xf32>
    %swap3A_156 = vector.shape_cast %mul3A_152 : vector<16xf32> to vector<16xf32>
    tpu.vector_store %arg6[%swap3A_153], %swap3A_156 {strides = array<i32>} : memref<2048xf32, #tpu.memory_space<vmem>>, vector<16xf32>,
    %get3A_157 = arith.constant 64 : index
    %get3A_158 = tpu.vector_load %arg6[%get3A_157] {strides = array<i32>} : memref<2048xf32, #tpu.memory_space<vmem>>, vector<16xf32>,
    %get3A_159 = vector.shape_cast %get3A_158 : vector<16xf32> to vector<16xf32>
    %add3A_160 = arith.addf %get3A_159, %broadcast_in_dim3A : vector<16xf32>
    %get3A_161 = arith.constant 64 : index
    %get3A_162 = tpu.vector_load %arg7[%get3A_161] {strides = array<i32>} : memref<2048xi32, #tpu.memory_space<vmem>>, vector<16xi32>,
    %get3A_163 = vector.shape_cast %get3A_162 : vector<16xi32> to vector<16xi32>
    %convert_element_type3A_164 = arith.sitofp %get3A_163 : vector<16xi32> to vector<16xf32>
    %mul3A_165 = arith.mulf %add3A_160, %convert_element_type3A_164 : vector<16xf32>
    %swap3A_166 = arith.constant 64 : index
    %swap3A_167 = tpu.vector_load %arg6[%swap3A_166] {strides = array<i32>} : memref<2048xf32, #tpu.memory_space<vmem>>, vector<16xf32>,
    %swap3A_168 = vector.shape_cast %swap3A_167 : vector<16xf32> to vector<16xf32>
    %swap3A_169 = vector.shape_cast %mul3A_165 : vector<16xf32> to vector<16xf32>
    tpu.vector_store %arg6[%swap3A_166], %swap3A_169 {strides = array<i32>} : memref<2048xf32, #tpu.memory_space<vmem>>, vector<16xf32>,
    %get3A_170 = arith.constant 80 : index
    %get3A_171 = tpu.vector_load %arg6[%get3A_170] {strides = array<i32>} : memref<2048xf32, #tpu.memory_space<vmem>>, vector<16xf32>,
    %get3A_172 = vector.shape_cast %get3A_171 : vector<16xf32> to vector<16xf32>
    %add3A_173 = arith.addf %get3A_172, %broadcast_in_dim3A : vector<16xf32>
    %get3A_174 = arith.constant 80 : index
    %get3A_175 = tpu.vector_load %arg7[%get3A_174] {strides = array<i32>} : memref<2048xi32, #tpu.memory_space<vmem>>, vector<16xi32>,
    %get3A_176 = vector.shape_cast %get3A_175 : vector<16xi32> to vector<16xi32>
    %convert_element_type3A_177 = arith.sitofp %get3A_176 : vector<16xi32> to vector<16xf32>
    %mul3A_178 = arith.mulf %add3A_173, %convert_element_type3A_177 : vector<16xf32>
    %swap3A_179 = arith.constant 80 : index
    %swap3A_180 = tpu.vector_load %arg6[%swap3A_179] {strides = array<i32>} : memref<2048xf32, #tpu.memory_space<vmem>>, vector<16xf32>,
    %swap3A_181 = vector.shape_cast %swap3A_180 : vector<16xf32> to vector<16xf32>
    %swap3A_182 = vector.shape_cast %mul3A_178 : vector<16xf32> to vector<16xf32>
    tpu.vector_store %arg6[%swap3A_179], %swap3A_182 {strides = array<i32>} : memref<2048xf32, #tpu.memory_space<vmem>>, vector<16xf32>,
    %get3A_183 = arith.constant 96 : index
    %get3A_184 = tpu.vector_load %arg6[%get3A_183] {strides = array<i32>} : memref<2048xf32, #tpu.memory_space<vmem>>, vector<16xf32>,
    %get3A_185 = vector.shape_cast %get3A_184 : vector<16xf32> to vector<16xf32>
    %add3A_186 = arith.addf %get3A_185, %broadcast_in_dim3A : vector<16xf32>
    %get3A_187 = arith.constant 96 : index
    %get3A_188 = tpu.vector_load %arg7[%get3A_187] {strides = array<i32>} : memref<2048xi32, #tpu.memory_space<vmem>>, vector<16xi32>,
    %get3A_189 = vector.shape_cast %get3A_188 : vector<16xi32> to vector<16xi32>
    %convert_element_type3A_190 = arith.sitofp %get3A_189 : vector<16xi32> to vector<16xf32>
    %mul3A_191 = arith.mulf %add3A_186, %convert_element_type3A_190 : vector<16xf32>
    %swap3A_192 = arith.constant 96 : index
    %swap3A_193 = tpu.vector_load %arg6[%swap3A_192] {strides = array<i32>} : memref<2048xf32, #tpu.memory_space<vmem>>, vector<16xf32>,
    %swap3A_194 = vector.shape_cast %swap3A_193 : vector<16xf32> to vector<16xf32>
    %swap3A_195 = vector.shape_cast %mul3A_191 : vector<16xf32> to vector<16xf32>
    tpu.vector_store %arg6[%swap3A_192], %swap3A_195 {strides = array<i32>} : memref<2048xf32, #tpu.memory_space<vmem>>, vector<16xf32>,
    %get3A_196 = arith.constant 112 : index
    %get3A_197 = tpu.vector_load %arg6[%get3A_196] {strides = array<i32>} : memref<2048xf32, #tpu.memory_space<vmem>>, vector<16xf32>,
    %get3A_198 = vector.shape_cast %get3A_197 : vector<16xf32> to vector<16xf32>
    %add3A_199 = arith.addf %get3A_198, %broadcast_in_dim3A : vector<16xf32>
    %get3A_200 = arith.constant 112 : index
    %get3A_201 = tpu.vector_load %arg7[%get3A_200] {strides = array<i32>} : memref<2048xi32, #tpu.memory_space<vmem>>, vector<16xi32>,
    %get3A_202 = vector.shape_cast %get3A_201 : vector<16xi32> to vector<16xi32>
    %convert_element_type3A_203 = arith.sitofp %get3A_202 : vector<16xi32> to vector<16xf32>
    %mul3A_204 = arith.mulf %add3A_199, %convert_element_type3A_203 : vector<16xf32>
    %swap3A_205 = arith.constant 112 : index
    %swap3A_206 = tpu.vector_load %arg6[%swap3A_205] {strides = array<i32>} : memref<2048xf32, #tpu.memory_space<vmem>>, vector<16xf32>,
    %swap3A_207 = vector.shape_cast %swap3A_206 : vector<16xf32> to vector<16xf32>
    %swap3A_208 = vector.shape_cast %mul3A_204 : vector<16xf32> to vector<16xf32>
    tpu.vector_store %arg6[%swap3A_205], %swap3A_208 {strides = array<i32>} : memref<2048xf32, #tpu.memory_space<vmem>>, vector<16xf32>,
    %get3A_209 = arith.constant 128 : index
    %get3A_210 = tpu.vector_load %arg6[%get3A_209] {strides = array<i32>} : memref<2048xf32, #tpu.memory_space<vmem>>, vector<16xf32>,
    %get3A_211 = vector.shape_cast %get3A_210 : vector<16xf32> to vector<16xf32>
    %add3A_212 = arith.addf %get3A_211, %broadcast_in_dim3A : vector<16xf32>
    %get3A_213 = arith.constant 128 : index
    %get3A_214 = tpu.vector_load %arg7[%get3A_213] {strides = array<i32>} : memref<2048xi32, #tpu.memory_space<vmem>>, vector<16xi32>,
    %get3A_215 = vector.shape_cast %get3A_214 : vector<16xi32> to vector<16xi32>
    %convert_element_type3A_216 = arith.sitofp %get3A_215 : vector<16xi32> to vector<16xf32>
    %mul3A_217 = arith.mulf %add3A_212, %convert_element_type3A_216 : vector<16xf32>
    %swap3A_218 = arith.constant 128 : index
    %swap3A_219 = tpu.vector_load %arg6[%swap3A_218] {strides = array<i32>} : memref<2048xf32, #tpu.memory_space<vmem>>, vector<16xf32>,
    %swap3A_220 = vector.shape_cast %swap3A_219 : vector<16xf32> to vector<16xf32>
    %swap3A_221 = vector.shape_cast %mul3A_217 : vector<16xf32> to vector<16xf32>
    tpu.vector_store %arg6[%swap3A_218], %swap3A_221 {strides = array<i32>} : memref<2048xf32, #tpu.memory_space<vmem>>, vector<16xf32>,
    %get3A_222 = arith.constant 144 : index
    %get3A_223 = tpu.vector_load %arg6[%get3A_222] {strides = array<i32>} : memref<2048xf32, #tpu.memory_space<vmem>>, vector<16xf32>,
    %get3A_224 = vector.shape_cast %get3A_223 : vector<16xf32> to vector<16xf32>
    %add3A_225 = arith.addf %get3A_224, %broadcast_in_dim3A : vector<16xf32>
    %get3A_226 = arith.constant 144 : index
    %get3A_227 = tpu.vector_load %arg7[%get3A_226] {strides = array<i32>} : memref<2048xi32, #tpu.memory_space<vmem>>, vector<16xi32>,
    %get3A_228 = vector.shape_cast %get3A_227 : vector<16xi32> to vector<16xi32>
    %convert_element_type3A_229 = arith.sitofp %get3A_228 : vector<16xi32> to vector<16xf32>
    %mul3A_230 = arith.mulf %add3A_225, %convert_element_type3A_229 : vector<16xf32>
    %swap3A_231 = arith.constant 144 : index
    %swap3A_232 = tpu.vector_load %arg6[%swap3A_231] {strides = array<i32>} : memref<2048xf32, #tpu.memory_space<vmem>>, vector<16xf32>,
    %swap3A_233 = vector.shape_cast %swap3A_232 : vector<16xf32> to vector<16xf32>
    %swap3A_234 = vector.shape_cast %mul3A_230 : vector<16xf32> to vector<16xf32>
    tpu.vector_store %arg6[%swap3A_231], %swap3A_234 {strides = array<i32>} : memref<2048xf32, #tpu.memory_space<vmem>>, vector<16xf32>,
    %get3A_235 = arith.constant 160 : index
    %get3A_236 = tpu.vector_load %arg6[%get3A_235] {strides = array<i32>} : memref<2048xf32, #tpu.memory_space<vmem>>, vector<16xf32>,
    %get3A_237 = vector.shape_cast %get3A_236 : vector<16xf32> to vector<16xf32>
    %add3A_238 = arith.addf %get3A_237, %broadcast_in_dim3A : vector<16xf32>
    %get3A_239 = arith.constant 160 : index
    %get3A_240 = tpu.vector_load %arg7[%get3A_239] {strides = array<i32>} : memref<2048xi32, #tpu.memory_space<vmem>>, vector<16xi32>,
    %get3A_241 = vector.shape_cast %get3A_240 : vector<16xi32> to vector<16xi32>
    %convert_element_type3A_242 = arith.sitofp %get3A_241 : vector<16xi32> to vector<16xf32>
    %mul3A_243 = arith.mulf %add3A_238, %convert_element_type3A_242 : vector<16xf32>
    %swap3A_244 = arith.constant 160 : index
    %swap3A_245 = tpu.vector_load %arg6[%swap3A_244] {strides = array<i32>} : memref<2048xf32, #tpu.memory_space<vmem>>, vector<16xf32>,
    %swap3A_246 = vector.shape_cast %swap3A_245 : vector<16xf32> to vector<16xf32>
    %swap3A_247 = vector.shape_cast %mul3A_243 : vector<16xf32> to vector<16xf32>
    tpu.vector_store %arg6[%swap3A_244], %swap3A_247 {strides = array<i32>} : memref<2048xf32, #tpu.memory_space<vmem>>, vector<16xf32>,
    %get3A_248 = arith.constant 176 : index
    %get3A_249 = tpu.vector_load %arg6[%get3A_248] {strides = array<i32>} : memref<2048xf32, #tpu.memory_space<vmem>>, vector<16xf32>,
    %get3A_250 = vector.shape_cast %get3A_249 : vector<16xf32> to vector<16xf32>
    %add3A_251 = arith.addf %get3A_250, %broadcast_in_dim3A : vector<16xf32>
    %get3A_252 = arith.constant 176 : index
    %get3A_253 = tpu.vector_load %arg7[%get3A_252] {strides = array<i32>} : memref<2048xi32, #tpu.memory_space<vmem>>, vector<16xi32>,
    %get3A_254 = vector.shape_cast %get3A_253 : vector<16xi32> to vector<16xi32>
    %convert_element_type3A_255 = arith.sitofp %get3A_254 : vector<16xi32> to vector<16xf32>
    %mul3A_256 = arith.mulf %add3A_251, %convert_element_type3A_255 : vector<16xf32>
    %swap3A_257 = arith.constant 176 : index
    %swap3A_258 = tpu.vector_load %arg6[%swap3A_257] {strides = array<i32>} : memref<2048xf32, #tpu.memory_space<vmem>>, vector<16xf32>,
    %swap3A_259 = vector.shape_cast %swap3A_258 : vector<16xf32> to vector<16xf32>
    %swap3A_260 = vector.shape_cast %mul3A_256 : vector<16xf32> to vector<16xf32>
    tpu.vector_store %arg6[%swap3A_257], %swap3A_260 {strides = array<i32>} : memref<2048xf32, #tpu.memory_space<vmem>>, vector<16xf32>,
    %get3A_261 = arith.constant 192 : index
    %get3A_262 = tpu.vector_load %arg6[%get3A_261] {strides = array<i32>} : memref<2048xf32, #tpu.memory_space<vmem>>, vector<16xf32>,
    %get3A_263 = vector.shape_cast %get3A_262 : vector<16xf32> to vector<16xf32>
    %add3A_264 = arith.addf %get3A_263, %broadcast_in_dim3A : vector<16xf32>
    %get3A_265 = arith.constant 192 : index
    %get3A_266 = tpu.vector_load %arg7[%get3A_265] {strides = array<i32>} : memref<2048xi32, #tpu.memory_space<vmem>>, vector<16xi32>,
    %get3A_267 = vector.shape_cast %get3A_266 : vector<16xi32> to vector<16xi32>
    %convert_element_type3A_268 = arith.sitofp %get3A_267 : vector<16xi32> to vector<16xf32>
    %mul3A_269 = arith.mulf %add3A_264, %convert_element_type3A_268 : vector<16xf32>
    %swap3A_270 = arith.constant 192 : index
    %swap3A_271 = tpu.vector_load %arg6[%swap3A_270] {strides = array<i32>} : memref<2048xf32, #tpu.memory_space<vmem>>, vector<16xf32>,
    %swap3A_272 = vector.shape_cast %swap3A_271 : vector<16xf32> to vector<16xf32>
    %swap3A_273 = vector.shape_cast %mul3A_269 : vector<16xf32> to vector<16xf32>
    tpu.vector_store %arg6[%swap3A_270], %swap3A_273 {strides = array<i32>} : memref<2048xf32, #tpu.memory_space<vmem>>, vector<16xf32>,
    %get3A_274 = arith.constant 208 : index
    %get3A_275 = tpu.vector_load %arg6[%get3A_274] {strides = array<i32>} : memref<2048xf32, #tpu.memory_space<vmem>>, vector<16xf32>,
    %get3A_276 = vector.shape_cast %get3A_275 : vector<16xf32> to vector<16xf32>
    %add3A_277 = arith.addf %get3A_276, %broadcast_in_dim3A : vector<16xf32>
    %get3A_278 = arith.constant 208 : index
    %get3A_279 = tpu.vector_load %arg7[%get3A_278] {strides = array<i32>} : memref<2048xi32, #tpu.memory_space<vmem>>, vector<16xi32>,
    %get3A_280 = vector.shape_cast %get3A_279 : vector<16xi32> to vector<16xi32>
    %convert_element_type3A_281 = arith.sitofp %get3A_280 : vector<16xi32> to vector<16xf32>
    %mul3A_282 = arith.mulf %add3A_277, %convert_element_type3A_281 : vector<16xf32>
    %swap3A_283 = arith.constant 208 : index
    %swap3A_284 = tpu.vector_load %arg6[%swap3A_283] {strides = array<i32>} : memref<2048xf32, #tpu.memory_space<vmem>>, vector<16xf32>,
    %swap3A_285 = vector.shape_cast %swap3A_284 : vector<16xf32> to vector<16xf32>
    %swap3A_286 = vector.shape_cast %mul3A_282 : vector<16xf32> to vector<16xf32>
    tpu.vector_store %arg6[%swap3A_283], %swap3A_286 {strides = array<i32>} : memref<2048xf32, #tpu.memory_space<vmem>>, vector<16xf32>,
    %get3A_287 = arith.constant 224 : index
    %get3A_288 = tpu.vector_load %arg6[%get3A_287] {strides = array<i32>} : memref<2048xf32, #tpu.memory_space<vmem>>, vector<16xf32>,
    %get3A_289 = vector.shape_cast %get3A_288 : vector<16xf32> to vector<16xf32>
    %add3A_290 = arith.addf %get3A_289, %broadcast_in_dim3A : vector<16xf32>
    %get3A_291 = arith.constant 224 : index
    %get3A_292 = tpu.vector_load %arg7[%get3A_291] {strides = array<i32>} : memref<2048xi32, #tpu.memory_space<vmem>>, vector<16xi32>,
    %get3A_293 = vector.shape_cast %get3A_292 : vector<16xi32> to vector<16xi32>
    %convert_element_type3A_294 = arith.sitofp %get3A_293 : vector<16xi32> to vector<16xf32>
    %mul3A_295 = arith.mulf %add3A_290, %convert_element_type3A_294 : vector<16xf32>
    %swap3A_296 = arith.constant 224 : index
    %swap3A_297 = tpu.vector_load %arg6[%swap3A_296] {strides = array<i32>} : memref<2048xf32, #tpu.memory_space<vmem>>, vector<16xf32>,
    %swap3A_298 = vector.shape_cast %swap3A_297 : vector<16xf32> to vector<16xf32>
    %swap3A_299 = vector.shape_cast %mul3A_295 : vector<16xf32> to vector<16xf32>
    tpu.vector_store %arg6[%swap3A_296], %swap3A_299 {strides = array<i32>} : memref<2048xf32, #tpu.memory_space<vmem>>, vector<16xf32>,
    %get3A_300 = arith.constant 240 : index
    %get3A_301 = tpu.vector_load %arg6[%get3A_300] {strides = array<i32>} : memref<2048xf32, #tpu.memory_space<vmem>>, vector<16xf32>,
    %get3A_302 = vector.shape_cast %get3A_301 : vector<16xf32> to vector<16xf32>
    %add3A_303 = arith.addf %get3A_302, %broadcast_in_dim3A : vector<16xf32>
    %get3A_304 = arith.constant 240 : index
    %get3A_305 = tpu.vector_load %arg7[%get3A_304] {strides = array<i32>} : memref<2048xi32, #tpu.memory_space<vmem>>, vector<16xi32>,
    %get3A_306 = vector.shape_cast %get3A_305 : vector<16xi32> to vector<16xi32>
    %convert_element_type3A_307 = arith.sitofp %get3A_306 : vector<16xi32> to vector<16xf32>
    %mul3A_308 = arith.mulf %add3A_303, %convert_element_type3A_307 : vector<16xf32>
    %swap3A_309 = arith.constant 240 : index
    %swap3A_310 = tpu.vector_load %arg6[%swap3A_309] {strides = array<i32>} : memref<2048xf32, #tpu.memory_space<vmem>>, vector<16xf32>,
    %swap3A_311 = vector.shape_cast %swap3A_310 : vector<16xf32> to vector<16xf32>
    %swap3A_312 = vector.shape_cast %mul3A_308 : vector<16xf32> to vector<16xf32>
    tpu.vector_store %arg6[%swap3A_309], %swap3A_312 {strides = array<i32>} : memref<2048xf32, #tpu.memory_space<vmem>>, vector<16xf32>,
    %get3A_313 = arith.constant 256 : index
    %get3A_314 = tpu.vector_load %arg6[%get3A_313] {strides = array<i32>} : memref<2048xf32, #tpu.memory_space<vmem>>, vector<16xf32>,
    %get3A_315 = vector.shape_cast %get3A_314 : vector<16xf32> to vector<16xf32>
    %add3A_316 = arith.addf %get3A_315, %broadcast_in_dim3A : vector<16xf32>
    %get3A_317 = arith.constant 256 : index
    %get3A_318 = tpu.vector_load %arg7[%get3A_317] {strides = array<i32>} : memref<2048xi32, #tpu.memory_space<vmem>>, vector<16xi32>,
    %get3A_319 = vector.shape_cast %get3A_318 : vector<16xi32> to vector<16xi32>
    %convert_element_type3A_320 = arith.sitofp %get3A_319 : vector<16xi32> to vector<16xf32>
    %mul3A_321 = arith.mulf %add3A_316, %convert_element_type3A_320 : vector<16xf32>
    %swap3A_322 = arith.constant 256 : index
    %swap3A_323 = tpu.vector_load %arg6[%swap3A_322] {strides = array<i32>} : memref<2048xf32, #tpu.memory_space<vmem>>, vector<16xf32>,
    %swap3A_324 = vector.shape_cast %swap3A_323 : vector<16xf32> to vector<16xf32>
    %swap3A_325 = vector.shape_cast %mul3A_321 : vector<16xf32> to vector<16xf32>
    tpu.vector_store %arg6[%swap3A_322], %swap3A_325 {strides = array<i32>} : memref<2048xf32, #tpu.memory_space<vmem>>, vector<16xf32>,
    %get3A_326 = arith.constant 272 : index
    %get3A_327 = tpu.vector_load %arg6[%get3A_326] {strides = array<i32>} : memref<2048xf32, #tpu.memory_space<vmem>>, vector<16xf32>,
    %get3A_328 = vector.shape_cast %get3A_327 : vector<16xf32> to vector<16xf32>
    %add3A_329 = arith.addf %get3A_328, %broadcast_in_dim3A : vector<16xf32>
    %get3A_330 = arith.constant 272 : index
    %get3A_331 = tpu.vector_load %arg7[%get3A_330] {strides = array<i32>} : memref<2048xi32, #tpu.memory_space<vmem>>, vector<16xi32>,
    %get3A_332 = vector.shape_cast %get3A_331 : vector<16xi32> to vector<16xi32>
    %convert_element_type3A_333 = arith.sitofp %get3A_332 : vector<16xi32> to vector<16xf32>
    %mul3A_334 = arith.mulf %add3A_329, %convert_element_type3A_333 : vector<16xf32>
    %swap3A_335 = arith.constant 272 : index
    %swap3A_336 = tpu.vector_load %arg6[%swap3A_335] {strides = array<i32>} : memref<2048xf32, #tpu.memory_space<vmem>>, vector<16xf32>,
    %swap3A_337 = vector.shape_cast %swap3A_336 : vector<16xf32> to vector<16xf32>
    %swap3A_338 = vector.shape_cast %mul3A_334 : vector<16xf32> to vector<16xf32>
    tpu.vector_store %arg6[%swap3A_335], %swap3A_338 {strides = array<i32>} : memref<2048xf32, #tpu.memory_space<vmem>>, vector<16xf32>,
    %get3A_339 = arith.constant 288 : index
    %get3A_340 = tpu.vector_load %arg6[%get3A_339] {strides = array<i32>} : memref<2048xf32, #tpu.memory_space<vmem>>, vector<16xf32>,
    %get3A_341 = vector.shape_cast %get3A_340 : vector<16xf32> to vector<16xf32>
    %add3A_342 = arith.addf %get3A_341, %broadcast_in_dim3A : vector<16xf32>
    %get3A_343 = arith.constant 288 : index
    %get3A_344 = tpu.vector_load %arg7[%get3A_343] {strides = array<i32>} : memref<2048xi32, #tpu.memory_space<vmem>>, vector<16xi32>,
    %get3A_345 = vector.shape_cast %get3A_344 : vector<16xi32> to vector<16xi32>
    %convert_element_type3A_346 = arith.sitofp %get3A_345 : vector<16xi32> to vector<16xf32>
    %mul3A_347 = arith.mulf %add3A_342, %convert_element_type3A_346 : vector<16xf32>
    %swap3A_348 = arith.constant 288 : index
    %swap3A_349 = tpu.vector_load %arg6[%swap3A_348] {strides = array<i32>} : memref<2048xf32, #tpu.memory_space<vmem>>, vector<16xf32>,
    %swap3A_350 = vector.shape_cast %swap3A_349 : vector<16xf32> to vector<16xf32>
    %swap3A_351 = vector.shape_cast %mul3A_347 : vector<16xf32> to vector<16xf32>
    tpu.vector_store %arg6[%swap3A_348], %swap3A_351 {strides = array<i32>} : memref<2048xf32, #tpu.memory_space<vmem>>, vector<16xf32>,
    %get3A_352 = arith.constant 304 : index
    %get3A_353 = tpu.vector_load %arg6[%get3A_352] {strides = array<i32>} : memref<2048xf32, #tpu.memory_space<vmem>>, vector<16xf32>,
    %get3A_354 = vector.shape_cast %get3A_353 : vector<16xf32> to vector<16xf32>
    %add3A_355 = arith.addf %get3A_354, %broadcast_in_dim3A : vector<16xf32>
    %get3A_356 = arith.constant 304 : index
    %get3A_357 = tpu.vector_load %arg7[%get3A_356] {strides = array<i32>} : memref<2048xi32, #tpu.memory_space<vmem>>, vector<16xi32>,
    %get3A_358 = vector.shape_cast %get3A_357 : vector<16xi32> to vector<16xi32>
    %convert_element_type3A_359 = arith.sitofp %get3A_358 : vector<16xi32> to vector<16xf32>
    %mul3A_360 = arith.mulf %add3A_355, %convert_element_type3A_359 : vector<16xf32>
    %swap3A_361 = arith.constant 304 : index
    %swap3A_362 = tpu.vector_load %arg6[%swap3A_361] {strides = array<i32>} : memref<2048xf32, #tpu.memory_space<vmem>>, vector<16xf32>,
    %swap3A_363 = vector.shape_cast %swap3A_362 : vector<16xf32> to vector<16xf32>
    %swap3A_364 = vector.shape_cast %mul3A_360 : vector<16xf32> to vector<16xf32>
    tpu.vector_store %arg6[%swap3A_361], %swap3A_364 {strides = array<i32>} : memref<2048xf32, #tpu.memory_space<vmem>>, vector<16xf32>,
    %get3A_365 = arith.constant 320 : index
    %get3A_366 = tpu.vector_load %arg6[%get3A_365] {strides = array<i32>} : memref<2048xf32, #tpu.memory_space<vmem>>, vector<16xf32>,
    %get3A_367 = vector.shape_cast %get3A_366 : vector<16xf32> to vector<16xf32>
    %add3A_368 = arith.addf %get3A_367, %broadcast_in_dim3A : vector<16xf32>
    %get3A_369 = arith.constant 320 : index
    %get3A_370 = tpu.vector_load %arg7[%get3A_369] {strides = array<i32>} : memref<2048xi32, #tpu.memory_space<vmem>>, vector<16xi32>,
    %get3A_371 = vector.shape_cast %get3A_370 : vector<16xi32> to vector<16xi32>
    %convert_element_type3A_372 = arith.sitofp %get3A_371 : vector<16xi32> to vector<16xf32>
    %mul3A_373 = arith.mulf %add3A_368, %convert_element_type3A_372 : vector<16xf32>
    %swap3A_374 = arith.constant 320 : index
    %swap3A_375 = tpu.vector_load %arg6[%swap3A_374] {strides = array<i32>} : memref<2048xf32, #tpu.memory_space<vmem>>, vector<16xf32>,
    %swap3A_376 = vector.shape_cast %swap3A_375 : vector<16xf32> to vector<16xf32>
    %swap3A_377 = vector.shape_cast %mul3A_373 : vector<16xf32> to vector<16xf32>
    tpu.vector_store %arg6[%swap3A_374], %swap3A_377 {strides = array<i32>} : memref<2048xf32, #tpu.memory_space<vmem>>, vector<16xf32>,
    %get3A_378 = arith.constant 336 : index
    %get3A_379 = tpu.vector_load %arg6[%get3A_378] {strides = array<i32>} : memref<2048xf32, #tpu.memory_space<vmem>>, vector<16xf32>,
    %get3A_380 = vector.shape_cast %get3A_379 : vector<16xf32> to vector<16xf32>
    %add3A_381 = arith.addf %get3A_380, %broadcast_in_dim3A : vector<16xf32>
    %get3A_382 = arith.constant 336 : index
    %get3A_383 = tpu.vector_load %arg7[%get3A_382] {strides = array<i32>} : memref<2048xi32, #tpu.memory_space<vmem>>, vector<16xi32>,
    %get3A_384 = vector.shape_cast %get3A_383 : vector<16xi32> to vector<16xi32>
    %convert_element_type3A_385 = arith.sitofp %get3A_384 : vector<16xi32> to vector<16xf32>
    %mul3A_386 = arith.mulf %add3A_381, %convert_element_type3A_385 : vector<16xf32>
    %swap3A_387 = arith.constant 336 : index
    %swap3A_388 = tpu.vector_load %arg6[%swap3A_387] {strides = array<i32>} : memref<2048xf32, #tpu.memory_space<vmem>>, vector<16xf32>,
    %swap3A_389 = vector.shape_cast %swap3A_388 : vector<16xf32> to vector<16xf32>
    %swap3A_390 = vector.shape_cast %mul3A_386 : vector<16xf32> to vector<16xf32>
    tpu.vector_store %arg6[%swap3A_387], %swap3A_390 {strides = array<i32>} : memref<2048xf32, #tpu.memory_space<vmem>>, vector<16xf32>,
    %get3A_391 = arith.constant 352 : index
    %get3A_392 = tpu.vector_load %arg6[%get3A_391] {strides = array<i32>} : memref<2048xf32, #tpu.memory_space<vmem>>, vector<16xf32>,
    %get3A_393 = vector.shape_cast %get3A_392 : vector<16xf32> to vector<16xf32>
    %add3A_394 = arith.addf %get3A_393, %broadcast_in_dim3A : vector<16xf32>
    %get3A_395 = arith.constant 352 : index
    %get3A_396 = tpu.vector_load %arg7[%get3A_395] {strides = array<i32>} : memref<2048xi32, #tpu.memory_space<vmem>>, vector<16xi32>,
    %get3A_397 = vector.shape_cast %get3A_396 : vector<16xi32> to vector<16xi32>
    %convert_element_type3A_398 = arith.sitofp %get3A_397 : vector<16xi32> to vector<16xf32>
    %mul3A_399 = arith.mulf %add3A_394, %convert_element_type3A_398 : vector<16xf32>
    %swap3A_400 = arith.constant 352 : index
    %swap3A_401 = tpu.vector_load %arg6[%swap3A_400] {strides = array<i32>} : memref<2048xf32, #tpu.memory_space<vmem>>, vector<16xf32>,
    %swap3A_402 = vector.shape_cast %swap3A_401 : vector<16xf32> to vector<16xf32>
    %swap3A_403 = vector.shape_cast %mul3A_399 : vector<16xf32> to vector<16xf32>
    tpu.vector_store %arg6[%swap3A_400], %swap3A_403 {strides = array<i32>} : memref<2048xf32, #tpu.memory_space<vmem>>, vector<16xf32>,
    %get3A_404 = arith.constant 368 : index
    %get3A_405 = tpu.vector_load %arg6[%get3A_404] {strides = array<i32>} : memref<2048xf32, #tpu.memory_space<vmem>>, vector<16xf32>,
    %get3A_406 = vector.shape_cast %get3A_405 : vector<16xf32> to vector<16xf32>
    %add3A_407 = arith.addf %get3A_406, %broadcast_in_dim3A : vector<16xf32>
    %get3A_408 = arith.constant 368 : index
    %get3A_409 = tpu.vector_load %arg7[%get3A_408] {strides = array<i32>} : memref<2048xi32, #tpu.memory_space<vmem>>, vector<16xi32>,
    %get3A_410 = vector.shape_cast %get3A_409 : vector<16xi32> to vector<16xi32>
    %convert_element_type3A_411 = arith.sitofp %get3A_410 : vector<16xi32> to vector<16xf32>
    %mul3A_412 = arith.mulf %add3A_407, %convert_element_type3A_411 : vector<16xf32>
    %swap3A_413 = arith.constant 368 : index
    %swap3A_414 = tpu.vector_load %arg6[%swap3A_413] {strides = array<i32>} : memref<2048xf32, #tpu.memory_space<vmem>>, vector<16xf32>,
    %swap3A_415 = vector.shape_cast %swap3A_414 : vector<16xf32> to vector<16xf32>
    %swap3A_416 = vector.shape_cast %mul3A_412 : vector<16xf32> to vector<16xf32>
    tpu.vector_store %arg6[%swap3A_413], %swap3A_416 {strides = array<i32>} : memref<2048xf32, #tpu.memory_space<vmem>>, vector<16xf32>,
    %get3A_417 = arith.constant 384 : index
    %get3A_418 = tpu.vector_load %arg6[%get3A_417] {strides = array<i32>} : memref<2048xf32, #tpu.memory_space<vmem>>, vector<16xf32>,
    %get3A_419 = vector.shape_cast %get3A_418 : vector<16xf32> to vector<16xf32>
    %add3A_420 = arith.addf %get3A_419, %broadcast_in_dim3A : vector<16xf32>
    %get3A_421 = arith.constant 384 : index
    %get3A_422 = tpu.vector_load %arg7[%get3A_421] {strides = array<i32>} : memref<2048xi32, #tpu.memory_space<vmem>>, vector<16xi32>,
    %get3A_423 = vector.shape_cast %get3A_422 : vector<16xi32> to vector<16xi32>
    %convert_element_type3A_424 = arith.sitofp %get3A_423 : vector<16xi32> to vector<16xf32>
    %mul3A_425 = arith.mulf %add3A_420, %convert_element_type3A_424 : vector<16xf32>
    %swap3A_426 = arith.constant 384 : index
    %swap3A_427 = tpu.vector_load %arg6[%swap3A_426] {strides = array<i32>} : memref<2048xf32, #tpu.memory_space<vmem>>, vector<16xf32>,
    %swap3A_428 = vector.shape_cast %swap3A_427 : vector<16xf32> to vector<16xf32>
    %swap3A_429 = vector.shape_cast %mul3A_425 : vector<16xf32> to vector<16xf32>
    tpu.vector_store %arg6[%swap3A_426], %swap3A_429 {strides = array<i32>} : memref<2048xf32, #tpu.memory_space<vmem>>, vector<16xf32>,
    %get3A_430 = arith.constant 400 : index
    %get3A_431 = tpu.vector_load %arg6[%get3A_430] {strides = array<i32>} : memref<2048xf32, #tpu.memory_space<vmem>>, vector<16xf32>,
    %get3A_432 = vector.shape_cast %get3A_431 : vector<16xf32> to vector<16xf32>
    %add3A_433 = arith.addf %get3A_432, %broadcast_in_dim3A : vector<16xf32>
    %get3A_434 = arith.constant 400 : index
    %get3A_435 = tpu.vector_load %arg7[%get3A_434] {strides = array<i32>} : memref<2048xi32, #tpu.memory_space<vmem>>, vector<16xi32>,
    %get3A_436 = vector.shape_cast %get3A_435 : vector<16xi32> to vector<16xi32>
    %convert_element_type3A_437 = arith.sitofp %get3A_436 : vector<16xi32> to vector<16xf32>
    %mul3A_438 = arith.mulf %add3A_433, %convert_element_type3A_437 : vector<16xf32>
    %swap3A_439 = arith.constant 400 : index
    %swap3A_440 = tpu.vector_load %arg6[%swap3A_439] {strides = array<i32>} : memref<2048xf32, #tpu.memory_space<vmem>>, vector<16xf32>,
    %swap3A_441 = vector.shape_cast %swap3A_440 : vector<16xf32> to vector<16xf32>
    %swap3A_442 = vector.shape_cast %mul3A_438 : vector<16xf32> to vector<16xf32>
    tpu.vector_store %arg6[%swap3A_439], %swap3A_442 {strides = array<i32>} : memref<2048xf32, #tpu.memory_space<vmem>>, vector<16xf32>,
    %get3A_443 = arith.constant 416 : index
    %get3A_444 = tpu.vector_load %arg6[%get3A_443] {strides = array<i32>} : memref<2048xf32, #tpu.memory_space<vmem>>, vector<16xf32>,
    %get3A_445 = vector.shape_cast %get3A_444 : vector<16xf32> to vector<16xf32>
    %add3A_446 = arith.addf %get3A_445, %broadcast_in_dim3A : vector<16xf32>
    %get3A_447 = arith.constant 416 : index
    %get3A_448 = tpu.vector_load %arg7[%get3A_447] {strides = array<i32>} : memref<2048xi32, #tpu.memory_space<vmem>>, vector<16xi32>,
    %get3A_449 = vector.shape_cast %get3A_448 : vector<16xi32> to vector<16xi32>
    %convert_element_type3A_450 = arith.sitofp %get3A_449 : vector<16xi32> to vector<16xf32>
    %mul3A_451 = arith.mulf %add3A_446, %convert_element_type3A_450 : vector<16xf32>
    %swap3A_452 = arith.constant 416 : index
    %swap3A_453 = tpu.vector_load %arg6[%swap3A_452] {strides = array<i32>} : memref<2048xf32, #tpu.memory_space<vmem>>, vector<16xf32>,
    %swap3A_454 = vector.shape_cast %swap3A_453 : vector<16xf32> to vector<16xf32>
    %swap3A_455 = vector.shape_cast %mul3A_451 : vector<16xf32> to vector<16xf32>
    tpu.vector_store %arg6[%swap3A_452], %swap3A_455 {strides = array<i32>} : memref<2048xf32, #tpu.memory_space<vmem>>, vector<16xf32>,
    %get3A_456 = arith.constant 432 : index
    %get3A_457 = tpu.vector_load %arg6[%get3A_456] {strides = array<i32>} : memref<2048xf32, #tpu.memory_space<vmem>>, vector<16xf32>,
    %get3A_458 = vector.shape_cast %get3A_457 : vector<16xf32> to vector<16xf32>
    %add3A_459 = arith.addf %get3A_458, %broadcast_in_dim3A : vector<16xf32>
    %get3A_460 = arith.constant 432 : index
    %get3A_461 = tpu.vector_load %arg7[%get3A_460] {strides = array<i32>} : memref<2048xi32, #tpu.memory_space<vmem>>, vector<16xi32>,
    %get3A_462 = vector.shape_cast %get3A_461 : vector<16xi32> to vector<16xi32>
    %convert_element_type3A_463 = arith.sitofp %get3A_462 : vector<16xi32> to vector<16xf32>
    %mul3A_464 = arith.mulf %add3A_459, %convert_element_type3A_463 : vector<16xf32>
    %swap3A_465 = arith.constant 432 : index
    %swap3A_466 = tpu.vector_load %arg6[%swap3A_465] {strides = array<i32>} : memref<2048xf32, #tpu.memory_space<vmem>>, vector<16xf32>,
    %swap3A_467 = vector.shape_cast %swap3A_466 : vector<16xf32> to vector<16xf32>
    %swap3A_468 = vector.shape_cast %mul3A_464 : vector<16xf32> to vector<16xf32>
    tpu.vector_store %arg6[%swap3A_465], %swap3A_468 {strides = array<i32>} : memref<2048xf32, #tpu.memory_space<vmem>>, vector<16xf32>,
    %get3A_469 = arith.constant 448 : index
    %get3A_470 = tpu.vector_load %arg6[%get3A_469] {strides = array<i32>} : memref<2048xf32, #tpu.memory_space<vmem>>, vector<16xf32>,
    %get3A_471 = vector.shape_cast %get3A_470 : vector<16xf32> to vector<16xf32>
    %add3A_472 = arith.addf %get3A_471, %broadcast_in_dim3A : vector<16xf32>
    %get3A_473 = arith.constant 448 : index
    %get3A_474 = tpu.vector_load %arg7[%get3A_473] {strides = array<i32>} : memref<2048xi32, #tpu.memory_space<vmem>>, vector<16xi32>,
    %get3A_475 = vector.shape_cast %get3A_474 : vector<16xi32> to vector<16xi32>
    %convert_element_type3A_476 = arith.sitofp %get3A_475 : vector<16xi32> to vector<16xf32>
    %mul3A_477 = arith.mulf %add3A_472, %convert_element_type3A_476 : vector<16xf32>
    %swap3A_478 = arith.constant 448 : index
    %swap3A_479 = tpu.vector_load %arg6[%swap3A_478] {strides = array<i32>} : memref<2048xf32, #tpu.memory_space<vmem>>, vector<16xf32>,
    %swap3A_480 = vector.shape_cast %swap3A_479 : vector<16xf32> to vector<16xf32>
    %swap3A_481 = vector.shape_cast %mul3A_477 : vector<16xf32> to vector<16xf32>
    tpu.vector_store %arg6[%swap3A_478], %swap3A_481 {strides = array<i32>} : memref<2048xf32, #tpu.memory_space<vmem>>, vector<16xf32>,
    %get3A_482 = arith.constant 464 : index
    %get3A_483 = tpu.vector_load %arg6[%get3A_482] {strides = array<i32>} : memref<2048xf32, #tpu.memory_space<vmem>>, vector<16xf32>,
    %get3A_484 = vector.shape_cast %get3A_483 : vector<16xf32> to vector<16xf32>
    %add3A_485 = arith.addf %get3A_484, %broadcast_in_dim3A : vector<16xf32>
    %get3A_486 = arith.constant 464 : index
    %get3A_487 = tpu.vector_load %arg7[%get3A_486] {strides = array<i32>} : memref<2048xi32, #tpu.memory_space<vmem>>, vector<16xi32>,
    %get3A_488 = vector.shape_cast %get3A_487 : vector<16xi32> to vector<16xi32>
    %convert_element_type3A_489 = arith.sitofp %get3A_488 : vector<16xi32> to vector<16xf32>
    %mul3A_490 = arith.mulf %add3A_485, %convert_element_type3A_489 : vector<16xf32>
    %swap3A_491 = arith.constant 464 : index
    %swap3A_492 = tpu.vector_load %arg6[%swap3A_491] {strides = array<i32>} : memref<2048xf32, #tpu.memory_space<vmem>>, vector<16xf32>,
    %swap3A_493 = vector.shape_cast %swap3A_492 : vector<16xf32> to vector<16xf32>
    %swap3A_494 = vector.shape_cast %mul3A_490 : vector<16xf32> to vector<16xf32>
    tpu.vector_store %arg6[%swap3A_491], %swap3A_494 {strides = array<i32>} : memref<2048xf32, #tpu.memory_space<vmem>>, vector<16xf32>,
    %get3A_495 = arith.constant 480 : index
    %get3A_496 = tpu.vector_load %arg6[%get3A_495] {strides = array<i32>} : memref<2048xf32, #tpu.memory_space<vmem>>, vector<16xf32>,
    %get3A_497 = vector.shape_cast %get3A_496 : vector<16xf32> to vector<16xf32>
    %add3A_498 = arith.addf %get3A_497, %broadcast_in_dim3A : vector<16xf32>
    %get3A_499 = arith.constant 480 : index
    %get3A_500 = tpu.vector_load %arg7[%get3A_499] {strides = array<i32>} : memref<2048xi32, #tpu.memory_space<vmem>>, vector<16xi32>,
    %get3A_501 = vector.shape_cast %get3A_500 : vector<16xi32> to vector<16xi32>
    %convert_element_type3A_502 = arith.sitofp %get3A_501 : vector<16xi32> to vector<16xf32>
    %mul3A_503 = arith.mulf %add3A_498, %convert_element_type3A_502 : vector<16xf32>
    %swap3A_504 = arith.constant 480 : index
    %swap3A_505 = tpu.vector_load %arg6[%swap3A_504] {strides = array<i32>} : memref<2048xf32, #tpu.memory_space<vmem>>, vector<16xf32>,
    %swap3A_506 = vector.shape_cast %swap3A_505 : vector<16xf32> to vector<16xf32>
    %swap3A_507 = vector.shape_cast %mul3A_503 : vector<16xf32> to vector<16xf32>
    tpu.vector_store %arg6[%swap3A_504], %swap3A_507 {strides = array<i32>} : memref<2048xf32, #tpu.memory_space<vmem>>, vector<16xf32>,
    %get3A_508 = arith.constant 496 : index
    %get3A_509 = tpu.vector_load %arg6[%get3A_508] {strides = array<i32>} : memref<2048xf32, #tpu.memory_space<vmem>>, vector<16xf32>,
    %get3A_510 = vector.shape_cast %get3A_509 : vector<16xf32> to vector<16xf32>
    %add3A_511 = arith.addf %get3A_510, %broadcast_in_dim3A : vector<16xf32>
    %get3A_512 = arith.constant 496 : index
    %get3A_513 = tpu.vector_load %arg7[%get3A_512] {strides = array<i32>} : memref<2048xi32, #tpu.memory_space<vmem>>, vector<16xi32>,
    %get3A_514 = vector.shape_cast %get3A_513 : vector<16xi32> to vector<16xi32>
    %convert_element_type3A_515 = arith.sitofp %get3A_514 : vector<16xi32> to vector<16xf32>
    %mul3A_516 = arith.mulf %add3A_511, %convert_element_type3A_515 : vector<16xf32>
    %swap3A_517 = arith.constant 496 : index
    %swap3A_518 = tpu.vector_load %arg6[%swap3A_517] {strides = array<i32>} : memref<2048xf32, #tpu.memory_space<vmem>>, vector<16xf32>,
    %swap3A_519 = vector.shape_cast %swap3A_518 : vector<16xf32> to vector<16xf32>
    %swap3A_520 = vector.shape_cast %mul3A_516 : vector<16xf32> to vector<16xf32>
    tpu.vector_store %arg6[%swap3A_517], %swap3A_520 {strides = array<i32>} : memref<2048xf32, #tpu.memory_space<vmem>>, vector<16xf32>,
    %dma_start3A_521 = arith.constant 0 : i32
    %dma_start3A_522 = tpu.memref_slice %arg6[%dma_start3A_521] : memref<2048xf32, #tpu.memory_space<vmem>> -> memref<512xf32, #tpu.memory_space<vmem>>
    %dma_start3A_523 = arith.constant 0 : i32
    %dma_start3A_524 = tpu.memref_slice %arg5[%add3A, %dma_start3A_523] : memref<16x2048xf32, #tpu.memory_space<hbm>> -> memref<1x512xf32, #tpu.memory_space<hbm>>
    %dma_start3A_525 = tpu.memref_squeeze %dma_start3A_524 : memref<1x512xf32, #tpu.memory_space<hbm>> -> memref<512xf32, #tpu.memory_space<hbm>>
    %dma_start3A_526 = arith.constant 0 : i32
    %dma_start3A_527 = tpu.memref_slice %arg5[%add3A, %dma_start3A_526] : memref<16x2048xf32, #tpu.memory_space<hbm>> -> memref<1x512xf32, #tpu.memory_space<hbm>>
    %dma_start3A_528 = tpu.memref_squeeze %dma_start3A_527 : memref<1x512xf32, #tpu.memory_space<hbm>> -> memref<512xf32, #tpu.memory_space<hbm>>
    %dma_start3A_529 = arith.constant 0 : i32
    %dma_start3A_530 = tpu.memref_slice %arg6[%dma_start3A_529] : memref<2048xf32, #tpu.memory_space<vmem>> -> memref<512xf32, #tpu.memory_space<vmem>>
    tpu.enqueue_dma source(%dma_start3A_530 : memref<512xf32, #tpu.memory_space<vmem>>) target(%dma_start3A_528 : memref<512xf32, #tpu.memory_space<hbm>>) target_semaphore(%arg10 : memref<!tpu.dma_semaphore, #tpu.memory_space<semaphore_mem>>)
    %dma_wait3A_531 = arith.constant 512 : i32
    %dma_wait3A_532 = tpu.memref_slice %arg6[%dma_wait3A_531] : memref<2048xf32, #tpu.memory_space<vmem>> -> memref<512xf32, #tpu.memory_space<vmem>>
    %dma_wait3A_533 = arith.constant 512 : i32
    %dma_wait3A_534 = tpu.memref_slice %arg2[%add3A, %dma_wait3A_533] : memref<16x2048xf32, #tpu.memory_space<hbm>> -> memref<1x512xf32, #tpu.memory_space<hbm>>
    %dma_wait3A_535 = tpu.memref_squeeze %dma_wait3A_534 : memref<1x512xf32, #tpu.memory_space<hbm>> -> memref<512xf32, #tpu.memory_space<hbm>>
    %dma_wait3A_536 = arith.constant 512 : i32
    %dma_wait3A_537 = tpu.memref_slice %arg6[%dma_wait3A_536] : memref<2048xf32, #tpu.memory_space<vmem>> -> memref<512xf32, #tpu.memory_space<vmem>>
    %dma_wait3A_538 = arith.constant 512 : i32
    %dma_wait3A_539 = tpu.memref_slice %arg2[%add3A, %dma_wait3A_538] : memref<16x2048xf32, #tpu.memory_space<hbm>> -> memref<1x512xf32, #tpu.memory_space<hbm>>
    %dma_wait3A_540 = tpu.memref_squeeze %dma_wait3A_539 : memref<1x512xf32, #tpu.memory_space<hbm>> -> memref<512xf32, #tpu.memory_space<hbm>>
    tpu.wait_dma2 semaphore(%arg9 : memref<!tpu.dma_semaphore, #tpu.memory_space<semaphore_mem>>) src(%dma_wait3A_540 : memref<512xf32, #tpu.memory_space<hbm>>) dst(%dma_wait3A_537 : memref<512xf32, #tpu.memory_space<vmem>>)
    %dma_wait3A_541 = arith.constant 512 : i32
    %dma_wait3A_542 = tpu.memref_slice %arg7[%dma_wait3A_541] : memref<2048xi32, #tpu.memory_space<vmem>> -> memref<512xi32, #tpu.memory_space<vmem>>
    %dma_wait3A_543 = arith.constant 512 : i32
    %dma_wait3A_544 = tpu.memref_slice %arg3[%add3A, %dma_wait3A_543] : memref<16x2048xi32, #tpu.memory_space<hbm>> -> memref<1x512xi32, #tpu.memory_space<hbm>>
    %dma_wait3A_545 = tpu.memref_squeeze %dma_wait3A_544 : memref<1x512xi32, #tpu.memory_space<hbm>> -> memref<512xi32, #tpu.memory_space<hbm>>
    %dma_wait3A_546 = arith.constant 512 : i32
    %dma_wait3A_547 = tpu.memref_slice %arg7[%dma_wait3A_546] : memref<2048xi32, #tpu.memory_space<vmem>> -> memref<512xi32, #tpu.memory_space<vmem>>
    %dma_wait3A_548 = arith.constant 512 : i32
    %dma_wait3A_549 = tpu.memref_slice %arg3[%add3A, %dma_wait3A_548] : memref<16x2048xi32, #tpu.memory_space<hbm>> -> memref<1x512xi32, #tpu.memory_space<hbm>>
    %dma_wait3A_550 = tpu.memref_squeeze %dma_wait3A_549 : memref<1x512xi32, #tpu.memory_space<hbm>> -> memref<512xi32, #tpu.memory_space<hbm>>
    tpu.wait_dma2 semaphore(%arg9 : memref<!tpu.dma_semaphore, #tpu.memory_space<semaphore_mem>>) src(%dma_wait3A_550 : memref<512xi32, #tpu.memory_space<hbm>>) dst(%dma_wait3A_547 : memref<512xi32, #tpu.memory_space<vmem>>)
    %get3A_551 = arith.constant 512 : index
    %get3A_552 = tpu.vector_load %arg6[%get3A_551] {strides = array<i32>} : memref<2048xf32, #tpu.memory_space<vmem>>, vector<16xf32>,
    %get3A_553 = vector.shape_cast %get3A_552 : vector<16xf32> to vector<16xf32>
    %add3A_554 = arith.addf %get3A_553, %broadcast_in_dim3A : vector<16xf32>
    %get3A_555 = arith.constant 512 : index
    %get3A_556 = tpu.vector_load %arg7[%get3A_555] {strides = array<i32>} : memref<2048xi32, #tpu.memory_space<vmem>>, vector<16xi32>,
    %get3A_557 = vector.shape_cast %get3A_556 : vector<16xi32> to vector<16xi32>
    %convert_element_type3A_558 = arith.sitofp %get3A_557 : vector<16xi32> to vector<16xf32>
    %mul3A_559 = arith.mulf %add3A_554, %convert_element_type3A_558 : vector<16xf32>
    %swap3A_560 = arith.constant 512 : index
    %swap3A_561 = tpu.vector_load %arg6[%swap3A_560] {strides = array<i32>} : memref<2048xf32, #tpu.memory_space<vmem>>, vector<16xf32>,
    %swap3A_562 = vector.shape_cast %swap3A_561 : vector<16xf32> to vector<16xf32>
    %swap3A_563 = vector.shape_cast %mul3A_559 : vector<16xf32> to vector<16xf32>
    tpu.vector_store %arg6[%swap3A_560], %swap3A_563 {strides = array<i32>} : memref<2048xf32, #tpu.memory_space<vmem>>, vector<16xf32>,
    %get3A_564 = arith.constant 528 : index
    %get3A_565 = tpu.vector_load %arg6[%get3A_564] {strides = array<i32>} : memref<2048xf32, #tpu.memory_space<vmem>>, vector<16xf32>,
    %get3A_566 = vector.shape_cast %get3A_565 : vector<16xf32> to vector<16xf32>
    %add3A_567 = arith.addf %get3A_566, %broadcast_in_dim3A : vector<16xf32>
    %get3A_568 = arith.constant 528 : index
    %get3A_569 = tpu.vector_load %arg7[%get3A_568] {strides = array<i32>} : memref<2048xi32, #tpu.memory_space<vmem>>, vector<16xi32>,
    %get3A_570 = vector.shape_cast %get3A_569 : vector<16xi32> to vector<16xi32>
    %convert_element_type3A_571 = arith.sitofp %get3A_570 : vector<16xi32> to vector<16xf32>
    %mul3A_572 = arith.mulf %add3A_567, %convert_element_type3A_571 : vector<16xf32>
    %swap3A_573 = arith.constant 528 : index
    %swap3A_574 = tpu.vector_load %arg6[%swap3A_573] {strides = array<i32>} : memref<2048xf32, #tpu.memory_space<vmem>>, vector<16xf32>,
    %swap3A_575 = vector.shape_cast %swap3A_574 : vector<16xf32> to vector<16xf32>
    %swap3A_576 = vector.shape_cast %mul3A_572 : vector<16xf32> to vector<16xf32>
    tpu.vector_store %arg6[%swap3A_573], %swap3A_576 {strides = array<i32>} : memref<2048xf32, #tpu.memory_space<vmem>>, vector<16xf32>,
    %get3A_577 = arith.constant 544 : index
    %get3A_578 = tpu.vector_load %arg6[%get3A_577] {strides = array<i32>} : memref<2048xf32, #tpu.memory_space<vmem>>, vector<16xf32>,
    %get3A_579 = vector.shape_cast %get3A_578 : vector<16xf32> to vector<16xf32>
    %add3A_580 = arith.addf %get3A_579, %broadcast_in_dim3A : vector<16xf32>
    %get3A_581 = arith.constant 544 : index
    %get3A_582 = tpu.vector_load %arg7[%get3A_581] {strides = array<i32>} : memref<2048xi32, #tpu.memory_space<vmem>>, vector<16xi32>,
    %get3A_583 = vector.shape_cast %get3A_582 : vector<16xi32> to vector<16xi32>
    %convert_element_type3A_584 = arith.sitofp %get3A_583 : vector<16xi32> to vector<16xf32>
    %mul3A_585 = arith.mulf %add3A_580, %convert_element_type3A_584 : vector<16xf32>
    %swap3A_586 = arith.constant 544 : index
    %swap3A_587 = tpu.vector_load %arg6[%swap3A_586] {strides = array<i32>} : memref<2048xf32, #tpu.memory_space<vmem>>, vector<16xf32>,
    %swap3A_588 = vector.shape_cast %swap3A_587 : vector<16xf32> to vector<16xf32>
    %swap3A_589 = vector.shape_cast %mul3A_585 : vector<16xf32> to vector<16xf32>
    tpu.vector_store %arg6[%swap3A_586], %swap3A_589 {strides = array<i32>} : memref<2048xf32, #tpu.memory_space<vmem>>, vector<16xf32>,
    %get3A_590 = arith.constant 560 : index
    %get3A_591 = tpu.vector_load %arg6[%get3A_590] {strides = array<i32>} : memref<2048xf32, #tpu.memory_space<vmem>>, vector<16xf32>,
    %get3A_592 = vector.shape_cast %get3A_591 : vector<16xf32> to vector<16xf32>
    %add3A_593 = arith.addf %get3A_592, %broadcast_in_dim3A : vector<16xf32>
    %get3A_594 = arith.constant 560 : index
    %get3A_595 = tpu.vector_load %arg7[%get3A_594] {strides = array<i32>} : memref<2048xi32, #tpu.memory_space<vmem>>, vector<16xi32>,
    %get3A_596 = vector.shape_cast %get3A_595 : vector<16xi32> to vector<16xi32>
    %convert_element_type3A_597 = arith.sitofp %get3A_596 : vector<16xi32> to vector<16xf32>
    %mul3A_598 = arith.mulf %add3A_593, %convert_element_type3A_597 : vector<16xf32>
    %swap3A_599 = arith.constant 560 : index
    %swap3A_600 = tpu.vector_load %arg6[%swap3A_599] {strides = array<i32>} : memref<2048xf32, #tpu.memory_space<vmem>>, vector<16xf32>,
    %swap3A_601 = vector.shape_cast %swap3A_600 : vector<16xf32> to vector<16xf32>
    %swap3A_602 = vector.shape_cast %mul3A_598 : vector<16xf32> to vector<16xf32>
    tpu.vector_store %arg6[%swap3A_599], %swap3A_602 {strides = array<i32>} : memref<2048xf32, #tpu.memory_space<vmem>>, vector<16xf32>,
    %get3A_603 = arith.constant 576 : index
    %get3A_604 = tpu.vector_load %arg6[%get3A_603] {strides = array<i32>} : memref<2048xf32, #tpu.memory_space<vmem>>, vector<16xf32>,
    %get3A_605 = vector.shape_cast %get3A_604 : vector<16xf32> to vector<16xf32>
    %add3A_606 = arith.addf %get3A_605, %broadcast_in_dim3A : vector<16xf32>
    %get3A_607 = arith.constant 576 : index
    %get3A_608 = tpu.vector_load %arg7[%get3A_607] {strides = array<i32>} : memref<2048xi32, #tpu.memory_space<vmem>>, vector<16xi32>,
    %get3A_609 = vector.shape_cast %get3A_608 : vector<16xi32> to vector<16xi32>
    %convert_element_type3A_610 = arith.sitofp %get3A_609 : vector<16xi32> to vector<16xf32>
    %mul3A_611 = arith.mulf %add3A_606, %convert_element_type3A_610 : vector<16xf32>
    %swap3A_612 = arith.constant 576 : index
    %swap3A_613 = tpu.vector_load %arg6[%swap3A_612] {strides = array<i32>} : memref<2048xf32, #tpu.memory_space<vmem>>, vector<16xf32>,
    %swap3A_614 = vector.shape_cast %swap3A_613 : vector<16xf32> to vector<16xf32>
    %swap3A_615 = vector.shape_cast %mul3A_611 : vector<16xf32> to vector<16xf32>
    tpu.vector_store %arg6[%swap3A_612], %swap3A_615 {strides = array<i32>} : memref<2048xf32, #tpu.memory_space<vmem>>, vector<16xf32>,
    %get3A_616 = arith.constant 592 : index
    %get3A_617 = tpu.vector_load %arg6[%get3A_616] {strides = array<i32>} : memref<2048xf32, #tpu.memory_space<vmem>>, vector<16xf32>,
    %get3A_618 = vector.shape_cast %get3A_617 : vector<16xf32> to vector<16xf32>
    %add3A_619 = arith.addf %get3A_618, %broadcast_in_dim3A : vector<16xf32>
    %get3A_620 = arith.constant 592 : index
    %get3A_621 = tpu.vector_load %arg7[%get3A_620] {strides = array<i32>} : memref<2048xi32, #tpu.memory_space<vmem>>, vector<16xi32>,
    %get3A_622 = vector.shape_cast %get3A_621 : vector<16xi32> to vector<16xi32>
    %convert_element_type3A_623 = arith.sitofp %get3A_622 : vector<16xi32> to vector<16xf32>
    %mul3A_624 = arith.mulf %add3A_619, %convert_element_type3A_623 : vector<16xf32>
    %swap3A_625 = arith.constant 592 : index
    %swap3A_626 = tpu.vector_load %arg6[%swap3A_625] {strides = array<i32>} : memref<2048xf32, #tpu.memory_space<vmem>>, vector<16xf32>,
    %swap3A_627 = vector.shape_cast %swap3A_626 : vector<16xf32> to vector<16xf32>
    %swap3A_628 = vector.shape_cast %mul3A_624 : vector<16xf32> to vector<16xf32>
    tpu.vector_store %arg6[%swap3A_625], %swap3A_628 {strides = array<i32>} : memref<2048xf32, #tpu.memory_space<vmem>>, vector<16xf32>,
    %get3A_629 = arith.constant 608 : index
    %get3A_630 = tpu.vector_load %arg6[%get3A_629] {strides = array<i32>} : memref<2048xf32, #tpu.memory_space<vmem>>, vector<16xf32>,
    %get3A_631 = vector.shape_cast %get3A_630 : vector<16xf32> to vector<16xf32>
    %add3A_632 = arith.addf %get3A_631, %broadcast_in_dim3A : vector<16xf32>
    %get3A_633 = arith.constant 608 : index
    %get3A_634 = tpu.vector_load %arg7[%get3A_633] {strides = array<i32>} : memref<2048xi32, #tpu.memory_space<vmem>>, vector<16xi32>,
    %get3A_635 = vector.shape_cast %get3A_634 : vector<16xi32> to vector<16xi32>
    %convert_element_type3A_636 = arith.sitofp %get3A_635 : vector<16xi32> to vector<16xf32>
    %mul3A_637 = arith.mulf %add3A_632, %convert_element_type3A_636 : vector<16xf32>
    %swap3A_638 = arith.constant 608 : index
    %swap3A_639 = tpu.vector_load %arg6[%swap3A_638] {strides = array<i32>} : memref<2048xf32, #tpu.memory_space<vmem>>, vector<16xf32>,
    %swap3A_640 = vector.shape_cast %swap3A_639 : vector<16xf32> to vector<16xf32>
    %swap3A_641 = vector.shape_cast %mul3A_637 : vector<16xf32> to vector<16xf32>
    tpu.vector_store %arg6[%swap3A_638], %swap3A_641 {strides = array<i32>} : memref<2048xf32, #tpu.memory_space<vmem>>, vector<16xf32>,
    %get3A_642 = arith.constant 624 : index
    %get3A_643 = tpu.vector_load %arg6[%get3A_642] {strides = array<i32>} : memref<2048xf32, #tpu.memory_space<vmem>>, vector<16xf32>,
    %get3A_644 = vector.shape_cast %get3A_643 : vector<16xf32> to vector<16xf32>
    %add3A_645 = arith.addf %get3A_644, %broadcast_in_dim3A : vector<16xf32>
    %get3A_646 = arith.constant 624 : index
    %get3A_647 = tpu.vector_load %arg7[%get3A_646] {strides = array<i32>} : memref<2048xi32, #tpu.memory_space<vmem>>, vector<16xi32>,
    %get3A_648 = vector.shape_cast %get3A_647 : vector<16xi32> to vector<16xi32>
    %convert_element_type3A_649 = arith.sitofp %get3A_648 : vector<16xi32> to vector<16xf32>
    %mul3A_650 = arith.mulf %add3A_645, %convert_element_type3A_649 : vector<16xf32>
    %swap3A_651 = arith.constant 624 : index
    %swap3A_652 = tpu.vector_load %arg6[%swap3A_651] {strides = array<i32>} : memref<2048xf32, #tpu.memory_space<vmem>>, vector<16xf32>,
    %swap3A_653 = vector.shape_cast %swap3A_652 : vector<16xf32> to vector<16xf32>
    %swap3A_654 = vector.shape_cast %mul3A_650 : vector<16xf32> to vector<16xf32>
    tpu.vector_store %arg6[%swap3A_651], %swap3A_654 {strides = array<i32>} : memref<2048xf32, #tpu.memory_space<vmem>>, vector<16xf32>,
    %get3A_655 = arith.constant 640 : index
    %get3A_656 = tpu.vector_load %arg6[%get3A_655] {strides = array<i32>} : memref<2048xf32, #tpu.memory_space<vmem>>, vector<16xf32>,
    %get3A_657 = vector.shape_cast %get3A_656 : vector<16xf32> to vector<16xf32>
    %add3A_658 = arith.addf %get3A_657, %broadcast_in_dim3A : vector<16xf32>
    %get3A_659 = arith.constant 640 : index
    %get3A_660 = tpu.vector_load %arg7[%get3A_659] {strides = array<i32>} : memref<2048xi32, #tpu.memory_space<vmem>>, vector<16xi32>,
    %get3A_661 = vector.shape_cast %get3A_660 : vector<16xi32> to vector<16xi32>
    %convert_element_type3A_662 = arith.sitofp %get3A_661 : vector<16xi32> to vector<16xf32>
    %mul3A_663 = arith.mulf %add3A_658, %convert_element_type3A_662 : vector<16xf32>
    %swap3A_664 = arith.constant 640 : index
    %swap3A_665 = tpu.vector_load %arg6[%swap3A_664] {strides = array<i32>} : memref<2048xf32, #tpu.memory_space<vmem>>, vector<16xf32>,
    %swap3A_666 = vector.shape_cast %swap3A_665 : vector<16xf32> to vector<16xf32>
    %swap3A_667 = vector.shape_cast %mul3A_663 : vector<16xf32> to vector<16xf32>
    tpu.vector_store %arg6[%swap3A_664], %swap3A_667 {strides = array<i32>} : memref<2048xf32, #tpu.memory_space<vmem>>, vector<16xf32>,
    %get3A_668 = arith.constant 656 : index
    %get3A_669 = tpu.vector_load %arg6[%get3A_668] {strides = array<i32>} : memref<2048xf32, #tpu.memory_space<vmem>>, vector<16xf32>,
    %get3A_670 = vector.shape_cast %get3A_669 : vector<16xf32> to vector<16xf32>
    %add3A_671 = arith.addf %get3A_670, %broadcast_in_dim3A : vector<16xf32>
    %get3A_672 = arith.constant 656 : index
    %get3A_673 = tpu.vector_load %arg7[%get3A_672] {strides = array<i32>} : memref<2048xi32, #tpu.memory_space<vmem>>, vector<16xi32>,
    %get3A_674 = vector.shape_cast %get3A_673 : vector<16xi32> to vector<16xi32>
    %convert_element_type3A_675 = arith.sitofp %get3A_674 : vector<16xi32> to vector<16xf32>
    %mul3A_676 = arith.mulf %add3A_671, %convert_element_type3A_675 : vector<16xf32>
    %swap3A_677 = arith.constant 656 : index
    %swap3A_678 = tpu.vector_load %arg6[%swap3A_677] {strides = array<i32>} : memref<2048xf32, #tpu.memory_space<vmem>>, vector<16xf32>,
    %swap3A_679 = vector.shape_cast %swap3A_678 : vector<16xf32> to vector<16xf32>
    %swap3A_680 = vector.shape_cast %mul3A_676 : vector<16xf32> to vector<16xf32>
    tpu.vector_store %arg6[%swap3A_677], %swap3A_680 {strides = array<i32>} : memref<2048xf32, #tpu.memory_space<vmem>>, vector<16xf32>,
    %get3A_681 = arith.constant 672 : index
    %get3A_682 = tpu.vector_load %arg6[%get3A_681] {strides = array<i32>} : memref<2048xf32, #tpu.memory_space<vmem>>, vector<16xf32>,
    %get3A_683 = vector.shape_cast %get3A_682 : vector<16xf32> to vector<16xf32>
    %add3A_684 = arith.addf %get3A_683, %broadcast_in_dim3A : vector<16xf32>
    %get3A_685 = arith.constant 672 : index
    %get3A_686 = tpu.vector_load %arg7[%get3A_685] {strides = array<i32>} : memref<2048xi32, #tpu.memory_space<vmem>>, vector<16xi32>,
    %get3A_687 = vector.shape_cast %get3A_686 : vector<16xi32> to vector<16xi32>
    %convert_element_type3A_688 = arith.sitofp %get3A_687 : vector<16xi32> to vector<16xf32>
    %mul3A_689 = arith.mulf %add3A_684, %convert_element_type3A_688 : vector<16xf32>
    %swap3A_690 = arith.constant 672 : index
    %swap3A_691 = tpu.vector_load %arg6[%swap3A_690] {strides = array<i32>} : memref<2048xf32, #tpu.memory_space<vmem>>, vector<16xf32>,
    %swap3A_692 = vector.shape_cast %swap3A_691 : vector<16xf32> to vector<16xf32>
    %swap3A_693 = vector.shape_cast %mul3A_689 : vector<16xf32> to vector<16xf32>
    tpu.vector_store %arg6[%swap3A_690], %swap3A_693 {strides = array<i32>} : memref<2048xf32, #tpu.memory_space<vmem>>, vector<16xf32>,
    %get3A_694 = arith.constant 688 : index
    %get3A_695 = tpu.vector_load %arg6[%get3A_694] {strides = array<i32>} : memref<2048xf32, #tpu.memory_space<vmem>>, vector<16xf32>,
    %get3A_696 = vector.shape_cast %get3A_695 : vector<16xf32> to vector<16xf32>
    %add3A_697 = arith.addf %get3A_696, %broadcast_in_dim3A : vector<16xf32>
    %get3A_698 = arith.constant 688 : index
    %get3A_699 = tpu.vector_load %arg7[%get3A_698] {strides = array<i32>} : memref<2048xi32, #tpu.memory_space<vmem>>, vector<16xi32>,
    %get3A_700 = vector.shape_cast %get3A_699 : vector<16xi32> to vector<16xi32>
    %convert_element_type3A_701 = arith.sitofp %get3A_700 : vector<16xi32> to vector<16xf32>
    %mul3A_702 = arith.mulf %add3A_697, %convert_element_type3A_701 : vector<16xf32>
    %swap3A_703 = arith.constant 688 : index
    %swap3A_704 = tpu.vector_load %arg6[%swap3A_703] {strides = array<i32>} : memref<2048xf32, #tpu.memory_space<vmem>>, vector<16xf32>,
    %swap3A_705 = vector.shape_cast %swap3A_704 : vector<16xf32> to vector<16xf32>
    %swap3A_706 = vector.shape_cast %mul3A_702 : vector<16xf32> to vector<16xf32>
    tpu.vector_store %arg6[%swap3A_703], %swap3A_706 {strides = array<i32>} : memref<2048xf32, #tpu.memory_space<vmem>>, vector<16xf32>,
    %get3A_707 = arith.constant 704 : index
    %get3A_708 = tpu.vector_load %arg6[%get3A_707] {strides = array<i32>} : memref<2048xf32, #tpu.memory_space<vmem>>, vector<16xf32>,
    %get3A_709 = vector.shape_cast %get3A_708 : vector<16xf32> to vector<16xf32>
    %add3A_710 = arith.addf %get3A_709, %broadcast_in_dim3A : vector<16xf32>
    %get3A_711 = arith.constant 704 : index
    %get3A_712 = tpu.vector_load %arg7[%get3A_711] {strides = array<i32>} : memref<2048xi32, #tpu.memory_space<vmem>>, vector<16xi32>,
    %get3A_713 = vector.shape_cast %get3A_712 : vector<16xi32> to vector<16xi32>
    %convert_element_type3A_714 = arith.sitofp %get3A_713 : vector<16xi32> to vector<16xf32>
    %mul3A_715 = arith.mulf %add3A_710, %convert_element_type3A_714 : vector<16xf32>
    %swap3A_716 = arith.constant 704 : index
    %swap3A_717 = tpu.vector_load %arg6[%swap3A_716] {strides = array<i32>} : memref<2048xf32, #tpu.memory_space<vmem>>, vector<16xf32>,
    %swap3A_718 = vector.shape_cast %swap3A_717 : vector<16xf32> to vector<16xf32>
    %swap3A_719 = vector.shape_cast %mul3A_715 : vector<16xf32> to vector<16xf32>
    tpu.vector_store %arg6[%swap3A_716], %swap3A_719 {strides = array<i32>} : memref<2048xf32, #tpu.memory_space<vmem>>, vector<16xf32>,
    %get3A_720 = arith.constant 720 : index
    %get3A_721 = tpu.vector_load %arg6[%get3A_720] {strides = array<i32>} : memref<2048xf32, #tpu.memory_space<vmem>>, vector<16xf32>,
    %get3A_722 = vector.shape_cast %get3A_721 : vector<16xf32> to vector<16xf32>
    %add3A_723 = arith.addf %get3A_722, %broadcast_in_dim3A : vector<16xf32>
    %get3A_724 = arith.constant 720 : index
    %get3A_725 = tpu.vector_load %arg7[%get3A_724] {strides = array<i32>} : memref<2048xi32, #tpu.memory_space<vmem>>, vector<16xi32>,
    %get3A_726 = vector.shape_cast %get3A_725 : vector<16xi32> to vector<16xi32>
    %convert_element_type3A_727 = arith.sitofp %get3A_726 : vector<16xi32> to vector<16xf32>
    %mul3A_728 = arith.mulf %add3A_723, %convert_element_type3A_727 : vector<16xf32>
    %swap3A_729 = arith.constant 720 : index
    %swap3A_730 = tpu.vector_load %arg6[%swap3A_729] {strides = array<i32>} : memref<2048xf32, #tpu.memory_space<vmem>>, vector<16xf32>,
    %swap3A_731 = vector.shape_cast %swap3A_730 : vector<16xf32> to vector<16xf32>
    %swap3A_732 = vector.shape_cast %mul3A_728 : vector<16xf32> to vector<16xf32>
    tpu.vector_store %arg6[%swap3A_729], %swap3A_732 {strides = array<i32>} : memref<2048xf32, #tpu.memory_space<vmem>>, vector<16xf32>,
    %get3A_733 = arith.constant 736 : index
    %get3A_734 = tpu.vector_load %arg6[%get3A_733] {strides = array<i32>} : memref<2048xf32, #tpu.memory_space<vmem>>, vector<16xf32>,
    %get3A_735 = vector.shape_cast %get3A_734 : vector<16xf32> to vector<16xf32>
    %add3A_736 = arith.addf %get3A_735, %broadcast_in_dim3A : vector<16xf32>
    %get3A_737 = arith.constant 736 : index
    %get3A_738 = tpu.vector_load %arg7[%get3A_737] {strides = array<i32>} : memref<2048xi32, #tpu.memory_space<vmem>>, vector<16xi32>,
    %get3A_739 = vector.shape_cast %get3A_738 : vector<16xi32> to vector<16xi32>
    %convert_element_type3A_740 = arith.sitofp %get3A_739 : vector<16xi32> to vector<16xf32>
    %mul3A_741 = arith.mulf %add3A_736, %convert_element_type3A_740 : vector<16xf32>
    %swap3A_742 = arith.constant 736 : index
    %swap3A_743 = tpu.vector_load %arg6[%swap3A_742] {strides = array<i32>} : memref<2048xf32, #tpu.memory_space<vmem>>, vector<16xf32>,
    %swap3A_744 = vector.shape_cast %swap3A_743 : vector<16xf32> to vector<16xf32>
    %swap3A_745 = vector.shape_cast %mul3A_741 : vector<16xf32> to vector<16xf32>
    tpu.vector_store %arg6[%swap3A_742], %swap3A_745 {strides = array<i32>} : memref<2048xf32, #tpu.memory_space<vmem>>, vector<16xf32>,
    %get3A_746 = arith.constant 752 : index
    %get3A_747 = tpu.vector_load %arg6[%get3A_746] {strides = array<i32>} : memref<2048xf32, #tpu.memory_space<vmem>>, vector<16xf32>,
    %get3A_748 = vector.shape_cast %get3A_747 : vector<16xf32> to vector<16xf32>
    %add3A_749 = arith.addf %get3A_748, %broadcast_in_dim3A : vector<16xf32>
    %get3A_750 = arith.constant 752 : index
    %get3A_751 = tpu.vector_load %arg7[%get3A_750] {strides = array<i32>} : memref<2048xi32, #tpu.memory_space<vmem>>, vector<16xi32>,
    %get3A_752 = vector.shape_cast %get3A_751 : vector<16xi32> to vector<16xi32>
    %convert_element_type3A_753 = arith.sitofp %get3A_752 : vector<16xi32> to vector<16xf32>
    %mul3A_754 = arith.mulf %add3A_749, %convert_element_type3A_753 : vector<16xf32>
    %swap3A_755 = arith.constant 752 : index
    %swap3A_756 = tpu.vector_load %arg6[%swap3A_755] {strides = array<i32>} : memref<2048xf32, #tpu.memory_space<vmem>>, vector<16xf32>,
    %swap3A_757 = vector.shape_cast %swap3A_756 : vector<16xf32> to vector<16xf32>
    %swap3A_758 = vector.shape_cast %mul3A_754 : vector<16xf32> to vector<16xf32>
    tpu.vector_store %arg6[%swap3A_755], %swap3A_758 {strides = array<i32>} : memref<2048xf32, #tpu.memory_space<vmem>>, vector<16xf32>,
    %get3A_759 = arith.constant 768 : index
    %get3A_760 = tpu.vector_load %arg6[%get3A_759] {strides = array<i32>} : memref<2048xf32, #tpu.memory_space<vmem>>, vector<16xf32>,
    %get3A_761 = vector.shape_cast %get3A_760 : vector<16xf32> to vector<16xf32>
    %add3A_762 = arith.addf %get3A_761, %broadcast_in_dim3A : vector<16xf32>
    %get3A_763 = arith.constant 768 : index
    %get3A_764 = tpu.vector_load %arg7[%get3A_763] {strides = array<i32>} : memref<2048xi32, #tpu.memory_space<vmem>>, vector<16xi32>,
    %get3A_765 = vector.shape_cast %get3A_764 : vector<16xi32> to vector<16xi32>
    %convert_element_type3A_766 = arith.sitofp %get3A_765 : vector<16xi32> to vector<16xf32>
    %mul3A_767 = arith.mulf %add3A_762, %convert_element_type3A_766 : vector<16xf32>
    %swap3A_768 = arith.constant 768 : index
    %swap3A_769 = tpu.vector_load %arg6[%swap3A_768] {strides = array<i32>} : memref<2048xf32, #tpu.memory_space<vmem>>, vector<16xf32>,
    %swap3A_770 = vector.shape_cast %swap3A_769 : vector<16xf32> to vector<16xf32>
    %swap3A_771 = vector.shape_cast %mul3A_767 : vector<16xf32> to vector<16xf32>
    tpu.vector_store %arg6[%swap3A_768], %swap3A_771 {strides = array<i32>} : memref<2048xf32, #tpu.memory_space<vmem>>, vector<16xf32>,
    %get3A_772 = arith.constant 784 : index
    %get3A_773 = tpu.vector_load %arg6[%get3A_772] {strides = array<i32>} : memref<2048xf32, #tpu.memory_space<vmem>>, vector<16xf32>,
    %get3A_774 = vector.shape_cast %get3A_773 : vector<16xf32> to vector<16xf32>
    %add3A_775 = arith.addf %get3A_774, %broadcast_in_dim3A : vector<16xf32>
    %get3A_776 = arith.constant 784 : index
    %get3A_777 = tpu.vector_load %arg7[%get3A_776] {strides = array<i32>} : memref<2048xi32, #tpu.memory_space<vmem>>, vector<16xi32>,
    %get3A_778 = vector.shape_cast %get3A_777 : vector<16xi32> to vector<16xi32>
    %convert_element_type3A_779 = arith.sitofp %get3A_778 : vector<16xi32> to vector<16xf32>
    %mul3A_780 = arith.mulf %add3A_775, %convert_element_type3A_779 : vector<16xf32>
    %swap3A_781 = arith.constant 784 : index
    %swap3A_782 = tpu.vector_load %arg6[%swap3A_781] {strides = array<i32>} : memref<2048xf32, #tpu.memory_space<vmem>>, vector<16xf32>,
    %swap3A_783 = vector.shape_cast %swap3A_782 : vector<16xf32> to vector<16xf32>
    %swap3A_784 = vector.shape_cast %mul3A_780 : vector<16xf32> to vector<16xf32>
    tpu.vector_store %arg6[%swap3A_781], %swap3A_784 {strides = array<i32>} : memref<2048xf32, #tpu.memory_space<vmem>>, vector<16xf32>,
    %get3A_785 = arith.constant 800 : index
    %get3A_786 = tpu.vector_load %arg6[%get3A_785] {strides = array<i32>} : memref<2048xf32, #tpu.memory_space<vmem>>, vector<16xf32>,
    %get3A_787 = vector.shape_cast %get3A_786 : vector<16xf32> to vector<16xf32>
    %add3A_788 = arith.addf %get3A_787, %broadcast_in_dim3A : vector<16xf32>
    %get3A_789 = arith.constant 800 : index
    %get3A_790 = tpu.vector_load %arg7[%get3A_789] {strides = array<i32>} : memref<2048xi32, #tpu.memory_space<vmem>>, vector<16xi32>,
    %get3A_791 = vector.shape_cast %get3A_790 : vector<16xi32> to vector<16xi32>
    %convert_element_type3A_792 = arith.sitofp %get3A_791 : vector<16xi32> to vector<16xf32>
    %mul3A_793 = arith.mulf %add3A_788, %convert_element_type3A_792 : vector<16xf32>
    %swap3A_794 = arith.constant 800 : index
    %swap3A_795 = tpu.vector_load %arg6[%swap3A_794] {strides = array<i32>} : memref<2048xf32, #tpu.memory_space<vmem>>, vector<16xf32>,
    %swap3A_796 = vector.shape_cast %swap3A_795 : vector<16xf32> to vector<16xf32>
    %swap3A_797 = vector.shape_cast %mul3A_793 : vector<16xf32> to vector<16xf32>
    tpu.vector_store %arg6[%swap3A_794], %swap3A_797 {strides = array<i32>} : memref<2048xf32, #tpu.memory_space<vmem>>, vector<16xf32>,
    %get3A_798 = arith.constant 816 : index
    %get3A_799 = tpu.vector_load %arg6[%get3A_798] {strides = array<i32>} : memref<2048xf32, #tpu.memory_space<vmem>>, vector<16xf32>,
    %get3A_800 = vector.shape_cast %get3A_799 : vector<16xf32> to vector<16xf32>
    %add3A_801 = arith.addf %get3A_800, %broadcast_in_dim3A : vector<16xf32>
    %get3A_802 = arith.constant 816 : index
    %get3A_803 = tpu.vector_load %arg7[%get3A_802] {strides = array<i32>} : memref<2048xi32, #tpu.memory_space<vmem>>, vector<16xi32>,
    %get3A_804 = vector.shape_cast %get3A_803 : vector<16xi32> to vector<16xi32>
    %convert_element_type3A_805 = arith.sitofp %get3A_804 : vector<16xi32> to vector<16xf32>
    %mul3A_806 = arith.mulf %add3A_801, %convert_element_type3A_805 : vector<16xf32>
    %swap3A_807 = arith.constant 816 : index
    %swap3A_808 = tpu.vector_load %arg6[%swap3A_807] {strides = array<i32>} : memref<2048xf32, #tpu.memory_space<vmem>>, vector<16xf32>,
    %swap3A_809 = vector.shape_cast %swap3A_808 : vector<16xf32> to vector<16xf32>
    %swap3A_810 = vector.shape_cast %mul3A_806 : vector<16xf32> to vector<16xf32>
    tpu.vector_store %arg6[%swap3A_807], %swap3A_810 {strides = array<i32>} : memref<2048xf32, #tpu.memory_space<vmem>>, vector<16xf32>,
    %get3A_811 = arith.constant 832 : index
    %get3A_812 = tpu.vector_load %arg6[%get3A_811] {strides = array<i32>} : memref<2048xf32, #tpu.memory_space<vmem>>, vector<16xf32>,
    %get3A_813 = vector.shape_cast %get3A_812 : vector<16xf32> to vector<16xf32>
    %add3A_814 = arith.addf %get3A_813, %broadcast_in_dim3A : vector<16xf32>
    %get3A_815 = arith.constant 832 : index
    %get3A_816 = tpu.vector_load %arg7[%get3A_815] {strides = array<i32>} : memref<2048xi32, #tpu.memory_space<vmem>>, vector<16xi32>,
    %get3A_817 = vector.shape_cast %get3A_816 : vector<16xi32> to vector<16xi32>
    %convert_element_type3A_818 = arith.sitofp %get3A_817 : vector<16xi32> to vector<16xf32>
    %mul3A_819 = arith.mulf %add3A_814, %convert_element_type3A_818 : vector<16xf32>
    %swap3A_820 = arith.constant 832 : index
    %swap3A_821 = tpu.vector_load %arg6[%swap3A_820] {strides = array<i32>} : memref<2048xf32, #tpu.memory_space<vmem>>, vector<16xf32>,
    %swap3A_822 = vector.shape_cast %swap3A_821 : vector<16xf32> to vector<16xf32>
    %swap3A_823 = vector.shape_cast %mul3A_819 : vector<16xf32> to vector<16xf32>
    tpu.vector_store %arg6[%swap3A_820], %swap3A_823 {strides = array<i32>} : memref<2048xf32, #tpu.memory_space<vmem>>, vector<16xf32>,
    %get3A_824 = arith.constant 848 : index
    %get3A_825 = tpu.vector_load %arg6[%get3A_824] {strides = array<i32>} : memref<2048xf32, #tpu.memory_space<vmem>>, vector<16xf32>,
    %get3A_826 = vector.shape_cast %get3A_825 : vector<16xf32> to vector<16xf32>
    %add3A_827 = arith.addf %get3A_826, %broadcast_in_dim3A : vector<16xf32>
    %get3A_828 = arith.constant 848 : index
    %get3A_829 = tpu.vector_load %arg7[%get3A_828] {strides = array<i32>} : memref<2048xi32, #tpu.memory_space<vmem>>, vector<16xi32>,
    %get3A_830 = vector.shape_cast %get3A_829 : vector<16xi32> to vector<16xi32>
    %convert_element_type3A_831 = arith.sitofp %get3A_830 : vector<16xi32> to vector<16xf32>
    %mul3A_832 = arith.mulf %add3A_827, %convert_element_type3A_831 : vector<16xf32>
    %swap3A_833 = arith.constant 848 : index
    %swap3A_834 = tpu.vector_load %arg6[%swap3A_833] {strides = array<i32>} : memref<2048xf32, #tpu.memory_space<vmem>>, vector<16xf32>,
    %swap3A_835 = vector.shape_cast %swap3A_834 : vector<16xf32> to vector<16xf32>
    %swap3A_836 = vector.shape_cast %mul3A_832 : vector<16xf32> to vector<16xf32>
    tpu.vector_store %arg6[%swap3A_833], %swap3A_836 {strides = array<i32>} : memref<2048xf32, #tpu.memory_space<vmem>>, vector<16xf32>,
    %get3A_837 = arith.constant 864 : index
    %get3A_838 = tpu.vector_load %arg6[%get3A_837] {strides = array<i32>} : memref<2048xf32, #tpu.memory_space<vmem>>, vector<16xf32>,
    %get3A_839 = vector.shape_cast %get3A_838 : vector<16xf32> to vector<16xf32>
    %add3A_840 = arith.addf %get3A_839, %broadcast_in_dim3A : vector<16xf32>
    %get3A_841 = arith.constant 864 : index
    %get3A_842 = tpu.vector_load %arg7[%get3A_841] {strides = array<i32>} : memref<2048xi32, #tpu.memory_space<vmem>>, vector<16xi32>,
    %get3A_843 = vector.shape_cast %get3A_842 : vector<16xi32> to vector<16xi32>
    %convert_element_type3A_844 = arith.sitofp %get3A_843 : vector<16xi32> to vector<16xf32>
    %mul3A_845 = arith.mulf %add3A_840, %convert_element_type3A_844 : vector<16xf32>
    %swap3A_846 = arith.constant 864 : index
    %swap3A_847 = tpu.vector_load %arg6[%swap3A_846] {strides = array<i32>} : memref<2048xf32, #tpu.memory_space<vmem>>, vector<16xf32>,
    %swap3A_848 = vector.shape_cast %swap3A_847 : vector<16xf32> to vector<16xf32>
    %swap3A_849 = vector.shape_cast %mul3A_845 : vector<16xf32> to vector<16xf32>
    tpu.vector_store %arg6[%swap3A_846], %swap3A_849 {strides = array<i32>} : memref<2048xf32, #tpu.memory_space<vmem>>, vector<16xf32>,
    %get3A_850 = arith.constant 880 : index
    %get3A_851 = tpu.vector_load %arg6[%get3A_850] {strides = array<i32>} : memref<2048xf32, #tpu.memory_space<vmem>>, vector<16xf32>,
    %get3A_852 = vector.shape_cast %get3A_851 : vector<16xf32> to vector<16xf32>
    %add3A_853 = arith.addf %get3A_852, %broadcast_in_dim3A : vector<16xf32>
    %get3A_854 = arith.constant 880 : index
    %get3A_855 = tpu.vector_load %arg7[%get3A_854] {strides = array<i32>} : memref<2048xi32, #tpu.memory_space<vmem>>, vector<16xi32>,
    %get3A_856 = vector.shape_cast %get3A_855 : vector<16xi32> to vector<16xi32>
    %convert_element_type3A_857 = arith.sitofp %get3A_856 : vector<16xi32> to vector<16xf32>
    %mul3A_858 = arith.mulf %add3A_853, %convert_element_type3A_857 : vector<16xf32>
    %swap3A_859 = arith.constant 880 : index
    %swap3A_860 = tpu.vector_load %arg6[%swap3A_859] {strides = array<i32>} : memref<2048xf32, #tpu.memory_space<vmem>>, vector<16xf32>,
    %swap3A_861 = vector.shape_cast %swap3A_860 : vector<16xf32> to vector<16xf32>
    %swap3A_862 = vector.shape_cast %mul3A_858 : vector<16xf32> to vector<16xf32>
    tpu.vector_store %arg6[%swap3A_859], %swap3A_862 {strides = array<i32>} : memref<2048xf32, #tpu.memory_space<vmem>>, vector<16xf32>,
    %get3A_863 = arith.constant 896 : index
    %get3A_864 = tpu.vector_load %arg6[%get3A_863] {strides = array<i32>} : memref<2048xf32, #tpu.memory_space<vmem>>, vector<16xf32>,
    %get3A_865 = vector.shape_cast %get3A_864 : vector<16xf32> to vector<16xf32>
    %add3A_866 = arith.addf %get3A_865, %broadcast_in_dim3A : vector<16xf32>
    %get3A_867 = arith.constant 896 : index
    %get3A_868 = tpu.vector_load %arg7[%get3A_867] {strides = array<i32>} : memref<2048xi32, #tpu.memory_space<vmem>>, vector<16xi32>,
    %get3A_869 = vector.shape_cast %get3A_868 : vector<16xi32> to vector<16xi32>
    %convert_element_type3A_870 = arith.sitofp %get3A_869 : vector<16xi32> to vector<16xf32>
    %mul3A_871 = arith.mulf %add3A_866, %convert_element_type3A_870 : vector<16xf32>
    %swap3A_872 = arith.constant 896 : index
    %swap3A_873 = tpu.vector_load %arg6[%swap3A_872] {strides = array<i32>} : memref<2048xf32, #tpu.memory_space<vmem>>, vector<16xf32>,
    %swap3A_874 = vector.shape_cast %swap3A_873 : vector<16xf32> to vector<16xf32>
    %swap3A_875 = vector.shape_cast %mul3A_871 : vector<16xf32> to vector<16xf32>
    tpu.vector_store %arg6[%swap3A_872], %swap3A_875 {strides = array<i32>} : memref<2048xf32, #tpu.memory_space<vmem>>, vector<16xf32>,
    %get3A_876 = arith.constant 912 : index
    %get3A_877 = tpu.vector_load %arg6[%get3A_876] {strides = array<i32>} : memref<2048xf32, #tpu.memory_space<vmem>>, vector<16xf32>,
    %get3A_878 = vector.shape_cast %get3A_877 : vector<16xf32> to vector<16xf32>
    %add3A_879 = arith.addf %get3A_878, %broadcast_in_dim3A : vector<16xf32>
    %get3A_880 = arith.constant 912 : index
    %get3A_881 = tpu.vector_load %arg7[%get3A_880] {strides = array<i32>} : memref<2048xi32, #tpu.memory_space<vmem>>, vector<16xi32>,
    %get3A_882 = vector.shape_cast %get3A_881 : vector<16xi32> to vector<16xi32>
    %convert_element_type3A_883 = arith.sitofp %get3A_882 : vector<16xi32> to vector<16xf32>
    %mul3A_884 = arith.mulf %add3A_879, %convert_element_type3A_883 : vector<16xf32>
    %swap3A_885 = arith.constant 912 : index
    %swap3A_886 = tpu.vector_load %arg6[%swap3A_885] {strides = array<i32>} : memref<2048xf32, #tpu.memory_space<vmem>>, vector<16xf32>,
    %swap3A_887 = vector.shape_cast %swap3A_886 : vector<16xf32> to vector<16xf32>
    %swap3A_888 = vector.shape_cast %mul3A_884 : vector<16xf32> to vector<16xf32>
    tpu.vector_store %arg6[%swap3A_885], %swap3A_888 {strides = array<i32>} : memref<2048xf32, #tpu.memory_space<vmem>>, vector<16xf32>,
    %get3A_889 = arith.constant 928 : index
    %get3A_890 = tpu.vector_load %arg6[%get3A_889] {strides = array<i32>} : memref<2048xf32, #tpu.memory_space<vmem>>, vector<16xf32>,
    %get3A_891 = vector.shape_cast %get3A_890 : vector<16xf32> to vector<16xf32>
    %add3A_892 = arith.addf %get3A_891, %broadcast_in_dim3A : vector<16xf32>
    %get3A_893 = arith.constant 928 : index
    %get3A_894 = tpu.vector_load %arg7[%get3A_893] {strides = array<i32>} : memref<2048xi32, #tpu.memory_space<vmem>>, vector<16xi32>,
    %get3A_895 = vector.shape_cast %get3A_894 : vector<16xi32> to vector<16xi32>
    %convert_element_type3A_896 = arith.sitofp %get3A_895 : vector<16xi32> to vector<16xf32>
    %mul3A_897 = arith.mulf %add3A_892, %convert_element_type3A_896 : vector<16xf32>
    %swap3A_898 = arith.constant 928 : index
    %swap3A_899 = tpu.vector_load %arg6[%swap3A_898] {strides = array<i32>} : memref<2048xf32, #tpu.memory_space<vmem>>, vector<16xf32>,
    %swap3A_900 = vector.shape_cast %swap3A_899 : vector<16xf32> to vector<16xf32>
    %swap3A_901 = vector.shape_cast %mul3A_897 : vector<16xf32> to vector<16xf32>
    tpu.vector_store %arg6[%swap3A_898], %swap3A_901 {strides = array<i32>} : memref<2048xf32, #tpu.memory_space<vmem>>, vector<16xf32>,
    %get3A_902 = arith.constant 944 : index
    %get3A_903 = tpu.vector_load %arg6[%get3A_902] {strides = array<i32>} : memref<2048xf32, #tpu.memory_space<vmem>>, vector<16xf32>,
    %get3A_904 = vector.shape_cast %get3A_903 : vector<16xf32> to vector<16xf32>
    %add3A_905 = arith.addf %get3A_904, %broadcast_in_dim3A : vector<16xf32>
    %get3A_906 = arith.constant 944 : index
    %get3A_907 = tpu.vector_load %arg7[%get3A_906] {strides = array<i32>} : memref<2048xi32, #tpu.memory_space<vmem>>, vector<16xi32>,
    %get3A_908 = vector.shape_cast %get3A_907 : vector<16xi32> to vector<16xi32>
    %convert_element_type3A_909 = arith.sitofp %get3A_908 : vector<16xi32> to vector<16xf32>
    %mul3A_910 = arith.mulf %add3A_905, %convert_element_type3A_909 : vector<16xf32>
    %swap3A_911 = arith.constant 944 : index
    %swap3A_912 = tpu.vector_load %arg6[%swap3A_911] {strides = array<i32>} : memref<2048xf32, #tpu.memory_space<vmem>>, vector<16xf32>,
    %swap3A_913 = vector.shape_cast %swap3A_912 : vector<16xf32> to vector<16xf32>
    %swap3A_914 = vector.shape_cast %mul3A_910 : vector<16xf32> to vector<16xf32>
    tpu.vector_store %arg6[%swap3A_911], %swap3A_914 {strides = array<i32>} : memref<2048xf32, #tpu.memory_space<vmem>>, vector<16xf32>,
    %get3A_915 = arith.constant 960 : index
    %get3A_916 = tpu.vector_load %arg6[%get3A_915] {strides = array<i32>} : memref<2048xf32, #tpu.memory_space<vmem>>, vector<16xf32>,
    %get3A_917 = vector.shape_cast %get3A_916 : vector<16xf32> to vector<16xf32>
    %add3A_918 = arith.addf %get3A_917, %broadcast_in_dim3A : vector<16xf32>
    %get3A_919 = arith.constant 960 : index
    %get3A_920 = tpu.vector_load %arg7[%get3A_919] {strides = array<i32>} : memref<2048xi32, #tpu.memory_space<vmem>>, vector<16xi32>,
    %get3A_921 = vector.shape_cast %get3A_920 : vector<16xi32> to vector<16xi32>
    %convert_element_type3A_922 = arith.sitofp %get3A_921 : vector<16xi32> to vector<16xf32>
    %mul3A_923 = arith.mulf %add3A_918, %convert_element_type3A_922 : vector<16xf32>
    %swap3A_924 = arith.constant 960 : index
    %swap3A_925 = tpu.vector_load %arg6[%swap3A_924] {strides = array<i32>} : memref<2048xf32, #tpu.memory_space<vmem>>, vector<16xf32>,
    %swap3A_926 = vector.shape_cast %swap3A_925 : vector<16xf32> to vector<16xf32>
    %swap3A_927 = vector.shape_cast %mul3A_923 : vector<16xf32> to vector<16xf32>
    tpu.vector_store %arg6[%swap3A_924], %swap3A_927 {strides = array<i32>} : memref<2048xf32, #tpu.memory_space<vmem>>, vector<16xf32>,
    %get3A_928 = arith.constant 976 : index
    %get3A_929 = tpu.vector_load %arg6[%get3A_928] {strides = array<i32>} : memref<2048xf32, #tpu.memory_space<vmem>>, vector<16xf32>,
    %get3A_930 = vector.shape_cast %get3A_929 : vector<16xf32> to vector<16xf32>
    %add3A_931 = arith.addf %get3A_930, %broadcast_in_dim3A : vector<16xf32>
    %get3A_932 = arith.constant 976 : index
    %get3A_933 = tpu.vector_load %arg7[%get3A_932] {strides = array<i32>} : memref<2048xi32, #tpu.memory_space<vmem>>, vector<16xi32>,
    %get3A_934 = vector.shape_cast %get3A_933 : vector<16xi32> to vector<16xi32>
    %convert_element_type3A_935 = arith.sitofp %get3A_934 : vector<16xi32> to vector<16xf32>
    %mul3A_936 = arith.mulf %add3A_931, %convert_element_type3A_935 : vector<16xf32>
    %swap3A_937 = arith.constant 976 : index
    %swap3A_938 = tpu.vector_load %arg6[%swap3A_937] {strides = array<i32>} : memref<2048xf32, #tpu.memory_space<vmem>>, vector<16xf32>,
    %swap3A_939 = vector.shape_cast %swap3A_938 : vector<16xf32> to vector<16xf32>
    %swap3A_940 = vector.shape_cast %mul3A_936 : vector<16xf32> to vector<16xf32>
    tpu.vector_store %arg6[%swap3A_937], %swap3A_940 {strides = array<i32>} : memref<2048xf32, #tpu.memory_space<vmem>>, vector<16xf32>,
    %get3A_941 = arith.constant 992 : index
    %get3A_942 = tpu.vector_load %arg6[%get3A_941] {strides = array<i32>} : memref<2048xf32, #tpu.memory_space<vmem>>, vector<16xf32>,
    %get3A_943 = vector.shape_cast %get3A_942 : vector<16xf32> to vector<16xf32>
    %add3A_944 = arith.addf %get3A_943, %broadcast_in_dim3A : vector<16xf32>
    %get3A_945 = arith.constant 992 : index
    %get3A_946 = tpu.vector_load %arg7[%get3A_945] {strides = array<i32>} : memref<2048xi32, #tpu.memory_space<vmem>>, vector<16xi32>,
    %get3A_947 = vector.shape_cast %get3A_946 : vector<16xi32> to vector<16xi32>
    %convert_element_type3A_948 = arith.sitofp %get3A_947 : vector<16xi32> to vector<16xf32>
    %mul3A_949 = arith.mulf %add3A_944, %convert_element_type3A_948 : vector<16xf32>
    %swap3A_950 = arith.constant 992 : index
    %swap3A_951 = tpu.vector_load %arg6[%swap3A_950] {strides = array<i32>} : memref<2048xf32, #tpu.memory_space<vmem>>, vector<16xf32>,
    %swap3A_952 = vector.shape_cast %swap3A_951 : vector<16xf32> to vector<16xf32>
    %swap3A_953 = vector.shape_cast %mul3A_949 : vector<16xf32> to vector<16xf32>
    tpu.vector_store %arg6[%swap3A_950], %swap3A_953 {strides = array<i32>} : memref<2048xf32, #tpu.memory_space<vmem>>, vector<16xf32>,
    %get3A_954 = arith.constant 1008 : index
    %get3A_955 = tpu.vector_load %arg6[%get3A_954] {strides = array<i32>} : memref<2048xf32, #tpu.memory_space<vmem>>, vector<16xf32>,
    %get3A_956 = vector.shape_cast %get3A_955 : vector<16xf32> to vector<16xf32>
    %add3A_957 = arith.addf %get3A_956, %broadcast_in_dim3A : vector<16xf32>
    %get3A_958 = arith.constant 1008 : index
    %get3A_959 = tpu.vector_load %arg7[%get3A_958] {strides = array<i32>} : memref<2048xi32, #tpu.memory_space<vmem>>, vector<16xi32>,
    %get3A_960 = vector.shape_cast %get3A_959 : vector<16xi32> to vector<16xi32>
    %convert_element_type3A_961 = arith.sitofp %get3A_960 : vector<16xi32> to vector<16xf32>
    %mul3A_962 = arith.mulf %add3A_957, %convert_element_type3A_961 : vector<16xf32>
    %swap3A_963 = arith.constant 1008 : index
    %swap3A_964 = tpu.vector_load %arg6[%swap3A_963] {strides = array<i32>} : memref<2048xf32, #tpu.memory_space<vmem>>, vector<16xf32>,
    %swap3A_965 = vector.shape_cast %swap3A_964 : vector<16xf32> to vector<16xf32>
    %swap3A_966 = vector.shape_cast %mul3A_962 : vector<16xf32> to vector<16xf32>
    tpu.vector_store %arg6[%swap3A_963], %swap3A_966 {strides = array<i32>} : memref<2048xf32, #tpu.memory_space<vmem>>, vector<16xf32>,
    %dma_start3A_967 = arith.constant 512 : i32
    %dma_start3A_968 = tpu.memref_slice %arg6[%dma_start3A_967] : memref<2048xf32, #tpu.memory_space<vmem>> -> memref<512xf32, #tpu.memory_space<vmem>>
    %dma_start3A_969 = arith.constant 512 : i32
    %dma_start3A_970 = tpu.memref_slice %arg5[%add3A, %dma_start3A_969] : memref<16x2048xf32, #tpu.memory_space<hbm>> -> memref<1x512xf32, #tpu.memory_space<hbm>>
    %dma_start3A_971 = tpu.memref_squeeze %dma_start3A_970 : memref<1x512xf32, #tpu.memory_space<hbm>> -> memref<512xf32, #tpu.memory_space<hbm>>
    %dma_start3A_972 = arith.constant 512 : i32
    %dma_start3A_973 = tpu.memref_slice %arg5[%add3A, %dma_start3A_972] : memref<16x2048xf32, #tpu.memory_space<hbm>> -> memref<1x512xf32, #tpu.memory_space<hbm>>
    %dma_start3A_974 = tpu.memref_squeeze %dma_start3A_973 : memref<1x512xf32, #tpu.memory_space<hbm>> -> memref<512xf32, #tpu.memory_space<hbm>>
    %dma_start3A_975 = arith.constant 512 : i32
    %dma_start3A_976 = tpu.memref_slice %arg6[%dma_start3A_975] : memref<2048xf32, #tpu.memory_space<vmem>> -> memref<512xf32, #tpu.memory_space<vmem>>
    tpu.enqueue_dma source(%dma_start3A_976 : memref<512xf32, #tpu.memory_space<vmem>>) target(%dma_start3A_974 : memref<512xf32, #tpu.memory_space<hbm>>) target_semaphore(%arg10 : memref<!tpu.dma_semaphore, #tpu.memory_space<semaphore_mem>>)
    %dma_wait3A_977 = arith.constant 1024 : i32
    %dma_wait3A_978 = tpu.memref_slice %arg6[%dma_wait3A_977] : memref<2048xf32, #tpu.memory_space<vmem>> -> memref<512xf32, #tpu.memory_space<vmem>>
    %dma_wait3A_979 = arith.constant 1024 : i32
    %dma_wait3A_980 = tpu.memref_slice %arg2[%add3A, %dma_wait3A_979] : memref<16x2048xf32, #tpu.memory_space<hbm>> -> memref<1x512xf32, #tpu.memory_space<hbm>>
    %dma_wait3A_981 = tpu.memref_squeeze %dma_wait3A_980 : memref<1x512xf32, #tpu.memory_space<hbm>> -> memref<512xf32, #tpu.memory_space<hbm>>
    %dma_wait3A_982 = arith.constant 1024 : i32
    %dma_wait3A_983 = tpu.memref_slice %arg6[%dma_wait3A_982] : memref<2048xf32, #tpu.memory_space<vmem>> -> memref<512xf32, #tpu.memory_space<vmem>>
    %dma_wait3A_984 = arith.constant 1024 : i32
    %dma_wait3A_985 = tpu.memref_slice %arg2[%add3A, %dma_wait3A_984] : memref<16x2048xf32, #tpu.memory_space<hbm>> -> memref<1x512xf32, #tpu.memory_space<hbm>>
    %dma_wait3A_986 = tpu.memref_squeeze %dma_wait3A_985 : memref<1x512xf32, #tpu.memory_space<hbm>> -> memref<512xf32, #tpu.memory_space<hbm>>
    tpu.wait_dma2 semaphore(%arg9 : memref<!tpu.dma_semaphore, #tpu.memory_space<semaphore_mem>>) src(%dma_wait3A_986 : memref<512xf32, #tpu.memory_space<hbm>>) dst(%dma_wait3A_983 : memref<512xf32, #tpu.memory_space<vmem>>)
    %dma_wait3A_987 = arith.constant 1024 : i32
    %dma_wait3A_988 = tpu.memref_slice %arg7[%dma_wait3A_987] : memref<2048xi32, #tpu.memory_space<vmem>> -> memref<512xi32, #tpu.memory_space<vmem>>
    %dma_wait3A_989 = arith.constant 1024 : i32
    %dma_wait3A_990 = tpu.memref_slice %arg3[%add3A, %dma_wait3A_989] : memref<16x2048xi32, #tpu.memory_space<hbm>> -> memref<1x512xi32, #tpu.memory_space<hbm>>
    %dma_wait3A_991 = tpu.memref_squeeze %dma_wait3A_990 : memref<1x512xi32, #tpu.memory_space<hbm>> -> memref<512xi32, #tpu.memory_space<hbm>>
    %dma_wait3A_992 = arith.constant 1024 : i32
    %dma_wait3A_993 = tpu.memref_slice %arg7[%dma_wait3A_992] : memref<2048xi32, #tpu.memory_space<vmem>> -> memref<512xi32, #tpu.memory_space<vmem>>
    %dma_wait3A_994 = arith.constant 1024 : i32
    %dma_wait3A_995 = tpu.memref_slice %arg3[%add3A, %dma_wait3A_994] : memref<16x2048xi32, #tpu.memory_space<hbm>> -> memref<1x512xi32, #tpu.memory_space<hbm>>
    %dma_wait3A_996 = tpu.memref_squeeze %dma_wait3A_995 : memref<1x512xi32, #tpu.memory_space<hbm>> -> memref<512xi32, #tpu.memory_space<hbm>>
    tpu.wait_dma2 semaphore(%arg9 : memref<!tpu.dma_semaphore, #tpu.memory_space<semaphore_mem>>) src(%dma_wait3A_996 : memref<512xi32, #tpu.memory_space<hbm>>) dst(%dma_wait3A_993 : memref<512xi32, #tpu.memory_space<vmem>>)
    %get3A_997 = arith.constant 1024 : index
    %get3A_998 = tpu.vector_load %arg6[%get3A_997] {strides = array<i32>} : memref<2048xf32, #tpu.memory_space<vmem>>, vector<16xf32>,
    %get3A_999 = vector.shape_cast %get3A_998 : vector<16xf32> to vector<16xf32>
    %add3A_1000 = arith.addf %get3A_999, %broadcast_in_dim3A : vector<16xf32>
    %get3A_1001 = arith.constant 1024 : index
    %get3A_1002 = tpu.vector_load %arg7[%get3A_1001] {strides = array<i32>} : memref<2048xi32, #tpu.memory_space<vmem>>, vector<16xi32>,
    %get3A_1003 = vector.shape_cast %get3A_1002 : vector<16xi32> to vector<16xi32>
    %convert_element_type3A_1004 = arith.sitofp %get3A_1003 : vector<16xi32> to vector<16xf32>
    %mul3A_1005 = arith.mulf %add3A_1000, %convert_element_type3A_1004 : vector<16xf32>
    %swap3A_1006 = arith.constant 1024 : index
    %swap3A_1007 = tpu.vector_load %arg6[%swap3A_1006] {strides = array<i32>} : memref<2048xf32, #tpu.memory_space<vmem>>, vector<16xf32>,
    %swap3A_1008 = vector.shape_cast %swap3A_1007 : vector<16xf32> to vector<16xf32>
    %swap3A_1009 = vector.shape_cast %mul3A_1005 : vector<16xf32> to vector<16xf32>
    tpu.vector_store %arg6[%swap3A_1006], %swap3A_1009 {strides = array<i32>} : memref<2048xf32, #tpu.memory_space<vmem>>, vector<16xf32>,
    %get3A_1010 = arith.constant 1040 : index
    %get3A_1011 = tpu.vector_load %arg6[%get3A_1010] {strides = array<i32>} : memref<2048xf32, #tpu.memory_space<vmem>>, vector<16xf32>,
    %get3A_1012 = vector.shape_cast %get3A_1011 : vector<16xf32> to vector<16xf32>
    %add3A_1013 = arith.addf %get3A_1012, %broadcast_in_dim3A : vector<16xf32>
    %get3A_1014 = arith.constant 1040 : index
    %get3A_1015 = tpu.vector_load %arg7[%get3A_1014] {strides = array<i32>} : memref<2048xi32, #tpu.memory_space<vmem>>, vector<16xi32>,
    %get3A_1016 = vector.shape_cast %get3A_1015 : vector<16xi32> to vector<16xi32>
    %convert_element_type3A_1017 = arith.sitofp %get3A_1016 : vector<16xi32> to vector<16xf32>
    %mul3A_1018 = arith.mulf %add3A_1013, %convert_element_type3A_1017 : vector<16xf32>
    %swap3A_1019 = arith.constant 1040 : index
    %swap3A_1020 = tpu.vector_load %arg6[%swap3A_1019] {strides = array<i32>} : memref<2048xf32, #tpu.memory_space<vmem>>, vector<16xf32>,
    %swap3A_1021 = vector.shape_cast %swap3A_1020 : vector<16xf32> to vector<16xf32>
    %swap3A_1022 = vector.shape_cast %mul3A_1018 : vector<16xf32> to vector<16xf32>
    tpu.vector_store %arg6[%swap3A_1019], %swap3A_1022 {strides = array<i32>} : memref<2048xf32, #tpu.memory_space<vmem>>, vector<16xf32>,
    %get3A_1023 = arith.constant 1056 : index
    %get3A_1024 = tpu.vector_load %arg6[%get3A_1023] {strides = array<i32>} : memref<2048xf32, #tpu.memory_space<vmem>>, vector<16xf32>,
    %get3A_1025 = vector.shape_cast %get3A_1024 : vector<16xf32> to vector<16xf32>
    %add3A_1026 = arith.addf %get3A_1025, %broadcast_in_dim3A : vector<16xf32>
    %get3A_1027 = arith.constant 1056 : index
    %get3A_1028 = tpu.vector_load %arg7[%get3A_1027] {strides = array<i32>} : memref<2048xi32, #tpu.memory_space<vmem>>, vector<16xi32>,
    %get3A_1029 = vector.shape_cast %get3A_1028 : vector<16xi32> to vector<16xi32>
    %convert_element_type3A_1030 = arith.sitofp %get3A_1029 : vector<16xi32> to vector<16xf32>
    %mul3A_1031 = arith.mulf %add3A_1026, %convert_element_type3A_1030 : vector<16xf32>
    %swap3A_1032 = arith.constant 1056 : index
    %swap3A_1033 = tpu.vector_load %arg6[%swap3A_1032] {strides = array<i32>} : memref<2048xf32, #tpu.memory_space<vmem>>, vector<16xf32>,
    %swap3A_1034 = vector.shape_cast %swap3A_1033 : vector<16xf32> to vector<16xf32>
    %swap3A_1035 = vector.shape_cast %mul3A_1031 : vector<16xf32> to vector<16xf32>
    tpu.vector_store %arg6[%swap3A_1032], %swap3A_1035 {strides = array<i32>} : memref<2048xf32, #tpu.memory_space<vmem>>, vector<16xf32>,
    %get3A_1036 = arith.constant 1072 : index
    %get3A_1037 = tpu.vector_load %arg6[%get3A_1036] {strides = array<i32>} : memref<2048xf32, #tpu.memory_space<vmem>>, vector<16xf32>,
    %get3A_1038 = vector.shape_cast %get3A_1037 : vector<16xf32> to vector<16xf32>
    %add3A_1039 = arith.addf %get3A_1038, %broadcast_in_dim3A : vector<16xf32>
    %get3A_1040 = arith.constant 1072 : index
    %get3A_1041 = tpu.vector_load %arg7[%get3A_1040] {strides = array<i32>} : memref<2048xi32, #tpu.memory_space<vmem>>, vector<16xi32>,
    %get3A_1042 = vector.shape_cast %get3A_1041 : vector<16xi32> to vector<16xi32>
    %convert_element_type3A_1043 = arith.sitofp %get3A_1042 : vector<16xi32> to vector<16xf32>
    %mul3A_1044 = arith.mulf %add3A_1039, %convert_element_type3A_1043 : vector<16xf32>
    %swap3A_1045 = arith.constant 1072 : index
    %swap3A_1046 = tpu.vector_load %arg6[%swap3A_1045] {strides = array<i32>} : memref<2048xf32, #tpu.memory_space<vmem>>, vector<16xf32>,
    %swap3A_1047 = vector.shape_cast %swap3A_1046 : vector<16xf32> to vector<16xf32>
    %swap3A_1048 = vector.shape_cast %mul3A_1044 : vector<16xf32> to vector<16xf32>
    tpu.vector_store %arg6[%swap3A_1045], %swap3A_1048 {strides = array<i32>} : memref<2048xf32, #tpu.memory_space<vmem>>, vector<16xf32>,
    %get3A_1049 = arith.constant 1088 : index
    %get3A_1050 = tpu.vector_load %arg6[%get3A_1049] {strides = array<i32>} : memref<2048xf32, #tpu.memory_space<vmem>>, vector<16xf32>,
    %get3A_1051 = vector.shape_cast %get3A_1050 : vector<16xf32> to vector<16xf32>
    %add3A_1052 = arith.addf %get3A_1051, %broadcast_in_dim3A : vector<16xf32>
    %get3A_1053 = arith.constant 1088 : index
    %get3A_1054 = tpu.vector_load %arg7[%get3A_1053] {strides = array<i32>} : memref<2048xi32, #tpu.memory_space<vmem>>, vector<16xi32>,
    %get3A_1055 = vector.shape_cast %get3A_1054 : vector<16xi32> to vector<16xi32>
    %convert_element_type3A_1056 = arith.sitofp %get3A_1055 : vector<16xi32> to vector<16xf32>
    %mul3A_1057 = arith.mulf %add3A_1052, %convert_element_type3A_1056 : vector<16xf32>
    %swap3A_1058 = arith.constant 1088 : index
    %swap3A_1059 = tpu.vector_load %arg6[%swap3A_1058] {strides = array<i32>} : memref<2048xf32, #tpu.memory_space<vmem>>, vector<16xf32>,
    %swap3A_1060 = vector.shape_cast %swap3A_1059 : vector<16xf32> to vector<16xf32>
    %swap3A_1061 = vector.shape_cast %mul3A_1057 : vector<16xf32> to vector<16xf32>
    tpu.vector_store %arg6[%swap3A_1058], %swap3A_1061 {strides = array<i32>} : memref<2048xf32, #tpu.memory_space<vmem>>, vector<16xf32>,
    %get3A_1062 = arith.constant 1104 : index
    %get3A_1063 = tpu.vector_load %arg6[%get3A_1062] {strides = array<i32>} : memref<2048xf32, #tpu.memory_space<vmem>>, vector<16xf32>,
    %get3A_1064 = vector.shape_cast %get3A_1063 : vector<16xf32> to vector<16xf32>
    %add3A_1065 = arith.addf %get3A_1064, %broadcast_in_dim3A : vector<16xf32>
    %get3A_1066 = arith.constant 1104 : index
    %get3A_1067 = tpu.vector_load %arg7[%get3A_1066] {strides = array<i32>} : memref<2048xi32, #tpu.memory_space<vmem>>, vector<16xi32>,
    %get3A_1068 = vector.shape_cast %get3A_1067 : vector<16xi32> to vector<16xi32>
    %convert_element_type3A_1069 = arith.sitofp %get3A_1068 : vector<16xi32> to vector<16xf32>
    %mul3A_1070 = arith.mulf %add3A_1065, %convert_element_type3A_1069 : vector<16xf32>
    %swap3A_1071 = arith.constant 1104 : index
    %swap3A_1072 = tpu.vector_load %arg6[%swap3A_1071] {strides = array<i32>} : memref<2048xf32, #tpu.memory_space<vmem>>, vector<16xf32>,
    %swap3A_1073 = vector.shape_cast %swap3A_1072 : vector<16xf32> to vector<16xf32>
    %swap3A_1074 = vector.shape_cast %mul3A_1070 : vector<16xf32> to vector<16xf32>
    tpu.vector_store %arg6[%swap3A_1071], %swap3A_1074 {strides = array<i32>} : memref<2048xf32, #tpu.memory_space<vmem>>, vector<16xf32>,
    %get3A_1075 = arith.constant 1120 : index
    %get3A_1076 = tpu.vector_load %arg6[%get3A_1075] {strides = array<i32>} : memref<2048xf32, #tpu.memory_space<vmem>>, vector<16xf32>,
    %get3A_1077 = vector.shape_cast %get3A_1076 : vector<16xf32> to vector<16xf32>
    %add3A_1078 = arith.addf %get3A_1077, %broadcast_in_dim3A : vector<16xf32>
    %get3A_1079 = arith.constant 1120 : index
    %get3A_1080 = tpu.vector_load %arg7[%get3A_1079] {strides = array<i32>} : memref<2048xi32, #tpu.memory_space<vmem>>, vector<16xi32>,
    %get3A_1081 = vector.shape_cast %get3A_1080 : vector<16xi32> to vector<16xi32>
    %convert_element_type3A_1082 = arith.sitofp %get3A_1081 : vector<16xi32> to vector<16xf32>
    %mul3A_1083 = arith.mulf %add3A_1078, %convert_element_type3A_1082 : vector<16xf32>
    %swap3A_1084 = arith.constant 1120 : index
    %swap3A_1085 = tpu.vector_load %arg6[%swap3A_1084] {strides = array<i32>} : memref<2048xf32, #tpu.memory_space<vmem>>, vector<16xf32>,
    %swap3A_1086 = vector.shape_cast %swap3A_1085 : vector<16xf32> to vector<16xf32>
    %swap3A_1087 = vector.shape_cast %mul3A_1083 : vector<16xf32> to vector<16xf32>
    tpu.vector_store %arg6[%swap3A_1084], %swap3A_1087 {strides = array<i32>} : memref<2048xf32, #tpu.memory_space<vmem>>, vector<16xf32>,
    %get3A_1088 = arith.constant 1136 : index
    %get3A_1089 = tpu.vector_load %arg6[%get3A_1088] {strides = array<i32>} : memref<2048xf32, #tpu.memory_space<vmem>>, vector<16xf32>,
    %get3A_1090 = vector.shape_cast %get3A_1089 : vector<16xf32> to vector<16xf32>
    %add3A_1091 = arith.addf %get3A_1090, %broadcast_in_dim3A : vector<16xf32>
    %get3A_1092 = arith.constant 1136 : index
    %get3A_1093 = tpu.vector_load %arg7[%get3A_1092] {strides = array<i32>} : memref<2048xi32, #tpu.memory_space<vmem>>, vector<16xi32>,
    %get3A_1094 = vector.shape_cast %get3A_1093 : vector<16xi32> to vector<16xi32>
    %convert_element_type3A_1095 = arith.sitofp %get3A_1094 : vector<16xi32> to vector<16xf32>
    %mul3A_1096 = arith.mulf %add3A_1091, %convert_element_type3A_1095 : vector<16xf32>
    %swap3A_1097 = arith.constant 1136 : index
    %swap3A_1098 = tpu.vector_load %arg6[%swap3A_1097] {strides = array<i32>} : memref<2048xf32, #tpu.memory_space<vmem>>, vector<16xf32>,
    %swap3A_1099 = vector.shape_cast %swap3A_1098 : vector<16xf32> to vector<16xf32>
    %swap3A_1100 = vector.shape_cast %mul3A_1096 : vector<16xf32> to vector<16xf32>
    tpu.vector_store %arg6[%swap3A_1097], %swap3A_1100 {strides = array<i32>} : memref<2048xf32, #tpu.memory_space<vmem>>, vector<16xf32>,
    %get3A_1101 = arith.constant 1152 : index
    %get3A_1102 = tpu.vector_load %arg6[%get3A_1101] {strides = array<i32>} : memref<2048xf32, #tpu.memory_space<vmem>>, vector<16xf32>,
    %get3A_1103 = vector.shape_cast %get3A_1102 : vector<16xf32> to vector<16xf32>
    %add3A_1104 = arith.addf %get3A_1103, %broadcast_in_dim3A : vector<16xf32>
    %get3A_1105 = arith.constant 1152 : index
    %get3A_1106 = tpu.vector_load %arg7[%get3A_1105] {strides = array<i32>} : memref<2048xi32, #tpu.memory_space<vmem>>, vector<16xi32>,
    %get3A_1107 = vector.shape_cast %get3A_1106 : vector<16xi32> to vector<16xi32>
    %convert_element_type3A_1108 = arith.sitofp %get3A_1107 : vector<16xi32> to vector<16xf32>
    %mul3A_1109 = arith.mulf %add3A_1104, %convert_element_type3A_1108 : vector<16xf32>
    %swap3A_1110 = arith.constant 1152 : index
    %swap3A_1111 = tpu.vector_load %arg6[%swap3A_1110] {strides = array<i32>} : memref<2048xf32, #tpu.memory_space<vmem>>, vector<16xf32>,
    %swap3A_1112 = vector.shape_cast %swap3A_1111 : vector<16xf32> to vector<16xf32>
    %swap3A_1113 = vector.shape_cast %mul3A_1109 : vector<16xf32> to vector<16xf32>
    tpu.vector_store %arg6[%swap3A_1110], %swap3A_1113 {strides = array<i32>} : memref<2048xf32, #tpu.memory_space<vmem>>, vector<16xf32>,
    %get3A_1114 = arith.constant 1168 : index
    %get3A_1115 = tpu.vector_load %arg6[%get3A_1114] {strides = array<i32>} : memref<2048xf32, #tpu.memory_space<vmem>>, vector<16xf32>,
    %get3A_1116 = vector.shape_cast %get3A_1115 : vector<16xf32> to vector<16xf32>
    %add3A_1117 = arith.addf %get3A_1116, %broadcast_in_dim3A : vector<16xf32>
    %get3A_1118 = arith.constant 1168 : index
    %get3A_1119 = tpu.vector_load %arg7[%get3A_1118] {strides = array<i32>} : memref<2048xi32, #tpu.memory_space<vmem>>, vector<16xi32>,
    %get3A_1120 = vector.shape_cast %get3A_1119 : vector<16xi32> to vector<16xi32>
    %convert_element_type3A_1121 = arith.sitofp %get3A_1120 : vector<16xi32> to vector<16xf32>
    %mul3A_1122 = arith.mulf %add3A_1117, %convert_element_type3A_1121 : vector<16xf32>
    %swap3A_1123 = arith.constant 1168 : index
    %swap3A_1124 = tpu.vector_load %arg6[%swap3A_1123] {strides = array<i32>} : memref<2048xf32, #tpu.memory_space<vmem>>, vector<16xf32>,
    %swap3A_1125 = vector.shape_cast %swap3A_1124 : vector<16xf32> to vector<16xf32>
    %swap3A_1126 = vector.shape_cast %mul3A_1122 : vector<16xf32> to vector<16xf32>
    tpu.vector_store %arg6[%swap3A_1123], %swap3A_1126 {strides = array<i32>} : memref<2048xf32, #tpu.memory_space<vmem>>, vector<16xf32>,
    %get3A_1127 = arith.constant 1184 : index
    %get3A_1128 = tpu.vector_load %arg6[%get3A_1127] {strides = array<i32>} : memref<2048xf32, #tpu.memory_space<vmem>>, vector<16xf32>,
    %get3A_1129 = vector.shape_cast %get3A_1128 : vector<16xf32> to vector<16xf32>
    %add3A_1130 = arith.addf %get3A_1129, %broadcast_in_dim3A : vector<16xf32>
    %get3A_1131 = arith.constant 1184 : index
    %get3A_1132 = tpu.vector_load %arg7[%get3A_1131] {strides = array<i32>} : memref<2048xi32, #tpu.memory_space<vmem>>, vector<16xi32>,
    %get3A_1133 = vector.shape_cast %get3A_1132 : vector<16xi32> to vector<16xi32>
    %convert_element_type3A_1134 = arith.sitofp %get3A_1133 : vector<16xi32> to vector<16xf32>
    %mul3A_1135 = arith.mulf %add3A_1130, %convert_element_type3A_1134 : vector<16xf32>
    %swap3A_1136 = arith.constant 1184 : index
    %swap3A_1137 = tpu.vector_load %arg6[%swap3A_1136] {strides = array<i32>} : memref<2048xf32, #tpu.memory_space<vmem>>, vector<16xf32>,
    %swap3A_1138 = vector.shape_cast %swap3A_1137 : vector<16xf32> to vector<16xf32>
    %swap3A_1139 = vector.shape_cast %mul3A_1135 : vector<16xf32> to vector<16xf32>
    tpu.vector_store %arg6[%swap3A_1136], %swap3A_1139 {strides = array<i32>} : memref<2048xf32, #tpu.memory_space<vmem>>, vector<16xf32>,
    %get3A_1140 = arith.constant 1200 : index
    %get3A_1141 = tpu.vector_load %arg6[%get3A_1140] {strides = array<i32>} : memref<2048xf32, #tpu.memory_space<vmem>>, vector<16xf32>,
    %get3A_1142 = vector.shape_cast %get3A_1141 : vector<16xf32> to vector<16xf32>
    %add3A_1143 = arith.addf %get3A_1142, %broadcast_in_dim3A : vector<16xf32>
    %get3A_1144 = arith.constant 1200 : index
    %get3A_1145 = tpu.vector_load %arg7[%get3A_1144] {strides = array<i32>} : memref<2048xi32, #tpu.memory_space<vmem>>, vector<16xi32>,
    %get3A_1146 = vector.shape_cast %get3A_1145 : vector<16xi32> to vector<16xi32>
    %convert_element_type3A_1147 = arith.sitofp %get3A_1146 : vector<16xi32> to vector<16xf32>
    %mul3A_1148 = arith.mulf %add3A_1143, %convert_element_type3A_1147 : vector<16xf32>
    %swap3A_1149 = arith.constant 1200 : index
    %swap3A_1150 = tpu.vector_load %arg6[%swap3A_1149] {strides = array<i32>} : memref<2048xf32, #tpu.memory_space<vmem>>, vector<16xf32>,
    %swap3A_1151 = vector.shape_cast %swap3A_1150 : vector<16xf32> to vector<16xf32>
    %swap3A_1152 = vector.shape_cast %mul3A_1148 : vector<16xf32> to vector<16xf32>
    tpu.vector_store %arg6[%swap3A_1149], %swap3A_1152 {strides = array<i32>} : memref<2048xf32, #tpu.memory_space<vmem>>, vector<16xf32>,
    %get3A_1153 = arith.constant 1216 : index
    %get3A_1154 = tpu.vector_load %arg6[%get3A_1153] {strides = array<i32>} : memref<2048xf32, #tpu.memory_space<vmem>>, vector<16xf32>,
    %get3A_1155 = vector.shape_cast %get3A_1154 : vector<16xf32> to vector<16xf32>
    %add3A_1156 = arith.addf %get3A_1155, %broadcast_in_dim3A : vector<16xf32>
    %get3A_1157 = arith.constant 1216 : index
    %get3A_1158 = tpu.vector_load %arg7[%get3A_1157] {strides = array<i32>} : memref<2048xi32, #tpu.memory_space<vmem>>, vector<16xi32>,
    %get3A_1159 = vector.shape_cast %get3A_1158 : vector<16xi32> to vector<16xi32>
    %convert_element_type3A_1160 = arith.sitofp %get3A_1159 : vector<16xi32> to vector<16xf32>
    %mul3A_1161 = arith.mulf %add3A_1156, %convert_element_type3A_1160 : vector<16xf32>
    %swap3A_1162 = arith.constant 1216 : index
    %swap3A_1163 = tpu.vector_load %arg6[%swap3A_1162] {strides = array<i32>} : memref<2048xf32, #tpu.memory_space<vmem>>, vector<16xf32>,
    %swap3A_1164 = vector.shape_cast %swap3A_1163 : vector<16xf32> to vector<16xf32>
    %swap3A_1165 = vector.shape_cast %mul3A_1161 : vector<16xf32> to vector<16xf32>
    tpu.vector_store %arg6[%swap3A_1162], %swap3A_1165 {strides = array<i32>} : memref<2048xf32, #tpu.memory_space<vmem>>, vector<16xf32>,
    %get3A_1166 = arith.constant 1232 : index
    %get3A_1167 = tpu.vector_load %arg6[%get3A_1166] {strides = array<i32>} : memref<2048xf32, #tpu.memory_space<vmem>>, vector<16xf32>,
    %get3A_1168 = vector.shape_cast %get3A_1167 : vector<16xf32> to vector<16xf32>
    %add3A_1169 = arith.addf %get3A_1168, %broadcast_in_dim3A : vector<16xf32>
    %get3A_1170 = arith.constant 1232 : index
    %get3A_1171 = tpu.vector_load %arg7[%get3A_1170] {strides = array<i32>} : memref<2048xi32, #tpu.memory_space<vmem>>, vector<16xi32>,
    %get3A_1172 = vector.shape_cast %get3A_1171 : vector<16xi32> to vector<16xi32>
    %convert_element_type3A_1173 = arith.sitofp %get3A_1172 : vector<16xi32> to vector<16xf32>
    %mul3A_1174 = arith.mulf %add3A_1169, %convert_element_type3A_1173 : vector<16xf32>
    %swap3A_1175 = arith.constant 1232 : index
    %swap3A_1176 = tpu.vector_load %arg6[%swap3A_1175] {strides = array<i32>} : memref<2048xf32, #tpu.memory_space<vmem>>, vector<16xf32>,
    %swap3A_1177 = vector.shape_cast %swap3A_1176 : vector<16xf32> to vector<16xf32>
    %swap3A_1178 = vector.shape_cast %mul3A_1174 : vector<16xf32> to vector<16xf32>
    tpu.vector_store %arg6[%swap3A_1175], %swap3A_1178 {strides = array<i32>} : memref<2048xf32, #tpu.memory_space<vmem>>, vector<16xf32>,
    %get3A_1179 = arith.constant 1248 : index
    %get3A_1180 = tpu.vector_load %arg6[%get3A_1179] {strides = array<i32>} : memref<2048xf32, #tpu.memory_space<vmem>>, vector<16xf32>,
    %get3A_1181 = vector.shape_cast %get3A_1180 : vector<16xf32> to vector<16xf32>
    %add3A_1182 = arith.addf %get3A_1181, %broadcast_in_dim3A : vector<16xf32>
    %get3A_1183 = arith.constant 1248 : index
    %get3A_1184 = tpu.vector_load %arg7[%get3A_1183] {strides = array<i32>} : memref<2048xi32, #tpu.memory_space<vmem>>, vector<16xi32>,
    %get3A_1185 = vector.shape_cast %get3A_1184 : vector<16xi32> to vector<16xi32>
    %convert_element_type3A_1186 = arith.sitofp %get3A_1185 : vector<16xi32> to vector<16xf32>
    %mul3A_1187 = arith.mulf %add3A_1182, %convert_element_type3A_1186 : vector<16xf32>
    %swap3A_1188 = arith.constant 1248 : index
    %swap3A_1189 = tpu.vector_load %arg6[%swap3A_1188] {strides = array<i32>} : memref<2048xf32, #tpu.memory_space<vmem>>, vector<16xf32>,
    %swap3A_1190 = vector.shape_cast %swap3A_1189 : vector<16xf32> to vector<16xf32>
    %swap3A_1191 = vector.shape_cast %mul3A_1187 : vector<16xf32> to vector<16xf32>
    tpu.vector_store %arg6[%swap3A_1188], %swap3A_1191 {strides = array<i32>} : memref<2048xf32, #tpu.memory_space<vmem>>, vector<16xf32>,
    %get3A_1192 = arith.constant 1264 : index
    %get3A_1193 = tpu.vector_load %arg6[%get3A_1192] {strides = array<i32>} : memref<2048xf32, #tpu.memory_space<vmem>>, vector<16xf32>,
    %get3A_1194 = vector.shape_cast %get3A_1193 : vector<16xf32> to vector<16xf32>
    %add3A_1195 = arith.addf %get3A_1194, %broadcast_in_dim3A : vector<16xf32>
    %get3A_1196 = arith.constant 1264 : index
    %get3A_1197 = tpu.vector_load %arg7[%get3A_1196] {strides = array<i32>} : memref<2048xi32, #tpu.memory_space<vmem>>, vector<16xi32>,
    %get3A_1198 = vector.shape_cast %get3A_1197 : vector<16xi32> to vector<16xi32>
    %convert_element_type3A_1199 = arith.sitofp %get3A_1198 : vector<16xi32> to vector<16xf32>
    %mul3A_1200 = arith.mulf %add3A_1195, %convert_element_type3A_1199 : vector<16xf32>
    %swap3A_1201 = arith.constant 1264 : index
    %swap3A_1202 = tpu.vector_load %arg6[%swap3A_1201] {strides = array<i32>} : memref<2048xf32, #tpu.memory_space<vmem>>, vector<16xf32>,
    %swap3A_1203 = vector.shape_cast %swap3A_1202 : vector<16xf32> to vector<16xf32>
    %swap3A_1204 = vector.shape_cast %mul3A_1200 : vector<16xf32> to vector<16xf32>
    tpu.vector_store %arg6[%swap3A_1201], %swap3A_1204 {strides = array<i32>} : memref<2048xf32, #tpu.memory_space<vmem>>, vector<16xf32>,
    %get3A_1205 = arith.constant 1280 : index
    %get3A_1206 = tpu.vector_load %arg6[%get3A_1205] {strides = array<i32>} : memref<2048xf32, #tpu.memory_space<vmem>>, vector<16xf32>,
    %get3A_1207 = vector.shape_cast %get3A_1206 : vector<16xf32> to vector<16xf32>
    %add3A_1208 = arith.addf %get3A_1207, %broadcast_in_dim3A : vector<16xf32>
    %get3A_1209 = arith.constant 1280 : index
    %get3A_1210 = tpu.vector_load %arg7[%get3A_1209] {strides = array<i32>} : memref<2048xi32, #tpu.memory_space<vmem>>, vector<16xi32>,
    %get3A_1211 = vector.shape_cast %get3A_1210 : vector<16xi32> to vector<16xi32>
    %convert_element_type3A_1212 = arith.sitofp %get3A_1211 : vector<16xi32> to vector<16xf32>
    %mul3A_1213 = arith.mulf %add3A_1208, %convert_element_type3A_1212 : vector<16xf32>
    %swap3A_1214 = arith.constant 1280 : index
    %swap3A_1215 = tpu.vector_load %arg6[%swap3A_1214] {strides = array<i32>} : memref<2048xf32, #tpu.memory_space<vmem>>, vector<16xf32>,
    %swap3A_1216 = vector.shape_cast %swap3A_1215 : vector<16xf32> to vector<16xf32>
    %swap3A_1217 = vector.shape_cast %mul3A_1213 : vector<16xf32> to vector<16xf32>
    tpu.vector_store %arg6[%swap3A_1214], %swap3A_1217 {strides = array<i32>} : memref<2048xf32, #tpu.memory_space<vmem>>, vector<16xf32>,
    %get3A_1218 = arith.constant 1296 : index
    %get3A_1219 = tpu.vector_load %arg6[%get3A_1218] {strides = array<i32>} : memref<2048xf32, #tpu.memory_space<vmem>>, vector<16xf32>,
    %get3A_1220 = vector.shape_cast %get3A_1219 : vector<16xf32> to vector<16xf32>
    %add3A_1221 = arith.addf %get3A_1220, %broadcast_in_dim3A : vector<16xf32>
    %get3A_1222 = arith.constant 1296 : index
    %get3A_1223 = tpu.vector_load %arg7[%get3A_1222] {strides = array<i32>} : memref<2048xi32, #tpu.memory_space<vmem>>, vector<16xi32>,
    %get3A_1224 = vector.shape_cast %get3A_1223 : vector<16xi32> to vector<16xi32>
    %convert_element_type3A_1225 = arith.sitofp %get3A_1224 : vector<16xi32> to vector<16xf32>
    %mul3A_1226 = arith.mulf %add3A_1221, %convert_element_type3A_1225 : vector<16xf32>
    %swap3A_1227 = arith.constant 1296 : index
    %swap3A_1228 = tpu.vector_load %arg6[%swap3A_1227] {strides = array<i32>} : memref<2048xf32, #tpu.memory_space<vmem>>, vector<16xf32>,
    %swap3A_1229 = vector.shape_cast %swap3A_1228 : vector<16xf32> to vector<16xf32>
    %swap3A_1230 = vector.shape_cast %mul3A_1226 : vector<16xf32> to vector<16xf32>
    tpu.vector_store %arg6[%swap3A_1227], %swap3A_1230 {strides = array<i32>} : memref<2048xf32, #tpu.memory_space<vmem>>, vector<16xf32>,
    %get3A_1231 = arith.constant 1312 : index
    %get3A_1232 = tpu.vector_load %arg6[%get3A_1231] {strides = array<i32>} : memref<2048xf32, #tpu.memory_space<vmem>>, vector<16xf32>,
    %get3A_1233 = vector.shape_cast %get3A_1232 : vector<16xf32> to vector<16xf32>
    %add3A_1234 = arith.addf %get3A_1233, %broadcast_in_dim3A : vector<16xf32>
    %get3A_1235 = arith.constant 1312 : index
    %get3A_1236 = tpu.vector_load %arg7[%get3A_1235] {strides = array<i32>} : memref<2048xi32, #tpu.memory_space<vmem>>, vector<16xi32>,
    %get3A_1237 = vector.shape_cast %get3A_1236 : vector<16xi32> to vector<16xi32>
    %convert_element_type3A_1238 = arith.sitofp %get3A_1237 : vector<16xi32> to vector<16xf32>
    %mul3A_1239 = arith.mulf %add3A_1234, %convert_element_type3A_1238 : vector<16xf32>
    %swap3A_1240 = arith.constant 1312 : index
    %swap3A_1241 = tpu.vector_load %arg6[%swap3A_1240] {strides = array<i32>} : memref<2048xf32, #tpu.memory_space<vmem>>, vector<16xf32>,
    %swap3A_1242 = vector.shape_cast %swap3A_1241 : vector<16xf32> to vector<16xf32>
    %swap3A_1243 = vector.shape_cast %mul3A_1239 : vector<16xf32> to vector<16xf32>
    tpu.vector_store %arg6[%swap3A_1240], %swap3A_1243 {strides = array<i32>} : memref<2048xf32, #tpu.memory_space<vmem>>, vector<16xf32>,
    %get3A_1244 = arith.constant 1328 : index
    %get3A_1245 = tpu.vector_load %arg6[%get3A_1244] {strides = array<i32>} : memref<2048xf32, #tpu.memory_space<vmem>>, vector<16xf32>,
    %get3A_1246 = vector.shape_cast %get3A_1245 : vector<16xf32> to vector<16xf32>
    %add3A_1247 = arith.addf %get3A_1246, %broadcast_in_dim3A : vector<16xf32>
    %get3A_1248 = arith.constant 1328 : index
    %get3A_1249 = tpu.vector_load %arg7[%get3A_1248] {strides = array<i32>} : memref<2048xi32, #tpu.memory_space<vmem>>, vector<16xi32>,
    %get3A_1250 = vector.shape_cast %get3A_1249 : vector<16xi32> to vector<16xi32>
    %convert_element_type3A_1251 = arith.sitofp %get3A_1250 : vector<16xi32> to vector<16xf32>
    %mul3A_1252 = arith.mulf %add3A_1247, %convert_element_type3A_1251 : vector<16xf32>
    %swap3A_1253 = arith.constant 1328 : index
    %swap3A_1254 = tpu.vector_load %arg6[%swap3A_1253] {strides = array<i32>} : memref<2048xf32, #tpu.memory_space<vmem>>, vector<16xf32>,
    %swap3A_1255 = vector.shape_cast %swap3A_1254 : vector<16xf32> to vector<16xf32>
    %swap3A_1256 = vector.shape_cast %mul3A_1252 : vector<16xf32> to vector<16xf32>
    tpu.vector_store %arg6[%swap3A_1253], %swap3A_1256 {strides = array<i32>} : memref<2048xf32, #tpu.memory_space<vmem>>, vector<16xf32>,
    %get3A_1257 = arith.constant 1344 : index
    %get3A_1258 = tpu.vector_load %arg6[%get3A_1257] {strides = array<i32>} : memref<2048xf32, #tpu.memory_space<vmem>>, vector<16xf32>,
    %get3A_1259 = vector.shape_cast %get3A_1258 : vector<16xf32> to vector<16xf32>
    %add3A_1260 = arith.addf %get3A_1259, %broadcast_in_dim3A : vector<16xf32>
    %get3A_1261 = arith.constant 1344 : index
    %get3A_1262 = tpu.vector_load %arg7[%get3A_1261] {strides = array<i32>} : memref<2048xi32, #tpu.memory_space<vmem>>, vector<16xi32>,
    %get3A_1263 = vector.shape_cast %get3A_1262 : vector<16xi32> to vector<16xi32>
    %convert_element_type3A_1264 = arith.sitofp %get3A_1263 : vector<16xi32> to vector<16xf32>
    %mul3A_1265 = arith.mulf %add3A_1260, %convert_element_type3A_1264 : vector<16xf32>
    %swap3A_1266 = arith.constant 1344 : index
    %swap3A_1267 = tpu.vector_load %arg6[%swap3A_1266] {strides = array<i32>} : memref<2048xf32, #tpu.memory_space<vmem>>, vector<16xf32>,
    %swap3A_1268 = vector.shape_cast %swap3A_1267 : vector<16xf32> to vector<16xf32>
    %swap3A_1269 = vector.shape_cast %mul3A_1265 : vector<16xf32> to vector<16xf32>
    tpu.vector_store %arg6[%swap3A_1266], %swap3A_1269 {strides = array<i32>} : memref<2048xf32, #tpu.memory_space<vmem>>, vector<16xf32>,
    %get3A_1270 = arith.constant 1360 : index
    %get3A_1271 = tpu.vector_load %arg6[%get3A_1270] {strides = array<i32>} : memref<2048xf32, #tpu.memory_space<vmem>>, vector<16xf32>,
    %get3A_1272 = vector.shape_cast %get3A_1271 : vector<16xf32> to vector<16xf32>
    %add3A_1273 = arith.addf %get3A_1272, %broadcast_in_dim3A : vector<16xf32>
    %get3A_1274 = arith.constant 1360 : index
    %get3A_1275 = tpu.vector_load %arg7[%get3A_1274] {strides = array<i32>} : memref<2048xi32, #tpu.memory_space<vmem>>, vector<16xi32>,
    %get3A_1276 = vector.shape_cast %get3A_1275 : vector<16xi32> to vector<16xi32>
    %convert_element_type3A_1277 = arith.sitofp %get3A_1276 : vector<16xi32> to vector<16xf32>
    %mul3A_1278 = arith.mulf %add3A_1273, %convert_element_type3A_1277 : vector<16xf32>
    %swap3A_1279 = arith.constant 1360 : index
    %swap3A_1280 = tpu.vector_load %arg6[%swap3A_1279] {strides = array<i32>} : memref<2048xf32, #tpu.memory_space<vmem>>, vector<16xf32>,
    %swap3A_1281 = vector.shape_cast %swap3A_1280 : vector<16xf32> to vector<16xf32>
    %swap3A_1282 = vector.shape_cast %mul3A_1278 : vector<16xf32> to vector<16xf32>
    tpu.vector_store %arg6[%swap3A_1279], %swap3A_1282 {strides = array<i32>} : memref<2048xf32, #tpu.memory_space<vmem>>, vector<16xf32>,
    %get3A_1283 = arith.constant 1376 : index
    %get3A_1284 = tpu.vector_load %arg6[%get3A_1283] {strides = array<i32>} : memref<2048xf32, #tpu.memory_space<vmem>>, vector<16xf32>,
    %get3A_1285 = vector.shape_cast %get3A_1284 : vector<16xf32> to vector<16xf32>
    %add3A_1286 = arith.addf %get3A_1285, %broadcast_in_dim3A : vector<16xf32>
    %get3A_1287 = arith.constant 1376 : index
    %get3A_1288 = tpu.vector_load %arg7[%get3A_1287] {strides = array<i32>} : memref<2048xi32, #tpu.memory_space<vmem>>, vector<16xi32>,
    %get3A_1289 = vector.shape_cast %get3A_1288 : vector<16xi32> to vector<16xi32>
    %convert_element_type3A_1290 = arith.sitofp %get3A_1289 : vector<16xi32> to vector<16xf32>
    %mul3A_1291 = arith.mulf %add3A_1286, %convert_element_type3A_1290 : vector<16xf32>
    %swap3A_1292 = arith.constant 1376 : index
    %swap3A_1293 = tpu.vector_load %arg6[%swap3A_1292] {strides = array<i32>} : memref<2048xf32, #tpu.memory_space<vmem>>, vector<16xf32>,
    %swap3A_1294 = vector.shape_cast %swap3A_1293 : vector<16xf32> to vector<16xf32>
    %swap3A_1295 = vector.shape_cast %mul3A_1291 : vector<16xf32> to vector<16xf32>
    tpu.vector_store %arg6[%swap3A_1292], %swap3A_1295 {strides = array<i32>} : memref<2048xf32, #tpu.memory_space<vmem>>, vector<16xf32>,
    %get3A_1296 = arith.constant 1392 : index
    %get3A_1297 = tpu.vector_load %arg6[%get3A_1296] {strides = array<i32>} : memref<2048xf32, #tpu.memory_space<vmem>>, vector<16xf32>,
    %get3A_1298 = vector.shape_cast %get3A_1297 : vector<16xf32> to vector<16xf32>
    %add3A_1299 = arith.addf %get3A_1298, %broadcast_in_dim3A : vector<16xf32>
    %get3A_1300 = arith.constant 1392 : index
    %get3A_1301 = tpu.vector_load %arg7[%get3A_1300] {strides = array<i32>} : memref<2048xi32, #tpu.memory_space<vmem>>, vector<16xi32>,
    %get3A_1302 = vector.shape_cast %get3A_1301 : vector<16xi32> to vector<16xi32>
    %convert_element_type3A_1303 = arith.sitofp %get3A_1302 : vector<16xi32> to vector<16xf32>
    %mul3A_1304 = arith.mulf %add3A_1299, %convert_element_type3A_1303 : vector<16xf32>
    %swap3A_1305 = arith.constant 1392 : index
    %swap3A_1306 = tpu.vector_load %arg6[%swap3A_1305] {strides = array<i32>} : memref<2048xf32, #tpu.memory_space<vmem>>, vector<16xf32>,
    %swap3A_1307 = vector.shape_cast %swap3A_1306 : vector<16xf32> to vector<16xf32>
    %swap3A_1308 = vector.shape_cast %mul3A_1304 : vector<16xf32> to vector<16xf32>
    tpu.vector_store %arg6[%swap3A_1305], %swap3A_1308 {strides = array<i32>} : memref<2048xf32, #tpu.memory_space<vmem>>, vector<16xf32>,
    %get3A_1309 = arith.constant 1408 : index
    %get3A_1310 = tpu.vector_load %arg6[%get3A_1309] {strides = array<i32>} : memref<2048xf32, #tpu.memory_space<vmem>>, vector<16xf32>,
    %get3A_1311 = vector.shape_cast %get3A_1310 : vector<16xf32> to vector<16xf32>
    %add3A_1312 = arith.addf %get3A_1311, %broadcast_in_dim3A : vector<16xf32>
    %get3A_1313 = arith.constant 1408 : index
    %get3A_1314 = tpu.vector_load %arg7[%get3A_1313] {strides = array<i32>} : memref<2048xi32, #tpu.memory_space<vmem>>, vector<16xi32>,
    %get3A_1315 = vector.shape_cast %get3A_1314 : vector<16xi32> to vector<16xi32>
    %convert_element_type3A_1316 = arith.sitofp %get3A_1315 : vector<16xi32> to vector<16xf32>
    %mul3A_1317 = arith.mulf %add3A_1312, %convert_element_type3A_1316 : vector<16xf32>
    %swap3A_1318 = arith.constant 1408 : index
    %swap3A_1319 = tpu.vector_load %arg6[%swap3A_1318] {strides = array<i32>} : memref<2048xf32, #tpu.memory_space<vmem>>, vector<16xf32>,
    %swap3A_1320 = vector.shape_cast %swap3A_1319 : vector<16xf32> to vector<16xf32>
    %swap3A_1321 = vector.shape_cast %mul3A_1317 : vector<16xf32> to vector<16xf32>
    tpu.vector_store %arg6[%swap3A_1318], %swap3A_1321 {strides = array<i32>} : memref<2048xf32, #tpu.memory_space<vmem>>, vector<16xf32>,
    %get3A_1322 = arith.constant 1424 : index
    %get3A_1323 = tpu.vector_load %arg6[%get3A_1322] {strides = array<i32>} : memref<2048xf32, #tpu.memory_space<vmem>>, vector<16xf32>,
    %get3A_1324 = vector.shape_cast %get3A_1323 : vector<16xf32> to vector<16xf32>
    %add3A_1325 = arith.addf %get3A_1324, %broadcast_in_dim3A : vector<16xf32>
    %get3A_1326 = arith.constant 1424 : index
    %get3A_1327 = tpu.vector_load %arg7[%get3A_1326] {strides = array<i32>} : memref<2048xi32, #tpu.memory_space<vmem>>, vector<16xi32>,
    %get3A_1328 = vector.shape_cast %get3A_1327 : vector<16xi32> to vector<16xi32>
    %convert_element_type3A_1329 = arith.sitofp %get3A_1328 : vector<16xi32> to vector<16xf32>
    %mul3A_1330 = arith.mulf %add3A_1325, %convert_element_type3A_1329 : vector<16xf32>
    %swap3A_1331 = arith.constant 1424 : index
    %swap3A_1332 = tpu.vector_load %arg6[%swap3A_1331] {strides = array<i32>} : memref<2048xf32, #tpu.memory_space<vmem>>, vector<16xf32>,
    %swap3A_1333 = vector.shape_cast %swap3A_1332 : vector<16xf32> to vector<16xf32>
    %swap3A_1334 = vector.shape_cast %mul3A_1330 : vector<16xf32> to vector<16xf32>
    tpu.vector_store %arg6[%swap3A_1331], %swap3A_1334 {strides = array<i32>} : memref<2048xf32, #tpu.memory_space<vmem>>, vector<16xf32>,
    %get3A_1335 = arith.constant 1440 : index
    %get3A_1336 = tpu.vector_load %arg6[%get3A_1335] {strides = array<i32>} : memref<2048xf32, #tpu.memory_space<vmem>>, vector<16xf32>,
    %get3A_1337 = vector.shape_cast %get3A_1336 : vector<16xf32> to vector<16xf32>
    %add3A_1338 = arith.addf %get3A_1337, %broadcast_in_dim3A : vector<16xf32>
    %get3A_1339 = arith.constant 1440 : index
    %get3A_1340 = tpu.vector_load %arg7[%get3A_1339] {strides = array<i32>} : memref<2048xi32, #tpu.memory_space<vmem>>, vector<16xi32>,
    %get3A_1341 = vector.shape_cast %get3A_1340 : vector<16xi32> to vector<16xi32>
    %convert_element_type3A_1342 = arith.sitofp %get3A_1341 : vector<16xi32> to vector<16xf32>
    %mul3A_1343 = arith.mulf %add3A_1338, %convert_element_type3A_1342 : vector<16xf32>
    %swap3A_1344 = arith.constant 1440 : index
    %swap3A_1345 = tpu.vector_load %arg6[%swap3A_1344] {strides = array<i32>} : memref<2048xf32, #tpu.memory_space<vmem>>, vector<16xf32>,
    %swap3A_1346 = vector.shape_cast %swap3A_1345 : vector<16xf32> to vector<16xf32>
    %swap3A_1347 = vector.shape_cast %mul3A_1343 : vector<16xf32> to vector<16xf32>
    tpu.vector_store %arg6[%swap3A_1344], %swap3A_1347 {strides = array<i32>} : memref<2048xf32, #tpu.memory_space<vmem>>, vector<16xf32>,
    %get3A_1348 = arith.constant 1456 : index
    %get3A_1349 = tpu.vector_load %arg6[%get3A_1348] {strides = array<i32>} : memref<2048xf32, #tpu.memory_space<vmem>>, vector<16xf32>,
    %get3A_1350 = vector.shape_cast %get3A_1349 : vector<16xf32> to vector<16xf32>
    %add3A_1351 = arith.addf %get3A_1350, %broadcast_in_dim3A : vector<16xf32>
    %get3A_1352 = arith.constant 1456 : index
    %get3A_1353 = tpu.vector_load %arg7[%get3A_1352] {strides = array<i32>} : memref<2048xi32, #tpu.memory_space<vmem>>, vector<16xi32>,
    %get3A_1354 = vector.shape_cast %get3A_1353 : vector<16xi32> to vector<16xi32>
    %convert_element_type3A_1355 = arith.sitofp %get3A_1354 : vector<16xi32> to vector<16xf32>
    %mul3A_1356 = arith.mulf %add3A_1351, %convert_element_type3A_1355 : vector<16xf32>
    %swap3A_1357 = arith.constant 1456 : index
    %swap3A_1358 = tpu.vector_load %arg6[%swap3A_1357] {strides = array<i32>} : memref<2048xf32, #tpu.memory_space<vmem>>, vector<16xf32>,
    %swap3A_1359 = vector.shape_cast %swap3A_1358 : vector<16xf32> to vector<16xf32>
    %swap3A_1360 = vector.shape_cast %mul3A_1356 : vector<16xf32> to vector<16xf32>
    tpu.vector_store %arg6[%swap3A_1357], %swap3A_1360 {strides = array<i32>} : memref<2048xf32, #tpu.memory_space<vmem>>, vector<16xf32>,
    %get3A_1361 = arith.constant 1472 : index
    %get3A_1362 = tpu.vector_load %arg6[%get3A_1361] {strides = array<i32>} : memref<2048xf32, #tpu.memory_space<vmem>>, vector<16xf32>,
    %get3A_1363 = vector.shape_cast %get3A_1362 : vector<16xf32> to vector<16xf32>
    %add3A_1364 = arith.addf %get3A_1363, %broadcast_in_dim3A : vector<16xf32>
    %get3A_1365 = arith.constant 1472 : index
    %get3A_1366 = tpu.vector_load %arg7[%get3A_1365] {strides = array<i32>} : memref<2048xi32, #tpu.memory_space<vmem>>, vector<16xi32>,
    %get3A_1367 = vector.shape_cast %get3A_1366 : vector<16xi32> to vector<16xi32>
    %convert_element_type3A_1368 = arith.sitofp %get3A_1367 : vector<16xi32> to vector<16xf32>
    %mul3A_1369 = arith.mulf %add3A_1364, %convert_element_type3A_1368 : vector<16xf32>
    %swap3A_1370 = arith.constant 1472 : index
    %swap3A_1371 = tpu.vector_load %arg6[%swap3A_1370] {strides = array<i32>} : memref<2048xf32, #tpu.memory_space<vmem>>, vector<16xf32>,
    %swap3A_1372 = vector.shape_cast %swap3A_1371 : vector<16xf32> to vector<16xf32>
    %swap3A_1373 = vector.shape_cast %mul3A_1369 : vector<16xf32> to vector<16xf32>
    tpu.vector_store %arg6[%swap3A_1370], %swap3A_1373 {strides = array<i32>} : memref<2048xf32, #tpu.memory_space<vmem>>, vector<16xf32>,
    %get3A_1374 = arith.constant 1488 : index
    %get3A_1375 = tpu.vector_load %arg6[%get3A_1374] {strides = array<i32>} : memref<2048xf32, #tpu.memory_space<vmem>>, vector<16xf32>,
    %get3A_1376 = vector.shape_cast %get3A_1375 : vector<16xf32> to vector<16xf32>
    %add3A_1377 = arith.addf %get3A_1376, %broadcast_in_dim3A : vector<16xf32>
    %get3A_1378 = arith.constant 1488 : index
    %get3A_1379 = tpu.vector_load %arg7[%get3A_1378] {strides = array<i32>} : memref<2048xi32, #tpu.memory_space<vmem>>, vector<16xi32>,
    %get3A_1380 = vector.shape_cast %get3A_1379 : vector<16xi32> to vector<16xi32>
    %convert_element_type3A_1381 = arith.sitofp %get3A_1380 : vector<16xi32> to vector<16xf32>
    %mul3A_1382 = arith.mulf %add3A_1377, %convert_element_type3A_1381 : vector<16xf32>
    %swap3A_1383 = arith.constant 1488 : index
    %swap3A_1384 = tpu.vector_load %arg6[%swap3A_1383] {strides = array<i32>} : memref<2048xf32, #tpu.memory_space<vmem>>, vector<16xf32>,
    %swap3A_1385 = vector.shape_cast %swap3A_1384 : vector<16xf32> to vector<16xf32>
    %swap3A_1386 = vector.shape_cast %mul3A_1382 : vector<16xf32> to vector<16xf32>
    tpu.vector_store %arg6[%swap3A_1383], %swap3A_1386 {strides = array<i32>} : memref<2048xf32, #tpu.memory_space<vmem>>, vector<16xf32>,
    %get3A_1387 = arith.constant 1504 : index
    %get3A_1388 = tpu.vector_load %arg6[%get3A_1387] {strides = array<i32>} : memref<2048xf32, #tpu.memory_space<vmem>>, vector<16xf32>,
    %get3A_1389 = vector.shape_cast %get3A_1388 : vector<16xf32> to vector<16xf32>
    %add3A_1390 = arith.addf %get3A_1389, %broadcast_in_dim3A : vector<16xf32>
    %get3A_1391 = arith.constant 1504 : index
    %get3A_1392 = tpu.vector_load %arg7[%get3A_1391] {strides = array<i32>} : memref<2048xi32, #tpu.memory_space<vmem>>, vector<16xi32>,
    %get3A_1393 = vector.shape_cast %get3A_1392 : vector<16xi32> to vector<16xi32>
    %convert_element_type3A_1394 = arith.sitofp %get3A_1393 : vector<16xi32> to vector<16xf32>
    %mul3A_1395 = arith.mulf %add3A_1390, %convert_element_type3A_1394 : vector<16xf32>
    %swap3A_1396 = arith.constant 1504 : index
    %swap3A_1397 = tpu.vector_load %arg6[%swap3A_1396] {strides = array<i32>} : memref<2048xf32, #tpu.memory_space<vmem>>, vector<16xf32>,
    %swap3A_1398 = vector.shape_cast %swap3A_1397 : vector<16xf32> to vector<16xf32>
    %swap3A_1399 = vector.shape_cast %mul3A_1395 : vector<16xf32> to vector<16xf32>
    tpu.vector_store %arg6[%swap3A_1396], %swap3A_1399 {strides = array<i32>} : memref<2048xf32, #tpu.memory_space<vmem>>, vector<16xf32>,
    %get3A_1400 = arith.constant 1520 : index
    %get3A_1401 = tpu.vector_load %arg6[%get3A_1400] {strides = array<i32>} : memref<2048xf32, #tpu.memory_space<vmem>>, vector<16xf32>,
    %get3A_1402 = vector.shape_cast %get3A_1401 : vector<16xf32> to vector<16xf32>
    %add3A_1403 = arith.addf %get3A_1402, %broadcast_in_dim3A : vector<16xf32>
    %get3A_1404 = arith.constant 1520 : index
    %get3A_1405 = tpu.vector_load %arg7[%get3A_1404] {strides = array<i32>} : memref<2048xi32, #tpu.memory_space<vmem>>, vector<16xi32>,
    %get3A_1406 = vector.shape_cast %get3A_1405 : vector<16xi32> to vector<16xi32>
    %convert_element_type3A_1407 = arith.sitofp %get3A_1406 : vector<16xi32> to vector<16xf32>
    %mul3A_1408 = arith.mulf %add3A_1403, %convert_element_type3A_1407 : vector<16xf32>
    %swap3A_1409 = arith.constant 1520 : index
    %swap3A_1410 = tpu.vector_load %arg6[%swap3A_1409] {strides = array<i32>} : memref<2048xf32, #tpu.memory_space<vmem>>, vector<16xf32>,
    %swap3A_1411 = vector.shape_cast %swap3A_1410 : vector<16xf32> to vector<16xf32>
    %swap3A_1412 = vector.shape_cast %mul3A_1408 : vector<16xf32> to vector<16xf32>
    tpu.vector_store %arg6[%swap3A_1409], %swap3A_1412 {strides = array<i32>} : memref<2048xf32, #tpu.memory_space<vmem>>, vector<16xf32>,
    %dma_start3A_1413 = arith.constant 1024 : i32
    %dma_start3A_1414 = tpu.memref_slice %arg6[%dma_start3A_1413] : memref<2048xf32, #tpu.memory_space<vmem>> -> memref<512xf32, #tpu.memory_space<vmem>>
    %dma_start3A_1415 = arith.constant 1024 : i32
    %dma_start3A_1416 = tpu.memref_slice %arg5[%add3A, %dma_start3A_1415] : memref<16x2048xf32, #tpu.memory_space<hbm>> -> memref<1x512xf32, #tpu.memory_space<hbm>>
    %dma_start3A_1417 = tpu.memref_squeeze %dma_start3A_1416 : memref<1x512xf32, #tpu.memory_space<hbm>> -> memref<512xf32, #tpu.memory_space<hbm>>
    %dma_start3A_1418 = arith.constant 1024 : i32
    %dma_start3A_1419 = tpu.memref_slice %arg5[%add3A, %dma_start3A_1418] : memref<16x2048xf32, #tpu.memory_space<hbm>> -> memref<1x512xf32, #tpu.memory_space<hbm>>
    %dma_start3A_1420 = tpu.memref_squeeze %dma_start3A_1419 : memref<1x512xf32, #tpu.memory_space<hbm>> -> memref<512xf32, #tpu.memory_space<hbm>>
    %dma_start3A_1421 = arith.constant 1024 : i32
    %dma_start3A_1422 = tpu.memref_slice %arg6[%dma_start3A_1421] : memref<2048xf32, #tpu.memory_space<vmem>> -> memref<512xf32, #tpu.memory_space<vmem>>
    tpu.enqueue_dma source(%dma_start3A_1422 : memref<512xf32, #tpu.memory_space<vmem>>) target(%dma_start3A_1420 : memref<512xf32, #tpu.memory_space<hbm>>) target_semaphore(%arg10 : memref<!tpu.dma_semaphore, #tpu.memory_space<semaphore_mem>>)
    %dma_wait3A_1423 = arith.constant 1536 : i32
    %dma_wait3A_1424 = tpu.memref_slice %arg6[%dma_wait3A_1423] : memref<2048xf32, #tpu.memory_space<vmem>> -> memref<512xf32, #tpu.memory_space<vmem>>
    %dma_wait3A_1425 = arith.constant 1536 : i32
    %dma_wait3A_1426 = tpu.memref_slice %arg2[%add3A, %dma_wait3A_1425] : memref<16x2048xf32, #tpu.memory_space<hbm>> -> memref<1x512xf32, #tpu.memory_space<hbm>>
    %dma_wait3A_1427 = tpu.memref_squeeze %dma_wait3A_1426 : memref<1x512xf32, #tpu.memory_space<hbm>> -> memref<512xf32, #tpu.memory_space<hbm>>
    %dma_wait3A_1428 = arith.constant 1536 : i32
    %dma_wait3A_1429 = tpu.memref_slice %arg6[%dma_wait3A_1428] : memref<2048xf32, #tpu.memory_space<vmem>> -> memref<512xf32, #tpu.memory_space<vmem>>
    %dma_wait3A_1430 = arith.constant 1536 : i32
    %dma_wait3A_1431 = tpu.memref_slice %arg2[%add3A, %dma_wait3A_1430] : memref<16x2048xf32, #tpu.memory_space<hbm>> -> memref<1x512xf32, #tpu.memory_space<hbm>>
    %dma_wait3A_1432 = tpu.memref_squeeze %dma_wait3A_1431 : memref<1x512xf32, #tpu.memory_space<hbm>> -> memref<512xf32, #tpu.memory_space<hbm>>
    tpu.wait_dma2 semaphore(%arg9 : memref<!tpu.dma_semaphore, #tpu.memory_space<semaphore_mem>>) src(%dma_wait3A_1432 : memref<512xf32, #tpu.memory_space<hbm>>) dst(%dma_wait3A_1429 : memref<512xf32, #tpu.memory_space<vmem>>)
    %dma_wait3A_1433 = arith.constant 1536 : i32
    %dma_wait3A_1434 = tpu.memref_slice %arg7[%dma_wait3A_1433] : memref<2048xi32, #tpu.memory_space<vmem>> -> memref<512xi32, #tpu.memory_space<vmem>>
    %dma_wait3A_1435 = arith.constant 1536 : i32
    %dma_wait3A_1436 = tpu.memref_slice %arg3[%add3A, %dma_wait3A_1435] : memref<16x2048xi32, #tpu.memory_space<hbm>> -> memref<1x512xi32, #tpu.memory_space<hbm>>
    %dma_wait3A_1437 = tpu.memref_squeeze %dma_wait3A_1436 : memref<1x512xi32, #tpu.memory_space<hbm>> -> memref<512xi32, #tpu.memory_space<hbm>>
    %dma_wait3A_1438 = arith.constant 1536 : i32
    %dma_wait3A_1439 = tpu.memref_slice %arg7[%dma_wait3A_1438] : memref<2048xi32, #tpu.memory_space<vmem>> -> memref<512xi32, #tpu.memory_space<vmem>>
    %dma_wait3A_1440 = arith.constant 1536 : i32
    %dma_wait3A_1441 = tpu.memref_slice %arg3[%add3A, %dma_wait3A_1440] : memref<16x2048xi32, #tpu.memory_space<hbm>> -> memref<1x512xi32, #tpu.memory_space<hbm>>
    %dma_wait3A_1442 = tpu.memref_squeeze %dma_wait3A_1441 : memref<1x512xi32, #tpu.memory_space<hbm>> -> memref<512xi32, #tpu.memory_space<hbm>>
    tpu.wait_dma2 semaphore(%arg9 : memref<!tpu.dma_semaphore, #tpu.memory_space<semaphore_mem>>) src(%dma_wait3A_1442 : memref<512xi32, #tpu.memory_space<hbm>>) dst(%dma_wait3A_1439 : memref<512xi32, #tpu.memory_space<vmem>>)
    %get3A_1443 = arith.constant 1536 : index
    %get3A_1444 = tpu.vector_load %arg6[%get3A_1443] {strides = array<i32>} : memref<2048xf32, #tpu.memory_space<vmem>>, vector<16xf32>,
    %get3A_1445 = vector.shape_cast %get3A_1444 : vector<16xf32> to vector<16xf32>
    %add3A_1446 = arith.addf %get3A_1445, %broadcast_in_dim3A : vector<16xf32>
    %get3A_1447 = arith.constant 1536 : index
    %get3A_1448 = tpu.vector_load %arg7[%get3A_1447] {strides = array<i32>} : memref<2048xi32, #tpu.memory_space<vmem>>, vector<16xi32>,
    %get3A_1449 = vector.shape_cast %get3A_1448 : vector<16xi32> to vector<16xi32>
    %convert_element_type3A_1450 = arith.sitofp %get3A_1449 : vector<16xi32> to vector<16xf32>
    %mul3A_1451 = arith.mulf %add3A_1446, %convert_element_type3A_1450 : vector<16xf32>
    %swap3A_1452 = arith.constant 1536 : index
    %swap3A_1453 = tpu.vector_load %arg6[%swap3A_1452] {strides = array<i32>} : memref<2048xf32, #tpu.memory_space<vmem>>, vector<16xf32>,
    %swap3A_1454 = vector.shape_cast %swap3A_1453 : vector<16xf32> to vector<16xf32>
    %swap3A_1455 = vector.shape_cast %mul3A_1451 : vector<16xf32> to vector<16xf32>
    tpu.vector_store %arg6[%swap3A_1452], %swap3A_1455 {strides = array<i32>} : memref<2048xf32, #tpu.memory_space<vmem>>, vector<16xf32>,
    %get3A_1456 = arith.constant 1552 : index
    %get3A_1457 = tpu.vector_load %arg6[%get3A_1456] {strides = array<i32>} : memref<2048xf32, #tpu.memory_space<vmem>>, vector<16xf32>,
    %get3A_1458 = vector.shape_cast %get3A_1457 : vector<16xf32> to vector<16xf32>
    %add3A_1459 = arith.addf %get3A_1458, %broadcast_in_dim3A : vector<16xf32>
    %get3A_1460 = arith.constant 1552 : index
    %get3A_1461 = tpu.vector_load %arg7[%get3A_1460] {strides = array<i32>} : memref<2048xi32, #tpu.memory_space<vmem>>, vector<16xi32>,
    %get3A_1462 = vector.shape_cast %get3A_1461 : vector<16xi32> to vector<16xi32>
    %convert_element_type3A_1463 = arith.sitofp %get3A_1462 : vector<16xi32> to vector<16xf32>
    %mul3A_1464 = arith.mulf %add3A_1459, %convert_element_type3A_1463 : vector<16xf32>
    %swap3A_1465 = arith.constant 1552 : index
    %swap3A_1466 = tpu.vector_load %arg6[%swap3A_1465] {strides = array<i32>} : memref<2048xf32, #tpu.memory_space<vmem>>, vector<16xf32>,
    %swap3A_1467 = vector.shape_cast %swap3A_1466 : vector<16xf32> to vector<16xf32>
    %swap3A_1468 = vector.shape_cast %mul3A_1464 : vector<16xf32> to vector<16xf32>
    tpu.vector_store %arg6[%swap3A_1465], %swap3A_1468 {strides = array<i32>} : memref<2048xf32, #tpu.memory_space<vmem>>, vector<16xf32>,
    %get3A_1469 = arith.constant 1568 : index
    %get3A_1470 = tpu.vector_load %arg6[%get3A_1469] {strides = array<i32>} : memref<2048xf32, #tpu.memory_space<vmem>>, vector<16xf32>,
    %get3A_1471 = vector.shape_cast %get3A_1470 : vector<16xf32> to vector<16xf32>
    %add3A_1472 = arith.addf %get3A_1471, %broadcast_in_dim3A : vector<16xf32>
    %get3A_1473 = arith.constant 1568 : index
    %get3A_1474 = tpu.vector_load %arg7[%get3A_1473] {strides = array<i32>} : memref<2048xi32, #tpu.memory_space<vmem>>, vector<16xi32>,
    %get3A_1475 = vector.shape_cast %get3A_1474 : vector<16xi32> to vector<16xi32>
    %convert_element_type3A_1476 = arith.sitofp %get3A_1475 : vector<16xi32> to vector<16xf32>
    %mul3A_1477 = arith.mulf %add3A_1472, %convert_element_type3A_1476 : vector<16xf32>
    %swap3A_1478 = arith.constant 1568 : index
    %swap3A_1479 = tpu.vector_load %arg6[%swap3A_1478] {strides = array<i32>} : memref<2048xf32, #tpu.memory_space<vmem>>, vector<16xf32>,
    %swap3A_1480 = vector.shape_cast %swap3A_1479 : vector<16xf32> to vector<16xf32>
    %swap3A_1481 = vector.shape_cast %mul3A_1477 : vector<16xf32> to vector<16xf32>
    tpu.vector_store %arg6[%swap3A_1478], %swap3A_1481 {strides = array<i32>} : memref<2048xf32, #tpu.memory_space<vmem>>, vector<16xf32>,
    %get3A_1482 = arith.constant 1584 : index
    %get3A_1483 = tpu.vector_load %arg6[%get3A_1482] {strides = array<i32>} : memref<2048xf32, #tpu.memory_space<vmem>>, vector<16xf32>,
    %get3A_1484 = vector.shape_cast %get3A_1483 : vector<16xf32> to vector<16xf32>
    %add3A_1485 = arith.addf %get3A_1484, %broadcast_in_dim3A : vector<16xf32>
    %get3A_1486 = arith.constant 1584 : index
    %get3A_1487 = tpu.vector_load %arg7[%get3A_1486] {strides = array<i32>} : memref<2048xi32, #tpu.memory_space<vmem>>, vector<16xi32>,
    %get3A_1488 = vector.shape_cast %get3A_1487 : vector<16xi32> to vector<16xi32>
    %convert_element_type3A_1489 = arith.sitofp %get3A_1488 : vector<16xi32> to vector<16xf32>
    %mul3A_1490 = arith.mulf %add3A_1485, %convert_element_type3A_1489 : vector<16xf32>
    %swap3A_1491 = arith.constant 1584 : index
    %swap3A_1492 = tpu.vector_load %arg6[%swap3A_1491] {strides = array<i32>} : memref<2048xf32, #tpu.memory_space<vmem>>, vector<16xf32>,
    %swap3A_1493 = vector.shape_cast %swap3A_1492 : vector<16xf32> to vector<16xf32>
    %swap3A_1494 = vector.shape_cast %mul3A_1490 : vector<16xf32> to vector<16xf32>
    tpu.vector_store %arg6[%swap3A_1491], %swap3A_1494 {strides = array<i32>} : memref<2048xf32, #tpu.memory_space<vmem>>, vector<16xf32>,
    %get3A_1495 = arith.constant 1600 : index
    %get3A_1496 = tpu.vector_load %arg6[%get3A_1495] {strides = array<i32>} : memref<2048xf32, #tpu.memory_space<vmem>>, vector<16xf32>,
    %get3A_1497 = vector.shape_cast %get3A_1496 : vector<16xf32> to vector<16xf32>
    %add3A_1498 = arith.addf %get3A_1497, %broadcast_in_dim3A : vector<16xf32>
    %get3A_1499 = arith.constant 1600 : index
    %get3A_1500 = tpu.vector_load %arg7[%get3A_1499] {strides = array<i32>} : memref<2048xi32, #tpu.memory_space<vmem>>, vector<16xi32>,
    %get3A_1501 = vector.shape_cast %get3A_1500 : vector<16xi32> to vector<16xi32>
    %convert_element_type3A_1502 = arith.sitofp %get3A_1501 : vector<16xi32> to vector<16xf32>
    %mul3A_1503 = arith.mulf %add3A_1498, %convert_element_type3A_1502 : vector<16xf32>
    %swap3A_1504 = arith.constant 1600 : index
    %swap3A_1505 = tpu.vector_load %arg6[%swap3A_1504] {strides = array<i32>} : memref<2048xf32, #tpu.memory_space<vmem>>, vector<16xf32>,
    %swap3A_1506 = vector.shape_cast %swap3A_1505 : vector<16xf32> to vector<16xf32>
    %swap3A_1507 = vector.shape_cast %mul3A_1503 : vector<16xf32> to vector<16xf32>
    tpu.vector_store %arg6[%swap3A_1504], %swap3A_1507 {strides = array<i32>} : memref<2048xf32, #tpu.memory_space<vmem>>, vector<16xf32>,
    %get3A_1508 = arith.constant 1616 : index
    %get3A_1509 = tpu.vector_load %arg6[%get3A_1508] {strides = array<i32>} : memref<2048xf32, #tpu.memory_space<vmem>>, vector<16xf32>,
    %get3A_1510 = vector.shape_cast %get3A_1509 : vector<16xf32> to vector<16xf32>
    %add3A_1511 = arith.addf %get3A_1510, %broadcast_in_dim3A : vector<16xf32>
    %get3A_1512 = arith.constant 1616 : index
    %get3A_1513 = tpu.vector_load %arg7[%get3A_1512] {strides = array<i32>} : memref<2048xi32, #tpu.memory_space<vmem>>, vector<16xi32>,
    %get3A_1514 = vector.shape_cast %get3A_1513 : vector<16xi32> to vector<16xi32>
    %convert_element_type3A_1515 = arith.sitofp %get3A_1514 : vector<16xi32> to vector<16xf32>
    %mul3A_1516 = arith.mulf %add3A_1511, %convert_element_type3A_1515 : vector<16xf32>
    %swap3A_1517 = arith.constant 1616 : index
    %swap3A_1518 = tpu.vector_load %arg6[%swap3A_1517] {strides = array<i32>} : memref<2048xf32, #tpu.memory_space<vmem>>, vector<16xf32>,
    %swap3A_1519 = vector.shape_cast %swap3A_1518 : vector<16xf32> to vector<16xf32>
    %swap3A_1520 = vector.shape_cast %mul3A_1516 : vector<16xf32> to vector<16xf32>
    tpu.vector_store %arg6[%swap3A_1517], %swap3A_1520 {strides = array<i32>} : memref<2048xf32, #tpu.memory_space<vmem>>, vector<16xf32>,
    %get3A_1521 = arith.constant 1632 : index
    %get3A_1522 = tpu.vector_load %arg6[%get3A_1521] {strides = array<i32>} : memref<2048xf32, #tpu.memory_space<vmem>>, vector<16xf32>,
    %get3A_1523 = vector.shape_cast %get3A_1522 : vector<16xf32> to vector<16xf32>
    %add3A_1524 = arith.addf %get3A_1523, %broadcast_in_dim3A : vector<16xf32>
    %get3A_1525 = arith.constant 1632 : index
    %get3A_1526 = tpu.vector_load %arg7[%get3A_1525] {strides = array<i32>} : memref<2048xi32, #tpu.memory_space<vmem>>, vector<16xi32>,
    %get3A_1527 = vector.shape_cast %get3A_1526 : vector<16xi32> to vector<16xi32>
    %convert_element_type3A_1528 = arith.sitofp %get3A_1527 : vector<16xi32> to vector<16xf32>
    %mul3A_1529 = arith.mulf %add3A_1524, %convert_element_type3A_1528 : vector<16xf32>
    %swap3A_1530 = arith.constant 1632 : index
    %swap3A_1531 = tpu.vector_load %arg6[%swap3A_1530] {strides = array<i32>} : memref<2048xf32, #tpu.memory_space<vmem>>, vector<16xf32>,
    %swap3A_1532 = vector.shape_cast %swap3A_1531 : vector<16xf32> to vector<16xf32>
    %swap3A_1533 = vector.shape_cast %mul3A_1529 : vector<16xf32> to vector<16xf32>
    tpu.vector_store %arg6[%swap3A_1530], %swap3A_1533 {strides = array<i32>} : memref<2048xf32, #tpu.memory_space<vmem>>, vector<16xf32>,
    %get3A_1534 = arith.constant 1648 : index
    %get3A_1535 = tpu.vector_load %arg6[%get3A_1534] {strides = array<i32>} : memref<2048xf32, #tpu.memory_space<vmem>>, vector<16xf32>,
    %get3A_1536 = vector.shape_cast %get3A_1535 : vector<16xf32> to vector<16xf32>
    %add3A_1537 = arith.addf %get3A_1536, %broadcast_in_dim3A : vector<16xf32>
    %get3A_1538 = arith.constant 1648 : index
    %get3A_1539 = tpu.vector_load %arg7[%get3A_1538] {strides = array<i32>} : memref<2048xi32, #tpu.memory_space<vmem>>, vector<16xi32>,
    %get3A_1540 = vector.shape_cast %get3A_1539 : vector<16xi32> to vector<16xi32>
    %convert_element_type3A_1541 = arith.sitofp %get3A_1540 : vector<16xi32> to vector<16xf32>
    %mul3A_1542 = arith.mulf %add3A_1537, %convert_element_type3A_1541 : vector<16xf32>
    %swap3A_1543 = arith.constant 1648 : index
    %swap3A_1544 = tpu.vector_load %arg6[%swap3A_1543] {strides = array<i32>} : memref<2048xf32, #tpu.memory_space<vmem>>, vector<16xf32>,
    %swap3A_1545 = vector.shape_cast %swap3A_1544 : vector<16xf32> to vector<16xf32>
    %swap3A_1546 = vector.shape_cast %mul3A_1542 : vector<16xf32> to vector<16xf32>
    tpu.vector_store %arg6[%swap3A_1543], %swap3A_1546 {strides = array<i32>} : memref<2048xf32, #tpu.memory_space<vmem>>, vector<16xf32>,
    %get3A_1547 = arith.constant 1664 : index
    %get3A_1548 = tpu.vector_load %arg6[%get3A_1547] {strides = array<i32>} : memref<2048xf32, #tpu.memory_space<vmem>>, vector<16xf32>,
    %get3A_1549 = vector.shape_cast %get3A_1548 : vector<16xf32> to vector<16xf32>
    %add3A_1550 = arith.addf %get3A_1549, %broadcast_in_dim3A : vector<16xf32>
    %get3A_1551 = arith.constant 1664 : index
    %get3A_1552 = tpu.vector_load %arg7[%get3A_1551] {strides = array<i32>} : memref<2048xi32, #tpu.memory_space<vmem>>, vector<16xi32>,
    %get3A_1553 = vector.shape_cast %get3A_1552 : vector<16xi32> to vector<16xi32>
    %convert_element_type3A_1554 = arith.sitofp %get3A_1553 : vector<16xi32> to vector<16xf32>
    %mul3A_1555 = arith.mulf %add3A_1550, %convert_element_type3A_1554 : vector<16xf32>
    %swap3A_1556 = arith.constant 1664 : index
    %swap3A_1557 = tpu.vector_load %arg6[%swap3A_1556] {strides = array<i32>} : memref<2048xf32, #tpu.memory_space<vmem>>, vector<16xf32>,
    %swap3A_1558 = vector.shape_cast %swap3A_1557 : vector<16xf32> to vector<16xf32>
    %swap3A_1559 = vector.shape_cast %mul3A_1555 : vector<16xf32> to vector<16xf32>
    tpu.vector_store %arg6[%swap3A_1556], %swap3A_1559 {strides = array<i32>} : memref<2048xf32, #tpu.memory_space<vmem>>, vector<16xf32>,
    %get3A_1560 = arith.constant 1680 : index
    %get3A_1561 = tpu.vector_load %arg6[%get3A_1560] {strides = array<i32>} : memref<2048xf32, #tpu.memory_space<vmem>>, vector<16xf32>,
    %get3A_1562 = vector.shape_cast %get3A_1561 : vector<16xf32> to vector<16xf32>
    %add3A_1563 = arith.addf %get3A_1562, %broadcast_in_dim3A : vector<16xf32>
    %get3A_1564 = arith.constant 1680 : index
    %get3A_1565 = tpu.vector_load %arg7[%get3A_1564] {strides = array<i32>} : memref<2048xi32, #tpu.memory_space<vmem>>, vector<16xi32>,
    %get3A_1566 = vector.shape_cast %get3A_1565 : vector<16xi32> to vector<16xi32>
    %convert_element_type3A_1567 = arith.sitofp %get3A_1566 : vector<16xi32> to vector<16xf32>
    %mul3A_1568 = arith.mulf %add3A_1563, %convert_element_type3A_1567 : vector<16xf32>
    %swap3A_1569 = arith.constant 1680 : index
    %swap3A_1570 = tpu.vector_load %arg6[%swap3A_1569] {strides = array<i32>} : memref<2048xf32, #tpu.memory_space<vmem>>, vector<16xf32>,
    %swap3A_1571 = vector.shape_cast %swap3A_1570 : vector<16xf32> to vector<16xf32>
    %swap3A_1572 = vector.shape_cast %mul3A_1568 : vector<16xf32> to vector<16xf32>
    tpu.vector_store %arg6[%swap3A_1569], %swap3A_1572 {strides = array<i32>} : memref<2048xf32, #tpu.memory_space<vmem>>, vector<16xf32>,
    %get3A_1573 = arith.constant 1696 : index
    %get3A_1574 = tpu.vector_load %arg6[%get3A_1573] {strides = array<i32>} : memref<2048xf32, #tpu.memory_space<vmem>>, vector<16xf32>,
    %get3A_1575 = vector.shape_cast %get3A_1574 : vector<16xf32> to vector<16xf32>
    %add3A_1576 = arith.addf %get3A_1575, %broadcast_in_dim3A : vector<16xf32>
    %get3A_1577 = arith.constant 1696 : index
    %get3A_1578 = tpu.vector_load %arg7[%get3A_1577] {strides = array<i32>} : memref<2048xi32, #tpu.memory_space<vmem>>, vector<16xi32>,
    %get3A_1579 = vector.shape_cast %get3A_1578 : vector<16xi32> to vector<16xi32>
    %convert_element_type3A_1580 = arith.sitofp %get3A_1579 : vector<16xi32> to vector<16xf32>
    %mul3A_1581 = arith.mulf %add3A_1576, %convert_element_type3A_1580 : vector<16xf32>
    %swap3A_1582 = arith.constant 1696 : index
    %swap3A_1583 = tpu.vector_load %arg6[%swap3A_1582] {strides = array<i32>} : memref<2048xf32, #tpu.memory_space<vmem>>, vector<16xf32>,
    %swap3A_1584 = vector.shape_cast %swap3A_1583 : vector<16xf32> to vector<16xf32>
    %swap3A_1585 = vector.shape_cast %mul3A_1581 : vector<16xf32> to vector<16xf32>
    tpu.vector_store %arg6[%swap3A_1582], %swap3A_1585 {strides = array<i32>} : memref<2048xf32, #tpu.memory_space<vmem>>, vector<16xf32>,
    %get3A_1586 = arith.constant 1712 : index
    %get3A_1587 = tpu.vector_load %arg6[%get3A_1586] {strides = array<i32>} : memref<2048xf32, #tpu.memory_space<vmem>>, vector<16xf32>,
    %get3A_1588 = vector.shape_cast %get3A_1587 : vector<16xf32> to vector<16xf32>
    %add3A_1589 = arith.addf %get3A_1588, %broadcast_in_dim3A : vector<16xf32>
    %get3A_1590 = arith.constant 1712 : index
    %get3A_1591 = tpu.vector_load %arg7[%get3A_1590] {strides = array<i32>} : memref<2048xi32, #tpu.memory_space<vmem>>, vector<16xi32>,
    %get3A_1592 = vector.shape_cast %get3A_1591 : vector<16xi32> to vector<16xi32>
    %convert_element_type3A_1593 = arith.sitofp %get3A_1592 : vector<16xi32> to vector<16xf32>
    %mul3A_1594 = arith.mulf %add3A_1589, %convert_element_type3A_1593 : vector<16xf32>
    %swap3A_1595 = arith.constant 1712 : index
    %swap3A_1596 = tpu.vector_load %arg6[%swap3A_1595] {strides = array<i32>} : memref<2048xf32, #tpu.memory_space<vmem>>, vector<16xf32>,
    %swap3A_1597 = vector.shape_cast %swap3A_1596 : vector<16xf32> to vector<16xf32>
    %swap3A_1598 = vector.shape_cast %mul3A_1594 : vector<16xf32> to vector<16xf32>
    tpu.vector_store %arg6[%swap3A_1595], %swap3A_1598 {strides = array<i32>} : memref<2048xf32, #tpu.memory_space<vmem>>, vector<16xf32>,
    %get3A_1599 = arith.constant 1728 : index
    %get3A_1600 = tpu.vector_load %arg6[%get3A_1599] {strides = array<i32>} : memref<2048xf32, #tpu.memory_space<vmem>>, vector<16xf32>,
    %get3A_1601 = vector.shape_cast %get3A_1600 : vector<16xf32> to vector<16xf32>
    %add3A_1602 = arith.addf %get3A_1601, %broadcast_in_dim3A : vector<16xf32>
    %get3A_1603 = arith.constant 1728 : index
    %get3A_1604 = tpu.vector_load %arg7[%get3A_1603] {strides = array<i32>} : memref<2048xi32, #tpu.memory_space<vmem>>, vector<16xi32>,
    %get3A_1605 = vector.shape_cast %get3A_1604 : vector<16xi32> to vector<16xi32>
    %convert_element_type3A_1606 = arith.sitofp %get3A_1605 : vector<16xi32> to vector<16xf32>
    %mul3A_1607 = arith.mulf %add3A_1602, %convert_element_type3A_1606 : vector<16xf32>
    %swap3A_1608 = arith.constant 1728 : index
    %swap3A_1609 = tpu.vector_load %arg6[%swap3A_1608] {strides = array<i32>} : memref<2048xf32, #tpu.memory_space<vmem>>, vector<16xf32>,
    %swap3A_1610 = vector.shape_cast %swap3A_1609 : vector<16xf32> to vector<16xf32>
    %swap3A_1611 = vector.shape_cast %mul3A_1607 : vector<16xf32> to vector<16xf32>
    tpu.vector_store %arg6[%swap3A_1608], %swap3A_1611 {strides = array<i32>} : memref<2048xf32, #tpu.memory_space<vmem>>, vector<16xf32>,
    %get3A_1612 = arith.constant 1744 : index
    %get3A_1613 = tpu.vector_load %arg6[%get3A_1612] {strides = array<i32>} : memref<2048xf32, #tpu.memory_space<vmem>>, vector<16xf32>,
    %get3A_1614 = vector.shape_cast %get3A_1613 : vector<16xf32> to vector<16xf32>
    %add3A_1615 = arith.addf %get3A_1614, %broadcast_in_dim3A : vector<16xf32>
    %get3A_1616 = arith.constant 1744 : index
    %get3A_1617 = tpu.vector_load %arg7[%get3A_1616] {strides = array<i32>} : memref<2048xi32, #tpu.memory_space<vmem>>, vector<16xi32>,
    %get3A_1618 = vector.shape_cast %get3A_1617 : vector<16xi32> to vector<16xi32>
    %convert_element_type3A_1619 = arith.sitofp %get3A_1618 : vector<16xi32> to vector<16xf32>
    %mul3A_1620 = arith.mulf %add3A_1615, %convert_element_type3A_1619 : vector<16xf32>
    %swap3A_1621 = arith.constant 1744 : index
    %swap3A_1622 = tpu.vector_load %arg6[%swap3A_1621] {strides = array<i32>} : memref<2048xf32, #tpu.memory_space<vmem>>, vector<16xf32>,
    %swap3A_1623 = vector.shape_cast %swap3A_1622 : vector<16xf32> to vector<16xf32>
    %swap3A_1624 = vector.shape_cast %mul3A_1620 : vector<16xf32> to vector<16xf32>
    tpu.vector_store %arg6[%swap3A_1621], %swap3A_1624 {strides = array<i32>} : memref<2048xf32, #tpu.memory_space<vmem>>, vector<16xf32>,
    %get3A_1625 = arith.constant 1760 : index
    %get3A_1626 = tpu.vector_load %arg6[%get3A_1625] {strides = array<i32>} : memref<2048xf32, #tpu.memory_space<vmem>>, vector<16xf32>,
    %get3A_1627 = vector.shape_cast %get3A_1626 : vector<16xf32> to vector<16xf32>
    %add3A_1628 = arith.addf %get3A_1627, %broadcast_in_dim3A : vector<16xf32>
    %get3A_1629 = arith.constant 1760 : index
    %get3A_1630 = tpu.vector_load %arg7[%get3A_1629] {strides = array<i32>} : memref<2048xi32, #tpu.memory_space<vmem>>, vector<16xi32>,
    %get3A_1631 = vector.shape_cast %get3A_1630 : vector<16xi32> to vector<16xi32>
    %convert_element_type3A_1632 = arith.sitofp %get3A_1631 : vector<16xi32> to vector<16xf32>
    %mul3A_1633 = arith.mulf %add3A_1628, %convert_element_type3A_1632 : vector<16xf32>
    %swap3A_1634 = arith.constant 1760 : index
    %swap3A_1635 = tpu.vector_load %arg6[%swap3A_1634] {strides = array<i32>} : memref<2048xf32, #tpu.memory_space<vmem>>, vector<16xf32>,
    %swap3A_1636 = vector.shape_cast %swap3A_1635 : vector<16xf32> to vector<16xf32>
    %swap3A_1637 = vector.shape_cast %mul3A_1633 : vector<16xf32> to vector<16xf32>
    tpu.vector_store %arg6[%swap3A_1634], %swap3A_1637 {strides = array<i32>} : memref<2048xf32, #tpu.memory_space<vmem>>, vector<16xf32>,
    %get3A_1638 = arith.constant 1776 : index
    %get3A_1639 = tpu.vector_load %arg6[%get3A_1638] {strides = array<i32>} : memref<2048xf32, #tpu.memory_space<vmem>>, vector<16xf32>,
    %get3A_1640 = vector.shape_cast %get3A_1639 : vector<16xf32> to vector<16xf32>
    %add3A_1641 = arith.addf %get3A_1640, %broadcast_in_dim3A : vector<16xf32>
    %get3A_1642 = arith.constant 1776 : index
    %get3A_1643 = tpu.vector_load %arg7[%get3A_1642] {strides = array<i32>} : memref<2048xi32, #tpu.memory_space<vmem>>, vector<16xi32>,
    %get3A_1644 = vector.shape_cast %get3A_1643 : vector<16xi32> to vector<16xi32>
    %convert_element_type3A_1645 = arith.sitofp %get3A_1644 : vector<16xi32> to vector<16xf32>
    %mul3A_1646 = arith.mulf %add3A_1641, %convert_element_type3A_1645 : vector<16xf32>
    %swap3A_1647 = arith.constant 1776 : index
    %swap3A_1648 = tpu.vector_load %arg6[%swap3A_1647] {strides = array<i32>} : memref<2048xf32, #tpu.memory_space<vmem>>, vector<16xf32>,
    %swap3A_1649 = vector.shape_cast %swap3A_1648 : vector<16xf32> to vector<16xf32>
    %swap3A_1650 = vector.shape_cast %mul3A_1646 : vector<16xf32> to vector<16xf32>
    tpu.vector_store %arg6[%swap3A_1647], %swap3A_1650 {strides = array<i32>} : memref<2048xf32, #tpu.memory_space<vmem>>, vector<16xf32>,
    %get3A_1651 = arith.constant 1792 : index
    %get3A_1652 = tpu.vector_load %arg6[%get3A_1651] {strides = array<i32>} : memref<2048xf32, #tpu.memory_space<vmem>>, vector<16xf32>,
    %get3A_1653 = vector.shape_cast %get3A_1652 : vector<16xf32> to vector<16xf32>
    %add3A_1654 = arith.addf %get3A_1653, %broadcast_in_dim3A : vector<16xf32>
    %get3A_1655 = arith.constant 1792 : index
    %get3A_1656 = tpu.vector_load %arg7[%get3A_1655] {strides = array<i32>} : memref<2048xi32, #tpu.memory_space<vmem>>, vector<16xi32>,
    %get3A_1657 = vector.shape_cast %get3A_1656 : vector<16xi32> to vector<16xi32>
    %convert_element_type3A_1658 = arith.sitofp %get3A_1657 : vector<16xi32> to vector<16xf32>
    %mul3A_1659 = arith.mulf %add3A_1654, %convert_element_type3A_1658 : vector<16xf32>
    %swap3A_1660 = arith.constant 1792 : index
    %swap3A_1661 = tpu.vector_load %arg6[%swap3A_1660] {strides = array<i32>} : memref<2048xf32, #tpu.memory_space<vmem>>, vector<16xf32>,
    %swap3A_1662 = vector.shape_cast %swap3A_1661 : vector<16xf32> to vector<16xf32>
    %swap3A_1663 = vector.shape_cast %mul3A_1659 : vector<16xf32> to vector<16xf32>
    tpu.vector_store %arg6[%swap3A_1660], %swap3A_1663 {strides = array<i32>} : memref<2048xf32, #tpu.memory_space<vmem>>, vector<16xf32>,
    %get3A_1664 = arith.constant 1808 : index
    %get3A_1665 = tpu.vector_load %arg6[%get3A_1664] {strides = array<i32>} : memref<2048xf32, #tpu.memory_space<vmem>>, vector<16xf32>,
    %get3A_1666 = vector.shape_cast %get3A_1665 : vector<16xf32> to vector<16xf32>
    %add3A_1667 = arith.addf %get3A_1666, %broadcast_in_dim3A : vector<16xf32>
    %get3A_1668 = arith.constant 1808 : index
    %get3A_1669 = tpu.vector_load %arg7[%get3A_1668] {strides = array<i32>} : memref<2048xi32, #tpu.memory_space<vmem>>, vector<16xi32>,
    %get3A_1670 = vector.shape_cast %get3A_1669 : vector<16xi32> to vector<16xi32>
    %convert_element_type3A_1671 = arith.sitofp %get3A_1670 : vector<16xi32> to vector<16xf32>
    %mul3A_1672 = arith.mulf %add3A_1667, %convert_element_type3A_1671 : vector<16xf32>
    %swap3A_1673 = arith.constant 1808 : index
    %swap3A_1674 = tpu.vector_load %arg6[%swap3A_1673] {strides = array<i32>} : memref<2048xf32, #tpu.memory_space<vmem>>, vector<16xf32>,
    %swap3A_1675 = vector.shape_cast %swap3A_1674 : vector<16xf32> to vector<16xf32>
    %swap3A_1676 = vector.shape_cast %mul3A_1672 : vector<16xf32> to vector<16xf32>
    tpu.vector_store %arg6[%swap3A_1673], %swap3A_1676 {strides = array<i32>} : memref<2048xf32, #tpu.memory_space<vmem>>, vector<16xf32>,
    %get3A_1677 = arith.constant 1824 : index
    %get3A_1678 = tpu.vector_load %arg6[%get3A_1677] {strides = array<i32>} : memref<2048xf32, #tpu.memory_space<vmem>>, vector<16xf32>,
    %get3A_1679 = vector.shape_cast %get3A_1678 : vector<16xf32> to vector<16xf32>
    %add3A_1680 = arith.addf %get3A_1679, %broadcast_in_dim3A : vector<16xf32>
    %get3A_1681 = arith.constant 1824 : index
    %get3A_1682 = tpu.vector_load %arg7[%get3A_1681] {strides = array<i32>} : memref<2048xi32, #tpu.memory_space<vmem>>, vector<16xi32>,
    %get3A_1683 = vector.shape_cast %get3A_1682 : vector<16xi32> to vector<16xi32>
    %convert_element_type3A_1684 = arith.sitofp %get3A_1683 : vector<16xi32> to vector<16xf32>
    %mul3A_1685 = arith.mulf %add3A_1680, %convert_element_type3A_1684 : vector<16xf32>
    %swap3A_1686 = arith.constant 1824 : index
    %swap3A_1687 = tpu.vector_load %arg6[%swap3A_1686] {strides = array<i32>} : memref<2048xf32, #tpu.memory_space<vmem>>, vector<16xf32>,
    %swap3A_1688 = vector.shape_cast %swap3A_1687 : vector<16xf32> to vector<16xf32>
    %swap3A_1689 = vector.shape_cast %mul3A_1685 : vector<16xf32> to vector<16xf32>
    tpu.vector_store %arg6[%swap3A_1686], %swap3A_1689 {strides = array<i32>} : memref<2048xf32, #tpu.memory_space<vmem>>, vector<16xf32>,
    %get3A_1690 = arith.constant 1840 : index
    %get3A_1691 = tpu.vector_load %arg6[%get3A_1690] {strides = array<i32>} : memref<2048xf32, #tpu.memory_space<vmem>>, vector<16xf32>,
    %get3A_1692 = vector.shape_cast %get3A_1691 : vector<16xf32> to vector<16xf32>
    %add3A_1693 = arith.addf %get3A_1692, %broadcast_in_dim3A : vector<16xf32>
    %get3A_1694 = arith.constant 1840 : index
    %get3A_1695 = tpu.vector_load %arg7[%get3A_1694] {strides = array<i32>} : memref<2048xi32, #tpu.memory_space<vmem>>, vector<16xi32>,
    %get3A_1696 = vector.shape_cast %get3A_1695 : vector<16xi32> to vector<16xi32>
    %convert_element_type3A_1697 = arith.sitofp %get3A_1696 : vector<16xi32> to vector<16xf32>
    %mul3A_1698 = arith.mulf %add3A_1693, %convert_element_type3A_1697 : vector<16xf32>
    %swap3A_1699 = arith.constant 1840 : index
    %swap3A_1700 = tpu.vector_load %arg6[%swap3A_1699] {strides = array<i32>} : memref<2048xf32, #tpu.memory_space<vmem>>, vector<16xf32>,
    %swap3A_1701 = vector.shape_cast %swap3A_1700 : vector<16xf32> to vector<16xf32>
    %swap3A_1702 = vector.shape_cast %mul3A_1698 : vector<16xf32> to vector<16xf32>
    tpu.vector_store %arg6[%swap3A_1699], %swap3A_1702 {strides = array<i32>} : memref<2048xf32, #tpu.memory_space<vmem>>, vector<16xf32>,
    %get3A_1703 = arith.constant 1856 : index
    %get3A_1704 = tpu.vector_load %arg6[%get3A_1703] {strides = array<i32>} : memref<2048xf32, #tpu.memory_space<vmem>>, vector<16xf32>,
    %get3A_1705 = vector.shape_cast %get3A_1704 : vector<16xf32> to vector<16xf32>
    %add3A_1706 = arith.addf %get3A_1705, %broadcast_in_dim3A : vector<16xf32>
    %get3A_1707 = arith.constant 1856 : index
    %get3A_1708 = tpu.vector_load %arg7[%get3A_1707] {strides = array<i32>} : memref<2048xi32, #tpu.memory_space<vmem>>, vector<16xi32>,
    %get3A_1709 = vector.shape_cast %get3A_1708 : vector<16xi32> to vector<16xi32>
    %convert_element_type3A_1710 = arith.sitofp %get3A_1709 : vector<16xi32> to vector<16xf32>
    %mul3A_1711 = arith.mulf %add3A_1706, %convert_element_type3A_1710 : vector<16xf32>
    %swap3A_1712 = arith.constant 1856 : index
    %swap3A_1713 = tpu.vector_load %arg6[%swap3A_1712] {strides = array<i32>} : memref<2048xf32, #tpu.memory_space<vmem>>, vector<16xf32>,
    %swap3A_1714 = vector.shape_cast %swap3A_1713 : vector<16xf32> to vector<16xf32>
    %swap3A_1715 = vector.shape_cast %mul3A_1711 : vector<16xf32> to vector<16xf32>
    tpu.vector_store %arg6[%swap3A_1712], %swap3A_1715 {strides = array<i32>} : memref<2048xf32, #tpu.memory_space<vmem>>, vector<16xf32>,
    %get3A_1716 = arith.constant 1872 : index
    %get3A_1717 = tpu.vector_load %arg6[%get3A_1716] {strides = array<i32>} : memref<2048xf32, #tpu.memory_space<vmem>>, vector<16xf32>,
    %get3A_1718 = vector.shape_cast %get3A_1717 : vector<16xf32> to vector<16xf32>
    %add3A_1719 = arith.addf %get3A_1718, %broadcast_in_dim3A : vector<16xf32>
    %get3A_1720 = arith.constant 1872 : index
    %get3A_1721 = tpu.vector_load %arg7[%get3A_1720] {strides = array<i32>} : memref<2048xi32, #tpu.memory_space<vmem>>, vector<16xi32>,
    %get3A_1722 = vector.shape_cast %get3A_1721 : vector<16xi32> to vector<16xi32>
    %convert_element_type3A_1723 = arith.sitofp %get3A_1722 : vector<16xi32> to vector<16xf32>
    %mul3A_1724 = arith.mulf %add3A_1719, %convert_element_type3A_1723 : vector<16xf32>
    %swap3A_1725 = arith.constant 1872 : index
    %swap3A_1726 = tpu.vector_load %arg6[%swap3A_1725] {strides = array<i32>} : memref<2048xf32, #tpu.memory_space<vmem>>, vector<16xf32>,
    %swap3A_1727 = vector.shape_cast %swap3A_1726 : vector<16xf32> to vector<16xf32>
    %swap3A_1728 = vector.shape_cast %mul3A_1724 : vector<16xf32> to vector<16xf32>
    tpu.vector_store %arg6[%swap3A_1725], %swap3A_1728 {strides = array<i32>} : memref<2048xf32, #tpu.memory_space<vmem>>, vector<16xf32>,
    %get3A_1729 = arith.constant 1888 : index
    %get3A_1730 = tpu.vector_load %arg6[%get3A_1729] {strides = array<i32>} : memref<2048xf32, #tpu.memory_space<vmem>>, vector<16xf32>,
    %get3A_1731 = vector.shape_cast %get3A_1730 : vector<16xf32> to vector<16xf32>
    %add3A_1732 = arith.addf %get3A_1731, %broadcast_in_dim3A : vector<16xf32>
    %get3A_1733 = arith.constant 1888 : index
    %get3A_1734 = tpu.vector_load %arg7[%get3A_1733] {strides = array<i32>} : memref<2048xi32, #tpu.memory_space<vmem>>, vector<16xi32>,
    %get3A_1735 = vector.shape_cast %get3A_1734 : vector<16xi32> to vector<16xi32>
    %convert_element_type3A_1736 = arith.sitofp %get3A_1735 : vector<16xi32> to vector<16xf32>
    %mul3A_1737 = arith.mulf %add3A_1732, %convert_element_type3A_1736 : vector<16xf32>
    %swap3A_1738 = arith.constant 1888 : index
    %swap3A_1739 = tpu.vector_load %arg6[%swap3A_1738] {strides = array<i32>} : memref<2048xf32, #tpu.memory_space<vmem>>, vector<16xf32>,
    %swap3A_1740 = vector.shape_cast %swap3A_1739 : vector<16xf32> to vector<16xf32>
    %swap3A_1741 = vector.shape_cast %mul3A_1737 : vector<16xf32> to vector<16xf32>
    tpu.vector_store %arg6[%swap3A_1738], %swap3A_1741 {strides = array<i32>} : memref<2048xf32, #tpu.memory_space<vmem>>, vector<16xf32>,
    %get3A_1742 = arith.constant 1904 : index
    %get3A_1743 = tpu.vector_load %arg6[%get3A_1742] {strides = array<i32>} : memref<2048xf32, #tpu.memory_space<vmem>>, vector<16xf32>,
    %get3A_1744 = vector.shape_cast %get3A_1743 : vector<16xf32> to vector<16xf32>
    %add3A_1745 = arith.addf %get3A_1744, %broadcast_in_dim3A : vector<16xf32>
    %get3A_1746 = arith.constant 1904 : index
    %get3A_1747 = tpu.vector_load %arg7[%get3A_1746] {strides = array<i32>} : memref<2048xi32, #tpu.memory_space<vmem>>, vector<16xi32>,
    %get3A_1748 = vector.shape_cast %get3A_1747 : vector<16xi32> to vector<16xi32>
    %convert_element_type3A_1749 = arith.sitofp %get3A_1748 : vector<16xi32> to vector<16xf32>
    %mul3A_1750 = arith.mulf %add3A_1745, %convert_element_type3A_1749 : vector<16xf32>
    %swap3A_1751 = arith.constant 1904 : index
    %swap3A_1752 = tpu.vector_load %arg6[%swap3A_1751] {strides = array<i32>} : memref<2048xf32, #tpu.memory_space<vmem>>, vector<16xf32>,
    %swap3A_1753 = vector.shape_cast %swap3A_1752 : vector<16xf32> to vector<16xf32>
    %swap3A_1754 = vector.shape_cast %mul3A_1750 : vector<16xf32> to vector<16xf32>
    tpu.vector_store %arg6[%swap3A_1751], %swap3A_1754 {strides = array<i32>} : memref<2048xf32, #tpu.memory_space<vmem>>, vector<16xf32>,
    %get3A_1755 = arith.constant 1920 : index
    %get3A_1756 = tpu.vector_load %arg6[%get3A_1755] {strides = array<i32>} : memref<2048xf32, #tpu.memory_space<vmem>>, vector<16xf32>,
    %get3A_1757 = vector.shape_cast %get3A_1756 : vector<16xf32> to vector<16xf32>
    %add3A_1758 = arith.addf %get3A_1757, %broadcast_in_dim3A : vector<16xf32>
    %get3A_1759 = arith.constant 1920 : index
    %get3A_1760 = tpu.vector_load %arg7[%get3A_1759] {strides = array<i32>} : memref<2048xi32, #tpu.memory_space<vmem>>, vector<16xi32>,
    %get3A_1761 = vector.shape_cast %get3A_1760 : vector<16xi32> to vector<16xi32>
    %convert_element_type3A_1762 = arith.sitofp %get3A_1761 : vector<16xi32> to vector<16xf32>
    %mul3A_1763 = arith.mulf %add3A_1758, %convert_element_type3A_1762 : vector<16xf32>
    %swap3A_1764 = arith.constant 1920 : index
    %swap3A_1765 = tpu.vector_load %arg6[%swap3A_1764] {strides = array<i32>} : memref<2048xf32, #tpu.memory_space<vmem>>, vector<16xf32>,
    %swap3A_1766 = vector.shape_cast %swap3A_1765 : vector<16xf32> to vector<16xf32>
    %swap3A_1767 = vector.shape_cast %mul3A_1763 : vector<16xf32> to vector<16xf32>
    tpu.vector_store %arg6[%swap3A_1764], %swap3A_1767 {strides = array<i32>} : memref<2048xf32, #tpu.memory_space<vmem>>, vector<16xf32>,
    %get3A_1768 = arith.constant 1936 : index
    %get3A_1769 = tpu.vector_load %arg6[%get3A_1768] {strides = array<i32>} : memref<2048xf32, #tpu.memory_space<vmem>>, vector<16xf32>,
    %get3A_1770 = vector.shape_cast %get3A_1769 : vector<16xf32> to vector<16xf32>
    %add3A_1771 = arith.addf %get3A_1770, %broadcast_in_dim3A : vector<16xf32>
    %get3A_1772 = arith.constant 1936 : index
    %get3A_1773 = tpu.vector_load %arg7[%get3A_1772] {strides = array<i32>} : memref<2048xi32, #tpu.memory_space<vmem>>, vector<16xi32>,
    %get3A_1774 = vector.shape_cast %get3A_1773 : vector<16xi32> to vector<16xi32>
    %convert_element_type3A_1775 = arith.sitofp %get3A_1774 : vector<16xi32> to vector<16xf32>
    %mul3A_1776 = arith.mulf %add3A_1771, %convert_element_type3A_1775 : vector<16xf32>
    %swap3A_1777 = arith.constant 1936 : index
    %swap3A_1778 = tpu.vector_load %arg6[%swap3A_1777] {strides = array<i32>} : memref<2048xf32, #tpu.memory_space<vmem>>, vector<16xf32>,
    %swap3A_1779 = vector.shape_cast %swap3A_1778 : vector<16xf32> to vector<16xf32>
    %swap3A_1780 = vector.shape_cast %mul3A_1776 : vector<16xf32> to vector<16xf32>
    tpu.vector_store %arg6[%swap3A_1777], %swap3A_1780 {strides = array<i32>} : memref<2048xf32, #tpu.memory_space<vmem>>, vector<16xf32>,
    %get3A_1781 = arith.constant 1952 : index
    %get3A_1782 = tpu.vector_load %arg6[%get3A_1781] {strides = array<i32>} : memref<2048xf32, #tpu.memory_space<vmem>>, vector<16xf32>,
    %get3A_1783 = vector.shape_cast %get3A_1782 : vector<16xf32> to vector<16xf32>
    %add3A_1784 = arith.addf %get3A_1783, %broadcast_in_dim3A : vector<16xf32>
    %get3A_1785 = arith.constant 1952 : index
    %get3A_1786 = tpu.vector_load %arg7[%get3A_1785] {strides = array<i32>} : memref<2048xi32, #tpu.memory_space<vmem>>, vector<16xi32>,
    %get3A_1787 = vector.shape_cast %get3A_1786 : vector<16xi32> to vector<16xi32>
    %convert_element_type3A_1788 = arith.sitofp %get3A_1787 : vector<16xi32> to vector<16xf32>
    %mul3A_1789 = arith.mulf %add3A_1784, %convert_element_type3A_1788 : vector<16xf32>
    %swap3A_1790 = arith.constant 1952 : index
    %swap3A_1791 = tpu.vector_load %arg6[%swap3A_1790] {strides = array<i32>} : memref<2048xf32, #tpu.memory_space<vmem>>, vector<16xf32>,
    %swap3A_1792 = vector.shape_cast %swap3A_1791 : vector<16xf32> to vector<16xf32>
    %swap3A_1793 = vector.shape_cast %mul3A_1789 : vector<16xf32> to vector<16xf32>
    tpu.vector_store %arg6[%swap3A_1790], %swap3A_1793 {strides = array<i32>} : memref<2048xf32, #tpu.memory_space<vmem>>, vector<16xf32>,
    %get3A_1794 = arith.constant 1968 : index
    %get3A_1795 = tpu.vector_load %arg6[%get3A_1794] {strides = array<i32>} : memref<2048xf32, #tpu.memory_space<vmem>>, vector<16xf32>,
    %get3A_1796 = vector.shape_cast %get3A_1795 : vector<16xf32> to vector<16xf32>
    %add3A_1797 = arith.addf %get3A_1796, %broadcast_in_dim3A : vector<16xf32>
    %get3A_1798 = arith.constant 1968 : index
    %get3A_1799 = tpu.vector_load %arg7[%get3A_1798] {strides = array<i32>} : memref<2048xi32, #tpu.memory_space<vmem>>, vector<16xi32>,
    %get3A_1800 = vector.shape_cast %get3A_1799 : vector<16xi32> to vector<16xi32>
    %convert_element_type3A_1801 = arith.sitofp %get3A_1800 : vector<16xi32> to vector<16xf32>
    %mul3A_1802 = arith.mulf %add3A_1797, %convert_element_type3A_1801 : vector<16xf32>
    %swap3A_1803 = arith.constant 1968 : index
    %swap3A_1804 = tpu.vector_load %arg6[%swap3A_1803] {strides = array<i32>} : memref<2048xf32, #tpu.memory_space<vmem>>, vector<16xf32>,
    %swap3A_1805 = vector.shape_cast %swap3A_1804 : vector<16xf32> to vector<16xf32>
    %swap3A_1806 = vector.shape_cast %mul3A_1802 : vector<16xf32> to vector<16xf32>
    tpu.vector_store %arg6[%swap3A_1803], %swap3A_1806 {strides = array<i32>} : memref<2048xf32, #tpu.memory_space<vmem>>, vector<16xf32>,
    %get3A_1807 = arith.constant 1984 : index
    %get3A_1808 = tpu.vector_load %arg6[%get3A_1807] {strides = array<i32>} : memref<2048xf32, #tpu.memory_space<vmem>>, vector<16xf32>,
    %get3A_1809 = vector.shape_cast %get3A_1808 : vector<16xf32> to vector<16xf32>
    %add3A_1810 = arith.addf %get3A_1809, %broadcast_in_dim3A : vector<16xf32>
    %get3A_1811 = arith.constant 1984 : index
    %get3A_1812 = tpu.vector_load %arg7[%get3A_1811] {strides = array<i32>} : memref<2048xi32, #tpu.memory_space<vmem>>, vector<16xi32>,
    %get3A_1813 = vector.shape_cast %get3A_1812 : vector<16xi32> to vector<16xi32>
    %convert_element_type3A_1814 = arith.sitofp %get3A_1813 : vector<16xi32> to vector<16xf32>
    %mul3A_1815 = arith.mulf %add3A_1810, %convert_element_type3A_1814 : vector<16xf32>
    %swap3A_1816 = arith.constant 1984 : index
    %swap3A_1817 = tpu.vector_load %arg6[%swap3A_1816] {strides = array<i32>} : memref<2048xf32, #tpu.memory_space<vmem>>, vector<16xf32>,
    %swap3A_1818 = vector.shape_cast %swap3A_1817 : vector<16xf32> to vector<16xf32>
    %swap3A_1819 = vector.shape_cast %mul3A_1815 : vector<16xf32> to vector<16xf32>
    tpu.vector_store %arg6[%swap3A_1816], %swap3A_1819 {strides = array<i32>} : memref<2048xf32, #tpu.memory_space<vmem>>, vector<16xf32>,
    %get3A_1820 = arith.constant 2000 : index
    %get3A_1821 = tpu.vector_load %arg6[%get3A_1820] {strides = array<i32>} : memref<2048xf32, #tpu.memory_space<vmem>>, vector<16xf32>,
    %get3A_1822 = vector.shape_cast %get3A_1821 : vector<16xf32> to vector<16xf32>
    %add3A_1823 = arith.addf %get3A_1822, %broadcast_in_dim3A : vector<16xf32>
    %get3A_1824 = arith.constant 2000 : index
    %get3A_1825 = tpu.vector_load %arg7[%get3A_1824] {strides = array<i32>} : memref<2048xi32, #tpu.memory_space<vmem>>, vector<16xi32>,
    %get3A_1826 = vector.shape_cast %get3A_1825 : vector<16xi32> to vector<16xi32>
    %convert_element_type3A_1827 = arith.sitofp %get3A_1826 : vector<16xi32> to vector<16xf32>
    %mul3A_1828 = arith.mulf %add3A_1823, %convert_element_type3A_1827 : vector<16xf32>
    %swap3A_1829 = arith.constant 2000 : index
    %swap3A_1830 = tpu.vector_load %arg6[%swap3A_1829] {strides = array<i32>} : memref<2048xf32, #tpu.memory_space<vmem>>, vector<16xf32>,
    %swap3A_1831 = vector.shape_cast %swap3A_1830 : vector<16xf32> to vector<16xf32>
    %swap3A_1832 = vector.shape_cast %mul3A_1828 : vector<16xf32> to vector<16xf32>
    tpu.vector_store %arg6[%swap3A_1829], %swap3A_1832 {strides = array<i32>} : memref<2048xf32, #tpu.memory_space<vmem>>, vector<16xf32>,
    %get3A_1833 = arith.constant 2016 : index
    %get3A_1834 = tpu.vector_load %arg6[%get3A_1833] {strides = array<i32>} : memref<2048xf32, #tpu.memory_space<vmem>>, vector<16xf32>,
    %get3A_1835 = vector.shape_cast %get3A_1834 : vector<16xf32> to vector<16xf32>
    %add3A_1836 = arith.addf %get3A_1835, %broadcast_in_dim3A : vector<16xf32>
    %get3A_1837 = arith.constant 2016 : index
    %get3A_1838 = tpu.vector_load %arg7[%get3A_1837] {strides = array<i32>} : memref<2048xi32, #tpu.memory_space<vmem>>, vector<16xi32>,
    %get3A_1839 = vector.shape_cast %get3A_1838 : vector<16xi32> to vector<16xi32>
    %convert_element_type3A_1840 = arith.sitofp %get3A_1839 : vector<16xi32> to vector<16xf32>
    %mul3A_1841 = arith.mulf %add3A_1836, %convert_element_type3A_1840 : vector<16xf32>
    %swap3A_1842 = arith.constant 2016 : index
    %swap3A_1843 = tpu.vector_load %arg6[%swap3A_1842] {strides = array<i32>} : memref<2048xf32, #tpu.memory_space<vmem>>, vector<16xf32>,
    %swap3A_1844 = vector.shape_cast %swap3A_1843 : vector<16xf32> to vector<16xf32>
    %swap3A_1845 = vector.shape_cast %mul3A_1841 : vector<16xf32> to vector<16xf32>
    tpu.vector_store %arg6[%swap3A_1842], %swap3A_1845 {strides = array<i32>} : memref<2048xf32, #tpu.memory_space<vmem>>, vector<16xf32>,
    %get3A_1846 = arith.constant 2032 : index
    %get3A_1847 = tpu.vector_load %arg6[%get3A_1846] {strides = array<i32>} : memref<2048xf32, #tpu.memory_space<vmem>>, vector<16xf32>,
    %get3A_1848 = vector.shape_cast %get3A_1847 : vector<16xf32> to vector<16xf32>
    %add3A_1849 = arith.addf %get3A_1848, %broadcast_in_dim3A : vector<16xf32>
    %get3A_1850 = arith.constant 2032 : index
    %get3A_1851 = tpu.vector_load %arg7[%get3A_1850] {strides = array<i32>} : memref<2048xi32, #tpu.memory_space<vmem>>, vector<16xi32>,
    %get3A_1852 = vector.shape_cast %get3A_1851 : vector<16xi32> to vector<16xi32>
    %convert_element_type3A_1853 = arith.sitofp %get3A_1852 : vector<16xi32> to vector<16xf32>
    %mul3A_1854 = arith.mulf %add3A_1849, %convert_element_type3A_1853 : vector<16xf32>
    %swap3A_1855 = arith.constant 2032 : index
    %swap3A_1856 = tpu.vector_load %arg6[%swap3A_1855] {strides = array<i32>} : memref<2048xf32, #tpu.memory_space<vmem>>, vector<16xf32>,
    %swap3A_1857 = vector.shape_cast %swap3A_1856 : vector<16xf32> to vector<16xf32>
    %swap3A_1858 = vector.shape_cast %mul3A_1854 : vector<16xf32> to vector<16xf32>
    tpu.vector_store %arg6[%swap3A_1855], %swap3A_1858 {strides = array<i32>} : memref<2048xf32, #tpu.memory_space<vmem>>, vector<16xf32>,
    %dma_start3A_1859 = arith.constant 1536 : i32
    %dma_start3A_1860 = tpu.memref_slice %arg6[%dma_start3A_1859] : memref<2048xf32, #tpu.memory_space<vmem>> -> memref<512xf32, #tpu.memory_space<vmem>>
    %dma_start3A_1861 = arith.constant 1536 : i32
    %dma_start3A_1862 = tpu.memref_slice %arg5[%add3A, %dma_start3A_1861] : memref<16x2048xf32, #tpu.memory_space<hbm>> -> memref<1x512xf32, #tpu.memory_space<hbm>>
    %dma_start3A_1863 = tpu.memref_squeeze %dma_start3A_1862 : memref<1x512xf32, #tpu.memory_space<hbm>> -> memref<512xf32, #tpu.memory_space<hbm>>
    %dma_start3A_1864 = arith.constant 1536 : i32
    %dma_start3A_1865 = tpu.memref_slice %arg5[%add3A, %dma_start3A_1864] : memref<16x2048xf32, #tpu.memory_space<hbm>> -> memref<1x512xf32, #tpu.memory_space<hbm>>
    %dma_start3A_1866 = tpu.memref_squeeze %dma_start3A_1865 : memref<1x512xf32, #tpu.memory_space<hbm>> -> memref<512xf32, #tpu.memory_space<hbm>>
    %dma_start3A_1867 = arith.constant 1536 : i32
    %dma_start3A_1868 = tpu.memref_slice %arg6[%dma_start3A_1867] : memref<2048xf32, #tpu.memory_space<vmem>> -> memref<512xf32, #tpu.memory_space<vmem>>
    tpu.enqueue_dma source(%dma_start3A_1868 : memref<512xf32, #tpu.memory_space<vmem>>) target(%dma_start3A_1866 : memref<512xf32, #tpu.memory_space<hbm>>) target_semaphore(%arg10 : memref<!tpu.dma_semaphore, #tpu.memory_space<semaphore_mem>>)
    %dma_wait3A_1869 = arith.constant 0 : i32
    %dma_wait3A_1870 = tpu.memref_slice %arg6[%dma_wait3A_1869] : memref<2048xf32, #tpu.memory_space<vmem>> -> memref<512xf32, #tpu.memory_space<vmem>>
    %dma_wait3A_1871 = arith.constant 0 : i32
    %dma_wait3A_1872 = tpu.memref_slice %arg5[%add3A, %dma_wait3A_1871] : memref<16x2048xf32, #tpu.memory_space<hbm>> -> memref<1x512xf32, #tpu.memory_space<hbm>>
    %dma_wait3A_1873 = tpu.memref_squeeze %dma_wait3A_1872 : memref<1x512xf32, #tpu.memory_space<hbm>> -> memref<512xf32, #tpu.memory_space<hbm>>
    %dma_wait3A_1874 = arith.constant 0 : i32
    %dma_wait3A_1875 = tpu.memref_slice %arg5[%add3A, %dma_wait3A_1874] : memref<16x2048xf32, #tpu.memory_space<hbm>> -> memref<1x512xf32, #tpu.memory_space<hbm>>
    %dma_wait3A_1876 = tpu.memref_squeeze %dma_wait3A_1875 : memref<1x512xf32, #tpu.memory_space<hbm>> -> memref<512xf32, #tpu.memory_space<hbm>>
    %dma_wait3A_1877 = arith.constant 0 : i32
    %dma_wait3A_1878 = tpu.memref_slice %arg6[%dma_wait3A_1877] : memref<2048xf32, #tpu.memory_space<vmem>> -> memref<512xf32, #tpu.memory_space<vmem>>
    tpu.wait_dma2 semaphore(%arg10 : memref<!tpu.dma_semaphore, #tpu.memory_space<semaphore_mem>>) src(%dma_wait3A_1878 : memref<512xf32, #tpu.memory_space<vmem>>) dst(%dma_wait3A_1876 : memref<512xf32, #tpu.memory_space<hbm>>)
    %dma_wait3A_1879 = arith.constant 512 : i32
    %dma_wait3A_1880 = tpu.memref_slice %arg6[%dma_wait3A_1879] : memref<2048xf32, #tpu.memory_space<vmem>> -> memref<512xf32, #tpu.memory_space<vmem>>
    %dma_wait3A_1881 = arith.constant 512 : i32
    %dma_wait3A_1882 = tpu.memref_slice %arg5[%add3A, %dma_wait3A_1881] : memref<16x2048xf32, #tpu.memory_space<hbm>> -> memref<1x512xf32, #tpu.memory_space<hbm>>
    %dma_wait3A_1883 = tpu.memref_squeeze %dma_wait3A_1882 : memref<1x512xf32, #tpu.memory_space<hbm>> -> memref<512xf32, #tpu.memory_space<hbm>>
    %dma_wait3A_1884 = arith.constant 512 : i32
    %dma_wait3A_1885 = tpu.memref_slice %arg5[%add3A, %dma_wait3A_1884] : memref<16x2048xf32, #tpu.memory_space<hbm>> -> memref<1x512xf32, #tpu.memory_space<hbm>>
    %dma_wait3A_1886 = tpu.memref_squeeze %dma_wait3A_1885 : memref<1x512xf32, #tpu.memory_space<hbm>> -> memref<512xf32, #tpu.memory_space<hbm>>
    %dma_wait3A_1887 = arith.constant 512 : i32
    %dma_wait3A_1888 = tpu.memref_slice %arg6[%dma_wait3A_1887] : memref<2048xf32, #tpu.memory_space<vmem>> -> memref<512xf32, #tpu.memory_space<vmem>>
    tpu.wait_dma2 semaphore(%arg10 : memref<!tpu.dma_semaphore, #tpu.memory_space<semaphore_mem>>) src(%dma_wait3A_1888 : memref<512xf32, #tpu.memory_space<vmem>>) dst(%dma_wait3A_1886 : memref<512xf32, #tpu.memory_space<hbm>>)
    %dma_wait3A_1889 = arith.constant 1024 : i32
    %dma_wait3A_1890 = tpu.memref_slice %arg6[%dma_wait3A_1889] : memref<2048xf32, #tpu.memory_space<vmem>> -> memref<512xf32, #tpu.memory_space<vmem>>
    %dma_wait3A_1891 = arith.constant 1024 : i32
    %dma_wait3A_1892 = tpu.memref_slice %arg5[%add3A, %dma_wait3A_1891] : memref<16x2048xf32, #tpu.memory_space<hbm>> -> memref<1x512xf32, #tpu.memory_space<hbm>>
    %dma_wait3A_1893 = tpu.memref_squeeze %dma_wait3A_1892 : memref<1x512xf32, #tpu.memory_space<hbm>> -> memref<512xf32, #tpu.memory_space<hbm>>
    %dma_wait3A_1894 = arith.constant 1024 : i32
    %dma_wait3A_1895 = tpu.memref_slice %arg5[%add3A, %dma_wait3A_1894] : memref<16x2048xf32, #tpu.memory_space<hbm>> -> memref<1x512xf32, #tpu.memory_space<hbm>>
    %dma_wait3A_1896 = tpu.memref_squeeze %dma_wait3A_1895 : memref<1x512xf32, #tpu.memory_space<hbm>> -> memref<512xf32, #tpu.memory_space<hbm>>
    %dma_wait3A_1897 = arith.constant 1024 : i32
    %dma_wait3A_1898 = tpu.memref_slice %arg6[%dma_wait3A_1897] : memref<2048xf32, #tpu.memory_space<vmem>> -> memref<512xf32, #tpu.memory_space<vmem>>
    tpu.wait_dma2 semaphore(%arg10 : memref<!tpu.dma_semaphore, #tpu.memory_space<semaphore_mem>>) src(%dma_wait3A_1898 : memref<512xf32, #tpu.memory_space<vmem>>) dst(%dma_wait3A_1896 : memref<512xf32, #tpu.memory_space<hbm>>)
    %dma_wait3A_1899 = arith.constant 1536 : i32
    %dma_wait3A_1900 = tpu.memref_slice %arg6[%dma_wait3A_1899] : memref<2048xf32, #tpu.memory_space<vmem>> -> memref<512xf32, #tpu.memory_space<vmem>>
    %dma_wait3A_1901 = arith.constant 1536 : i32
    %dma_wait3A_1902 = tpu.memref_slice %arg5[%add3A, %dma_wait3A_1901] : memref<16x2048xf32, #tpu.memory_space<hbm>> -> memref<1x512xf32, #tpu.memory_space<hbm>>
    %dma_wait3A_1903 = tpu.memref_squeeze %dma_wait3A_1902 : memref<1x512xf32, #tpu.memory_space<hbm>> -> memref<512xf32, #tpu.memory_space<hbm>>
    %dma_wait3A_1904 = arith.constant 1536 : i32
    %dma_wait3A_1905 = tpu.memref_slice %arg5[%add3A, %dma_wait3A_1904] : memref<16x2048xf32, #tpu.memory_space<hbm>> -> memref<1x512xf32, #tpu.memory_space<hbm>>
    %dma_wait3A_1906 = tpu.memref_squeeze %dma_wait3A_1905 : memref<1x512xf32, #tpu.memory_space<hbm>> -> memref<512xf32, #tpu.memory_space<hbm>>
    %dma_wait3A_1907 = arith.constant 1536 : i32
    %dma_wait3A_1908 = tpu.memref_slice %arg6[%dma_wait3A_1907] : memref<2048xf32, #tpu.memory_space<vmem>> -> memref<512xf32, #tpu.memory_space<vmem>>
    tpu.wait_dma2 semaphore(%arg10 : memref<!tpu.dma_semaphore, #tpu.memory_space<semaphore_mem>>) src(%dma_wait3A_1908 : memref<512xf32, #tpu.memory_space<vmem>>) dst(%dma_wait3A_1906 : memref<512xf32, #tpu.memory_space<hbm>>)
    return
  }
}

</mosaic_0001>

<sc_bundles>
// kernel: kernel.3.cloned.1.call-start
scs
__scs_entry_jumppad:
0x0: {  	(pc) =	sbr.rel $0x88, $3  }
0x1: {  	(tag) =	ssettag $0x0;
	lr =	simm.s32 $0x1  }
0x2: {  	[smem:$0x3F9E] =	sst lr;
	_ =	strace $0xD0000000  }
0x3: {  	_ = 	snop  }
0x4: {  	_ = 	snop  }
0x5: {  	_ = 	snop  }
0x6: {  	_ = 	snop  }
0x7: {  	_ = 	snop  }
__scs_overlays_trampoline_lowered:
0x8: {  	[smem:$0x3FAD] =	sst s0  }
0x9: {  	[smem:$0x3FAE] =	sst s1  }
0xa: {  	[smem:$0x3FAF] =	sst s2  }
0xb: {  	[smem:$0x3FB0] =	sst s3  }
0xc: {  	[smem:$0x3FB1] =	sst s4  }
0xd: {  	[smem:$0x3FB2] =	sst s5  }
0xe: {  	[smem:$0x3FB3] =	sst s6  }
0xf: {  	[smem:$0x3FB4] =	sst s7  }
0x10: {  	[smem:$0x3FB5] =	sst s8  }
0x11: {  	[smem:$0x3FB6] =	sst s9;
	s0 =	simm.s32 @!p0 $0x0  }
0x12: {  	s1 =	sld [smem:$0x3F9C];
	s0 =	simm.s32 @p0 $0x1  }
0x13: {  	[smem:$0x3FB7] =	sst s0;
	s0 =	simm.s32 @!p1 $0x0  }
0x14: {  	s2 =	sld [smem:$0x3F9B];
	s0 =	simm.s32 @p1 $0x1  }
0x15: {  	[smem:$0x3FB8] =	sst s0;
	s0 =	simm.s32 @!p2 $0x0  }
0x16: {  	s3 =	sld [smem:$0x3FDB];
	s0 =	simm.s32 @p2 $0x1  }
0x17: {  	s4 =	simm.s32 $0x1BF5;
	[smem:$0x3FBA] =	sst s0  }
0x18: {  	s0 =	sld [smem:$0x3F9D];
	_ =	swait.ge [sflag:s4], $0x0  }
0x19: {  	s7 =	sld [smem:$0x3F9E]  }
0x1a: {  	s8 =	sadd.s32 $0xFFFFE003, lr  }
0x1b: {  	s9 =	sadd.s32 $0xFFFFFEF7, lr;
	s5 =	simm.s32 $0xFFFFFFFF;
	p2 =	slt.u32 s8, $0xFFFFF086  }
0x1c: {  	p1 =	slt.u32 s9, $0xF7A;
	s5 =	simm.s32 @!p2 $0x0  }
0x1d: {  	s5 =	simm.s32 @p1 $0x1;
	p0 =	seq.s32 s7, s2  }
0x1e: {  	s7 =	smul.u32 @!p0 $0xF7A, s2;
	p2 =	seq.s32 @!p0 s5, $0x0  }
0x1f: {  	s9 =	smul.u32 $0xF7A, s1;
	s8 =	simm.s32 @!p0 $0x1BF5;
	p2 =	por !p2, p0  }
0x20: {  	[sflag:s8] =	ssyncset.s32 @!p0 $0xFFFFF086;
	s6 =	sadd.s32 @!p0 s3, s7;
	s7 =	simm.s32 @!p0 $0x108  }
0x21: {  	s3 =	sadd.s32 s3, s9;
	s6 =	sadd.s32 @!p0 $0x88, s6;
	s7 =	simm.s32 @p2 $0x1082  }
0x22: {  	[simem:s7], [sflag:s8] =	dma.local @!p0 [hbm:s6], $0xF7A  }
0x23: {  	s9 =	sor.u32 $0xD0000000, s2;
	s6 =	simm.s32 $0x108;
	_ =	swait.ge @!p0 [sflag:s8], $0x0  }
0x24: {  	s3 =	sadd.s32 $0x88, s3;
	s6 =	simm.s32 @!p1 $0x1082;
	[sflag:s4] =	ssyncset.s32 $0xFFFFF086  }
0x25: {  	[simem:s6], [sflag:s4] =	dma.local [hbm:s3], $0xF7A  }
0x26: {  	[smem:$0x3F9E] =	sst s1;
	(tag) =	ssettag s2;
	_ =	strace s9  }
0x27: {  	s1 =	sld [smem:$0x3FAE]  }
0x28: {  	s2 =	sld [smem:$0x3FAF]  }
0x29: {  	s4 =	sld [smem:$0x3FB1]  }
0x2a: {  	p0 =	seq.s32 s5, $0x0;
	s5 =	sld [smem:$0x3FB2]  }
0x2b: {  	s6 =	sld [smem:$0x3FB3]  }
0x2c: {  	s7 =	sld [smem:$0x3FB4]  }
0x2d: {  	s3 =	simm.s32 $0x108;
	s8 =	sld [smem:$0x3FB5]  }
0x2e: {  	s3 =	simm.s32 @!p0 $0x1082;
	s9 =	sld [smem:$0x3FB6]  }
0x2f: {  	lr =	sadd.s32 s0, s3;
	s0 =	sld [smem:$0x3FAD]  }
0x30: {  	s3 =	sld [smem:$0x3FB0]  }
0x31: {  	[smem:$0x3FB9] =	sst s10  }
0x32: {  	s10 =	sld [smem:$0x3FB7];
	_ =	sdelay $0x3  }
0x33: {  	p0 =	seq.s32 s10, $0x1;
	s10 =	sld [smem:$0x3FB9];
	_ =	sdelay $0x3  }
0x34: {  	[smem:$0x3FB9] =	sst s10  }
0x35: {  	s10 =	sld [smem:$0x3FB8];
	_ =	sdelay $0x3  }
0x36: {  	p1 =	seq.s32 s10, $0x1;
	s10 =	sld [smem:$0x3FB9];
	_ =	sdelay $0x3  }
0x37: {  	[smem:$0x3FB9] =	sst s10  }
0x38: {  	s10 =	sld [smem:$0x3FBA]  }
0x39: {  	_ = 	snop;
	(pc) =	sbr.ind lr, $3  }
0x3a: {  	_ = 	snop  }
0x3b: {  	_ = 	snop  }
0x3c: {  	p2 =	seq.s32 s10, $0x1;
	s10 =	sld [smem:$0x3FB9]  }
0x3d: {  	_ =	shalt  }
0x3e: {  	_ =	shalt  }
0x3f: {  	_ =	shalt  }
0x40: {  	_ =	shalt  }
0x41: {  	_ =	shalt  }
0x42: {  	_ =	shalt  }
0x43: {  	_ =	shalt  }
0x44: {  	_ =	shalt  }
0x45: {  	_ =	shalt  }
0x46: {  	_ =	shalt  }
0x47: {  	_ =	shalt  }
0x48: {  	_ =	shalt  }
0x49: {  	_ =	shalt  }
0x4a: {  	_ =	shalt  }
0x4b: {  	_ =	shalt  }
0x4c: {  	_ =	shalt  }
0x4d: {  	_ =	shalt  }
0x4e: {  	_ =	shalt  }
0x4f: {  	_ =	shalt  }
0x50: {  	_ =	shalt  }
0x51: {  	_ =	shalt  }
0x52: {  	_ =	shalt  }
0x53: {  	_ =	shalt  }
0x54: {  	_ =	shalt  }
0x55: {  	_ =	shalt  }
0x56: {  	_ =	shalt  }
0x57: {  	_ =	shalt  }
0x58: {  	_ =	shalt  }
0x59: {  	_ =	shalt  }
0x5a: {  	_ =	shalt  }
0x5b: {  	_ =	shalt  }
0x5c: {  	_ =	shalt  }
0x5d: {  	_ =	shalt  }
0x5e: {  	_ =	shalt  }
0x5f: {  	_ =	shalt  }
0x60: {  	_ =	shalt  }
0x61: {  	_ =	shalt  }
0x62: {  	_ =	shalt  }
0x63: {  	_ =	shalt  }
0x64: {  	_ =	shalt  }
0x65: {  	_ =	shalt  }
0x66: {  	_ =	shalt  }
0x67: {  	_ =	shalt  }
0x68: {  	_ =	shalt  }
0x69: {  	_ =	shalt  }
0x6a: {  	_ =	shalt  }
0x6b: {  	_ =	shalt  }
0x6c: {  	_ =	shalt  }
0x6d: {  	_ =	shalt  }
0x6e: {  	_ =	shalt  }
0x6f: {  	_ =	shalt  }
0x70: {  	_ =	shalt  }
0x71: {  	_ =	shalt  }
0x72: {  	_ =	shalt  }
0x73: {  	_ =	shalt  }
0x74: {  	_ =	shalt  }
0x75: {  	_ =	shalt  }
0x76: {  	_ =	shalt  }
0x77: {  	_ =	shalt  }
0x78: {  	_ =	shalt  }
0x79: {  	_ =	shalt  }
0x7a: {  	_ =	shalt  }
0x7b: {  	_ =	shalt  }
0x7c: {  	_ =	shalt  }
0x7d: {  	_ =	shalt  }
0x7e: {  	_ =	shalt  }
0x7f: {  	_ =	shalt  }
0x80: {  	_ =	shalt  }
0x81: {  	_ =	shalt  }
0x82: {  	_ =	shalt  }
0x83: {  	_ =	shalt  }
0x84: {  	_ =	shalt  }
0x85: {  	_ =	shalt  }
0x86: {  	_ =	shalt  }
0x87: {  	_ =	shalt  }
.Lfunc_end0:
.L_simem_size_0:
called_computation_lowered:
.L_overlay_start_0:
0x88: {  	s0 =	sld [smem:$0x3FD9]  }
0x89: {  	s1 =	sld [smem:$0x3FFE];
	_ =	sdelay $0x3  }
0x8a: {  	s0 =	sadd.s32 s1, s0  }
0x8b: {  	[smem:$0x3FC5] =	sst s0  }
0x8c: {  	_ = 	snop  }
0x8d: {  	s0 =	sld [smem:$0x3FC9]  }
0x8e: {  	s17 =	sld [smem:$0x3FC8]  }
0x8f: {  	s2 =	sld [smem:$0x3FC7]  }
0x90: {  	s3 =	sld [smem:$0x3FD0];
	(tm) =	ssettm $0x1  }
0x91: {  	s4 =	sld [smem:$0x3FFB];
	_ =	sdelay $0x3  }
0x92: {  	_ =	strace s4  }
0x93: {  	s4 =	sld [smem:$0x3FFC];
	_ =	sdelay $0x3  }
0x94: {  	_ =	strace s4  }
0x95: {  	s4 =	sld [smem:$0x3FFD];
	_ =	sdelay $0x3  }
0x96: {  	_ =	strace s4  }
0x97: {  	_ =	strace $0x8FFFFFFF  }
0x98: {  	s18 =	sld [smem:$0x3FDB];
	_ =	sdelay $0x1  }
0x99: {  	s5 =	simm.s32 $_scs_section_size  }
0x9a: {  	s6 =	simm.s32 $_size__tile_overlayer_lowered;
	s7 =	simm.s32 $_tile_overlayer_lowered  }
0x9b: {  	s21 =	simm.s32 $0x1BFF;
	s20 =	sshll.u32 s7, $0x1;
	s4 =	sadd.s32 s5, s18  }
0x9c: {  	s8 =	simm.s32 $0x0;
	s19 =	sshll.u32 s6, $0x1;
	s6 =	sadd.s32 s20, s4  }
0x9d: {  	[timem:s8], [sflag:s21] =	dma.local [hbm:s6], s19  }
0x9e: {  	_ =	swait.ge [sflag:s21], s19  }
0x9f: {  	s5 =	ssub.s32 $0x0, s19;
	[sflag:s21] =	ssyncset.done $0x0  }
0xa0: {  	[sflag:s21] =	ssyncadd.s32 s5;
	_ =	sdelay $0x1  }
0xa1: {  	s22 =	simm.s32 $0x1B8B  }
0xa2: {  	_ =	swait.ge [sflag:s22], $0x1  }
0xa3: {  	[sflag:s22] =	ssyncset.done $0x0  }
0xa4: {  	s23 =	simm.s32 $0x1B8E;
	[sflag:s22] =	ssyncadd.s32 $0xFFFFFFFF  }
0xa5: {  	s24 =	simm.s32 $execute0_lowered;
	[smem:$0x3FD2] =	sst s23  }
0xa6: {  	s5 =	sshll.u32 s24, $0x1;
	_ =	strace $0x80000046;
	[dreg:$0x1] =	wrdreg $0xFFFFFFFF  }
0xa7: {  	s25 =	simm.s32 $_size_execute0_lowered;
	s4 =	sadd.s32 s4, s5;
	[dreg:$0x0] =	wrdreg $0x0  }
0xa8: {  	s5 =	sshll.u32 s25, $0x1;
	[dreg:$0x2] =	wrdreg s4  }
0xa9: {  	[dreg:$0x3] =	wrdreg s5  }
0xaa: {  	[dreg:$0x4] =	wrdreg $0xC0  }
0xab: {  	_ =	task [dreg:s8], $0x5FFFF  }
0xac: {  	[dreg:$0x1] =	wrdreg $0xFFFFFFFF  }
0xad: {  	[dreg:$0x0] =	wrdreg $0x60  }
0xae: {  	[dreg:$0x2] =	wrdreg s0  }
0xaf: {  	[dreg:$0x3] =	wrdreg s17  }
0xb0: {  	[dreg:$0x4] =	wrdreg s2  }
0xb1: {  	[dreg:$0x5] =	wrdreg s3  }
0xb2: {  	[dreg:$0x6] =	wrdreg $0x9  }
0xb3: {  	_ =	task.clear_ibuf [dreg:s8], $0x7FFFF;
	_ =	strace $0x90000046  }
0xb4: {  	s26 =	simm.s32 $0x9;
	_ =	strace $0x80000048  }
0xb5: {  	_ =	swait.ge [sflag:s26], $0x1  }
0xb6: {  	[sflag:s26] =	ssyncadd.s32 $0xFFFFFFFF  }
0xb7: {  	_ =	strace $0x90000048  }
0xb8: {  	_ =	sfence  }
0xb9: {  	s28 =	sld [smem:$0x0];
	_ =	sdelay $0x1  }
0xba: {  	s29 =	srdreg.scid  }
0xbb: {  	s30 =	sshll.u32 s29, $0xD;
	s31 =	sshrl.u32 s29, $0x2  }
0xbc: {  	s1 =	sand.u32 $0x1, s29;
	s2 =	sand.u32 $0x4000, s30;
	s0 =	sadd.s32 s31, s28  }
0xbd: {  	s1 =	sor.u32 s2, s1;
	s0 =	sshll.u32 s0, $0x11  }
0xbe: {  	s0 =	sor.u32 s0, s1  }
0xbf: {  	s0 =	sadd.s32 $0x8F2B, s0  }
0xc0: {  	[sflag:s0] =	ssyncadd.remote.s32 $0x1  }
0xc1: {  	_ =	sfence.sel $0xFFFF  }
0xc2: {  	[dreg:$0x0] =	wrdreg $0xFFFFFFFF;
	(pc) =	sbr.abs _section_cstart, $3  }
0xc3: {  	[dreg:$0x1] =	wrdreg $0xFFFFFFFF  }
0xc4: {  	_ =	task.clear_ibuf [dreg:s8], $0x2FFFF;
	_ =	strace $0x9FFFFFFF  }
0xc5: {  	(tm) =	ssettm $0x7FFFFFFF  }
tec
execute0_lowered:
.L_overlay_start_1:
0x0: {  	(tag) =	ssettag $0x1  }
0x1: {  	s6 =	rddreg [dreg:$0x0]  }
0x2: {  	s8 =	rddreg [dreg:$0x1]  }
0x3: {  	s3 =	rddreg [dreg:$0x2]  }
0x4: {  	s2 =	rddreg [dreg:$0x3]  }
0x5: {  	s0 =	rddreg [dreg:$0x4];
	s1 =	stileid.u32  }
0x6: {  	s11 =	simm.s32 $0x0;
	s4 =	sshll.u32 s1, $0x8;
	s5 =	sshll.u32 s1, $0x4  }
0x7: {  	[smem:$0x7FF] =	sst s11;
	s4 =	sor.u32 s5, s4  }
0x8: {  	s15 =	simm.s32 $0x1000;
	_ =	strace $0x80000047;
	s12 =	sand.u32 $0x870, s4  }
0x9: {  	[tilespmem:s15], [sflag:$0x1] =	stream.linear.gather [hbm4b:s3+s11], $0x1, $0x38;
	[tilespmem:$0x1080] =	vst v63  }
0xa: {  	s17 =	simm.s32 $0x80;
	s18 =	simm.s32 $0x400;
	s16 =	sadd.s32 s6, s12  }
0xb: {  	[tilespmem:s11], [sflag:$0x1] =	stream.strided.gather [hbm4b:s16+s17], $0x200, s18, s17, $0x38;
	[tilespmem:$0x1080] =	vst v63  }
0xc: {  	s7 =	simm.s32 $0x800;
	s19 =	sadd.s32 s8, s12;
	s9 =	sor.u32 $0x200, s12  }
0xd: {  	[tilespmem:s7], [sflag:$0x1] =	stream.strided.gather [hbm4b:s19+s17], $0x200, s18, s17, $0x38;
	[tilespmem:$0x1080] =	vst v63  }
0xe: {  	s10 =	simm.s32 $0x200;
	s20 =	sadd.s32 s6, s9  }
0xf: {  	[tilespmem:s10], [sflag:$0x1] =	stream.strided.gather [hbm4b:s20+s17], $0x200, s18, s17, $0x38;
	[tilespmem:$0x1080] =	vst v63  }
0x10: {  	s13 =	simm.s32 $0xA00;
	s22 =	sor.u32 $0x400, s12;
	s21 =	sadd.s32 s8, s9  }
0x11: {  	[tilespmem:s13], [sflag:$0x1] =	stream.strided.gather [hbm4b:s21+s17], $0x200, s18, s17, $0x38;
	[tilespmem:$0x1080] =	vst v63  }
0x12: {  	s23 =	sadd.s32 s6, s22  }
0x13: {  	[tilespmem:s18], [sflag:$0x1] =	stream.strided.gather [hbm4b:s23+s17], $0x200, s18, s17, $0x38;
	[tilespmem:$0x1080] =	vst v63  }
0x14: {  	s14 =	simm.s32 $0xC00;
	s25 =	sor.u32 $0x600, s12;
	s24 =	sadd.s32 s8, s22  }
0x15: {  	[tilespmem:s14], [sflag:$0x1] =	stream.strided.gather [hbm4b:s24+s17], $0x200, s18, s17, $0x38;
	[tilespmem:$0x1080] =	vst v63  }
0x16: {  	s28 =	simm.s32 $0x600;
	s26 =	sadd.s32 s6, s25  }
0x17: {  	[tilespmem:s28], [sflag:$0x1] =	stream.strided.gather [hbm4b:s26+s17], $0x200, s18, s17, $0x38;
	[tilespmem:$0x1080] =	vst v63  }
0x18: {  	s29 =	simm.s32 $0xE00;
	s30 =	simm.s32 $0x1;
	s8 =	sadd.s32 s8, s25  }
0x19: {  	[tilespmem:s29], [sflag:$0x1] =	stream.strided.gather [hbm4b:s8+s17], $0x200, s18, s17, $0x38;
	[tilespmem:$0x1080] =	vst v63  }
0x1a: {  	_ =	swait.ge [sflag:s30], $0x1  }
0x1b: {  	[sflag:s30] =	ssyncset.done $0x0  }
0x1c: {  	[sflag:s30] =	ssyncadd.s32 $0xFFFFFFFF  }
0x1d: {  	v0 =	vld.msk [tilespmem:$0x1000 ss:$0x0], $0xffff;
	_ =	swait.ge [sflag:s30], $0x200  }
0x1e: {  	[sflag:s30] =	ssyncset.done $0x0  }
0x1f: {  	[sflag:s30] =	ssyncadd.s32 $0xFFFFFE00  }
0x20: {  	_ =	swait.ge [sflag:s30], $0x200  }
0x21: {  	[sflag:s30] =	ssyncset.done $0x0  }
0x22: {  	[sflag:s30] =	ssyncadd.s32 $0xFFFFFE00  }
0x23: {  	v1 =	vld [tilespmem:$0x0]  }
0x24: {  	v2 =	vld [tilespmem:$0x800]  }
0x25: {  	v3 =	vld [tilespmem:$0x10]  }
0x26: {  	v4 =	vld [tilespmem:$0x810]  }
0x27: {  	v5 =	vld [tilespmem:$0x20]  }
0x28: {  	v6 =	vld [tilespmem:$0x820]  }
0x29: {  	v7 =	vld [tilespmem:$0x30]  }
0x2a: {  	v8 =	vld [tilespmem:$0x830]  }
0x2b: {  	v9 =	vld [tilespmem:$0x40]  }
0x2c: {  	v10 =	vld [tilespmem:$0x840]  }
0x2d: {  	v11 =	vld [tilespmem:$0x50]  }
0x2e: {  	v12 =	vld [tilespmem:$0x850]  }
0x2f: {  	v13 =	vld [tilespmem:$0x60]  }
0x30: {  	v14 =	vld [tilespmem:$0x860]  }
0x31: {  	v15 =	vld [tilespmem:$0x70]  }
0x32: {  	v16 =	vld [tilespmem:$0x870]  }
0x33: {  	v17 =	vld [tilespmem:$0x80]  }
0x34: {  	v18 =	vld [tilespmem:$0x880]  }
0x35: {  	v19 =	vld [tilespmem:$0x90]  }
0x36: {  	v20 =	vld [tilespmem:$0x890]  }
0x37: {  	v21 =	vld [tilespmem:$0xA0]  }
0x38: {  	v22 =	vld [tilespmem:$0x8A0]  }
0x39: {  	v23 =	vld [tilespmem:$0xB0]  }
0x3a: {  	v24 =	vld [tilespmem:$0x8B0]  }
0x3b: {  	v25 =	vld [tilespmem:$0xC0]  }
0x3c: {  	v26 =	vld [tilespmem:$0x8C0]  }
0x3d: {  	v27 =	vld [tilespmem:$0xD0]  }
0x3e: {  	v28 =	vld [tilespmem:$0x8D0]  }
0x3f: {  	v29 =	vld [tilespmem:$0xE0]  }
0x40: {  	v30 =	vld [tilespmem:$0x8E0]  }
0x41: {  	v31 =	vld [tilespmem:$0xF0]  }
0x42: {  	v32 =	vld [tilespmem:$0x8F0]  }
0x43: {  	v33 =	vld [tilespmem:$0x100]  }
0x44: {  	v34 =	vld [tilespmem:$0x900]  }
0x45: {  	v35 =	vld [tilespmem:$0x110]  }
0x46: {  	v36 =	vld [tilespmem:$0x910]  }
0x47: {  	v37 =	vld [tilespmem:$0x120]  }
0x48: {  	v38 =	vld [tilespmem:$0x920];
	v1 =	vadd.f32 v1, v0;
	v2 =	vcvt.s32.f32 v2  }
0x49: {  	v39 =	vld [tilespmem:$0x130];
	v3 =	vadd.f32 v3, v0;
	v4 =	vcvt.s32.f32 v4  }
0x4a: {  	v58 =	vadd.f32 v5, v0;
	v59 =	vcvt.s32.f32 v6;
	v6 =	vld [tilespmem:$0x930];
	v1 =	vmul.f32 v2, v1  }
0x4b: {  	v60 =	vadd.f32 v7, v0;
	v61 =	vcvt.s32.f32 v8;
	v8 =	vld [tilespmem:$0x140];
	v3 =	vmul.f32 v4, v3  }
0x4c: {  	v63 =	vadd.f32 v9, v0;
	v40 =	vcvt.s32.f32 v10;
	v9 =	vld [tilespmem:$0x940];
	v62 =	vmul.f32 v59, v58;
	[tilespmem:$0x0] =	vst v1  }
0x4d: {  	v42 =	vadd.f32 v11, v0;
	v43 =	vcvt.s32.f32 v12;
	v10 =	vld [tilespmem:$0x150];
	v41 =	vmul.f32 v61, v60;
	[tilespmem:$0x10] =	vst v3  }
0x4e: {  	v45 =	vadd.f32 v13, v0;
	v46 =	vcvt.s32.f32 v14;
	v11 =	vld [tilespmem:$0x950];
	v44 =	vmul.f32 v40, v63;
	[tilespmem:$0x20] =	vst v62  }
0x4f: {  	v48 =	vadd.f32 v15, v0;
	v49 =	vcvt.s32.f32 v16;
	v12 =	vld [tilespmem:$0x160];
	v47 =	vmul.f32 v43, v42;
	[tilespmem:$0x30] =	vst v41  }
0x50: {  	v51 =	vadd.f32 v17, v0;
	v52 =	vcvt.s32.f32 v18;
	v13 =	vld [tilespmem:$0x960];
	v50 =	vmul.f32 v46, v45;
	[tilespmem:$0x40] =	vst v44  }
0x51: {  	v54 =	vadd.f32 v19, v0;
	v55 =	vcvt.s32.f32 v20;
	v14 =	vld [tilespmem:$0x170];
	v53 =	vmul.f32 v49, v48;
	[tilespmem:$0x50] =	vst v47  }
0x52: {  	v57 =	vadd.f32 v21, v0;
	v15 =	vld [tilespmem:$0x970];
	v56 =	vmul.f32 v52, v51;
	v58 =	vcvt.s32.f32 v22;
	[tilespmem:$0x60] =	vst v50  }
0x53: {  	v16 =	vld [tilespmem:$0x180];
	v59 =	vmul.f32 v55, v54;
	v60 =	vadd.f32 v23, v0;
	v61 =	vcvt.s32.f32 v24;
	[tilespmem:$0x70] =	vst v53  }
0x54: {  	v21 =	vcvt.s32.f32 v26;
	v17 =	vld [tilespmem:$0x980];
	v63 =	vadd.f32 v25, v0;
	[tilespmem:$0x80] =	vst v56;
	v62 =	vmul.f32 v58, v57  }
0x55: {  	v18 =	vld [tilespmem:$0x190];
	v23 =	vadd.f32 v27, v0;
	v24 =	vcvt.s32.f32 v28;
	[tilespmem:$0x90] =	vst v59;
	v22 =	vmul.f32 v61, v60  }
0x56: {  	v26 =	vadd.f32 v29, v0;
	v19 =	vld [tilespmem:$0x990];
	v27 =	vcvt.s32.f32 v30;
	v25 =	vmul.f32 v21, v63;
	[tilespmem:$0xA0] =	vst v62  }
0x57: {  	v29 =	vadd.f32 v31, v0;
	v20 =	vld [tilespmem:$0x1A0];
	v30 =	vcvt.s32.f32 v32;
	v28 =	vmul.f32 v24, v23;
	[tilespmem:$0xB0] =	vst v22  }
0x58: {  	v32 =	vadd.f32 v33, v0;
	v33 =	vcvt.s32.f32 v34;
	v45 =	vld [tilespmem:$0x9B0];
	v31 =	vmul.f32 v27, v26;
	[tilespmem:$0xC0] =	vst v25  }
0x59: {  	v35 =	vadd.f32 v35, v0;
	v40 =	vcvt.s32.f32 v36;
	v48 =	vld [tilespmem:$0x1C0];
	v34 =	vmul.f32 v30, v29;
	[tilespmem:$0xD0] =	vst v28  }
0x5a: {  	v43 =	vadd.f32 v37, v0;
	v52 =	vld [tilespmem:$0x9C0];
	v42 =	vmul.f32 v33, v32;
	v44 =	vcvt.s32.f32 v38;
	[tilespmem:$0xE0] =	vst v31  }
0x5b: {  	v36 =	vld [tilespmem:$0x9F0];
	v46 =	vmul.f32 v40, v35;
	v47 =	vadd.f32 v39, v0;
	v6 =	vcvt.s32.f32 v6;
	[tilespmem:$0xF0] =	vst v34  }
0x5c: {  	v21 =	vld [tilespmem:$0x9A0];
	v50 =	vadd.f32 v8, v0;
	v51 =	vcvt.s32.f32 v9;
	[tilespmem:$0x100] =	vst v42;
	v49 =	vmul.f32 v44, v43  }
0x5d: {  	v41 =	vld [tilespmem:$0x1B0];
	v54 =	vadd.f32 v10, v0;
	v55 =	vcvt.s32.f32 v11;
	[tilespmem:$0x110] =	vst v46;
	v53 =	vmul.f32 v6, v47  }
0x5e: {  	v56 =	vld [tilespmem:$0x1D0];
	v58 =	vadd.f32 v12, v0;
	v59 =	vcvt.s32.f32 v13;
	v57 =	vmul.f32 v51, v50;
	[tilespmem:$0x120] =	vst v49  }
0x5f: {  	v60 =	vld [tilespmem:$0x9D0];
	v26 =	vadd.f32 v16, v0;
	v27 =	vcvt.s32.f32 v17;
	v61 =	vmul.f32 v55, v54;
	[tilespmem:$0x130] =	vst v53  }
0x60: {  	v24 =	vld [tilespmem:$0x1E0];
	v63 =	vcvt.s32.f32 v15;
	v62 =	vadd.f32 v14, v0;
	v25 =	vmul.f32 v59, v58;
	[tilespmem:$0x140] =	vst v57  }
0x61: {  	v32 =	vld [tilespmem:$0x1F0];
	v30 =	vadd.f32 v18, v0;
	v31 =	vcvt.s32.f32 v19;
	v33 =	vmul.f32 v27, v26;
	[tilespmem:$0x150] =	vst v61  }
0x62: {  	v28 =	vld [tilespmem:$0x9E0];
	v34 =	vadd.f32 v20, v0;
	v29 =	vmul.f32 v63, v62;
	[tilespmem:$0x160] =	vst v25;
	v35 =	vcvt.s32.f32 v21  }
0x63: {  	v39 =	vcvt.s32.f32 v45;
	v37 =	vmul.f32 v31, v30;
	v38 =	vadd.f32 v41, v0;
	[tilespmem:$0x180] =	vst v33  }
0x64: {  	v42 =	vcvt.s32.f32 v52;
	v41 =	vadd.f32 v48, v0;
	[tilespmem:$0x170] =	vst v29;
	v40 =	vmul.f32 v35, v34  }
0x65: {  	v44 =	vadd.f32 v56, v0;
	v45 =	vcvt.s32.f32 v60;
	[tilespmem:$0x190] =	vst v37;
	v43 =	vmul.f32 v39, v38  }
0x66: {  	v51 =	vcvt.s32.f32 v36;
	v50 =	vadd.f32 v32, v0;
	v46 =	vmul.f32 v42, v41;
	[tilespmem:$0x1A0] =	vst v40  }
0x67: {  	v47 =	vadd.f32 v24, v0;
	v48 =	vcvt.s32.f32 v28;
	v49 =	vmul.f32 v45, v44;
	[tilespmem:$0x1B0] =	vst v43  }
0x68: {  	v53 =	vmul.f32 v51, v50;
	[tilespmem:$0x1C0] =	vst v46  }
0x69: {  	v52 =	vmul.f32 v48, v47;
	[tilespmem:$0x1D0] =	vst v49  }
0x6a: {  	[tilespmem:$0x1F0] =	vst v53  }
0x6b: {  	s12 =	sadd.s32 s2, s12;
	[tilespmem:$0x1E0] =	vst v52  }
0x6c: {  	[hbm4b:s12+s17] =	stream.strided.scatter [tilespmem:s11], [sflag:$0x2], $0x200, s18, s17, $0x38;
	[tilespmem:$0x1080] =	vst v63  }
0x6d: {  	_ =	swait.ge [sflag:s30], $0x200  }
0x6e: {  	[sflag:s30] =	ssyncset.done $0x0  }
0x6f: {  	[sflag:s30] =	ssyncadd.s32 $0xFFFFFE00  }
0x70: {  	_ =	swait.ge [sflag:s30], $0x200  }
0x71: {  	[sflag:s30] =	ssyncset.done $0x0  }
0x72: {  	[sflag:s30] =	ssyncadd.s32 $0xFFFFFE00  }
0x73: {  	v54 =	vld [tilespmem:$0x200]  }
0x74: {  	v55 =	vld [tilespmem:$0xA00]  }
0x75: {  	v56 =	vld [tilespmem:$0x210]  }
0x76: {  	v57 =	vld [tilespmem:$0xA10]  }
0x77: {  	v58 =	vld [tilespmem:$0x220]  }
0x78: {  	v59 =	vld [tilespmem:$0xA20]  }
0x79: {  	v60 =	vld [tilespmem:$0x230]  }
0x7a: {  	v61 =	vld [tilespmem:$0xA30]  }
0x7b: {  	v62 =	vld [tilespmem:$0x240]  }
0x7c: {  	v63 =	vld [tilespmem:$0xA40]  }
0x7d: {  	v42 =	vld [tilespmem:$0x250]  }
0x7e: {  	v43 =	vld [tilespmem:$0xA50]  }
0x7f: {  	v44 =	vld [tilespmem:$0x260]  }
0x80: {  	v45 =	vld [tilespmem:$0xA60]  }
0x81: {  	v46 =	vld [tilespmem:$0x270]  }
0x82: {  	v47 =	vld [tilespmem:$0xA70]  }
0x83: {  	v48 =	vld [tilespmem:$0x280]  }
0x84: {  	v49 =	vld [tilespmem:$0xA80]  }
0x85: {  	v50 =	vld [tilespmem:$0x290]  }
0x86: {  	v51 =	vld [tilespmem:$0xA90]  }
0x87: {  	v52 =	vld [tilespmem:$0x2A0]  }
0x88: {  	v22 =	vld [tilespmem:$0xAA0]  }
0x89: {  	v23 =	vld [tilespmem:$0x2B0]  }
0x8a: {  	v24 =	vld [tilespmem:$0xAB0]  }
0x8b: {  	v25 =	vld [tilespmem:$0x2C0]  }
0x8c: {  	v26 =	vld [tilespmem:$0xAC0]  }
0x8d: {  	v27 =	vld [tilespmem:$0x2D0]  }
0x8e: {  	v28 =	vld [tilespmem:$0xAD0]  }
0x8f: {  	v29 =	vld [tilespmem:$0x2E0]  }
0x90: {  	v30 =	vld [tilespmem:$0xAE0]  }
0x91: {  	v31 =	vld [tilespmem:$0x2F0]  }
0x92: {  	v32 =	vld [tilespmem:$0xAF0]  }
0x93: {  	v33 =	vld [tilespmem:$0x300]  }
0x94: {  	v34 =	vld [tilespmem:$0xB00]  }
0x95: {  	v35 =	vld [tilespmem:$0x310]  }
0x96: {  	v36 =	vld [tilespmem:$0xB10]  }
0x97: {  	v37 =	vld [tilespmem:$0x320]  }
0x98: {  	v38 =	vld [tilespmem:$0xB20];
	v1 =	vadd.f32 v54, v0;
	v2 =	vcvt.s32.f32 v55  }
0x99: {  	v39 =	vld [tilespmem:$0x330];
	v3 =	vadd.f32 v56, v0;
	v4 =	vcvt.s32.f32 v57  }
0x9a: {  	v6 =	vld [tilespmem:$0xB30];
	v53 =	vadd.f32 v58, v0;
	v54 =	vcvt.s32.f32 v59;
	v1 =	vmul.f32 v2, v1  }
0x9b: {  	v8 =	vld [tilespmem:$0x340];
	v55 =	vadd.f32 v60, v0;
	v56 =	vcvt.s32.f32 v61;
	v3 =	vmul.f32 v4, v3  }
0x9c: {  	v9 =	vld [tilespmem:$0xB40];
	v58 =	vadd.f32 v62, v0;
	v59 =	vcvt.s32.f32 v63;
	v57 =	vmul.f32 v54, v53;
	[tilespmem:$0x200] =	vst v1  }
0x9d: {  	v10 =	vld [tilespmem:$0x350];
	v61 =	vadd.f32 v42, v0;
	v62 =	vcvt.s32.f32 v43;
	v60 =	vmul.f32 v56, v55;
	[tilespmem:$0x210] =	vst v3  }
0x9e: {  	v11 =	vld [tilespmem:$0xB50];
	v40 =	vadd.f32 v44, v0;
	v41 =	vcvt.s32.f32 v45;
	v63 =	vmul.f32 v59, v58;
	[tilespmem:$0x220] =	vst v57  }
0x9f: {  	v12 =	vld [tilespmem:$0x360];
	v43 =	vadd.f32 v46, v0;
	v44 =	vcvt.s32.f32 v47;
	v42 =	vmul.f32 v62, v61;
	[tilespmem:$0x230] =	vst v60  }
0xa0: {  	v13 =	vld [tilespmem:$0xB60];
	v46 =	vadd.f32 v48, v0;
	v47 =	vcvt.s32.f32 v49;
	v45 =	vmul.f32 v41, v40;
	[tilespmem:$0x240] =	vst v63  }
0xa1: {  	v14 =	vld [tilespmem:$0x370];
	v49 =	vadd.f32 v50, v0;
	v50 =	vcvt.s32.f32 v51;
	v48 =	vmul.f32 v44, v43;
	[tilespmem:$0x250] =	vst v42  }
0xa2: {  	v15 =	vld [tilespmem:$0xB70];
	v52 =	vadd.f32 v52, v0;
	v51 =	vmul.f32 v47, v46;
	v53 =	vcvt.s32.f32 v22;
	[tilespmem:$0x260] =	vst v45  }
0xa3: {  	v16 =	vld [tilespmem:$0x380];
	v54 =	vmul.f32 v50, v49;
	v55 =	vadd.f32 v23, v0;
	v56 =	vcvt.s32.f32 v24;
	[tilespmem:$0x270] =	vst v48  }
0xa4: {  	v17 =	vld [tilespmem:$0xB80];
	v58 =	vadd.f32 v25, v0;
	v59 =	vcvt.s32.f32 v26;
	[tilespmem:$0x280] =	vst v51;
	v57 =	vmul.f32 v53, v52  }
0xa5: {  	v18 =	vld [tilespmem:$0x390];
	v61 =	vadd.f32 v27, v0;
	v62 =	vcvt.s32.f32 v28;
	[tilespmem:$0x290] =	vst v54;
	v60 =	vmul.f32 v56, v55  }
0xa6: {  	v19 =	vld [tilespmem:$0xB90];
	v24 =	vadd.f32 v29, v0;
	v25 =	vcvt.s32.f32 v30;
	v63 =	vmul.f32 v59, v58;
	[tilespmem:$0x2A0] =	vst v57  }
0xa7: {  	v20 =	vld [tilespmem:$0x3A0];
	v27 =	vadd.f32 v31, v0;
	v28 =	vcvt.s32.f32 v32;
	v26 =	vmul.f32 v62, v61;
	[tilespmem:$0x2B0] =	vst v60  }
0xa8: {  	v30 =	vadd.f32 v33, v0;
	v31 =	vcvt.s32.f32 v34;
	v32 =	vld [tilespmem:$0xBA0];
	v29 =	vmul.f32 v25, v24;
	[tilespmem:$0x2C0] =	vst v63  }
0xa9: {  	v34 =	vadd.f32 v35, v0;
	v35 =	vcvt.s32.f32 v36;
	v36 =	vld [tilespmem:$0x3B0];
	v33 =	vmul.f32 v28, v27;
	[tilespmem:$0x2D0] =	vst v26  }
0xaa: {  	v41 =	vadd.f32 v37, v0;
	v43 =	vld [tilespmem:$0xBB0];
	v40 =	vmul.f32 v31, v30;
	v42 =	vcvt.s32.f32 v38;
	[tilespmem:$0x2E0] =	vst v29  }
0xab: {  	v6 =	vcvt.s32.f32 v6;
	v46 =	vld [tilespmem:$0x3C0];
	v44 =	vmul.f32 v35, v34;
	v45 =	vadd.f32 v39, v0;
	[tilespmem:$0x2F0] =	vst v33  }
0xac: {  	v49 =	vcvt.s32.f32 v9;
	v50 =	vld [tilespmem:$0xBC0];
	v48 =	vadd.f32 v8, v0;
	[tilespmem:$0x300] =	vst v40;
	v47 =	vmul.f32 v42, v41  }
0xad: {  	v52 =	vadd.f32 v10, v0;
	v53 =	vcvt.s32.f32 v11;
	v54 =	vld [tilespmem:$0x3D0];
	[tilespmem:$0x310] =	vst v44;
	v51 =	vmul.f32 v6, v45  }
0xae: {  	v16 =	vadd.f32 v16, v0;
	v58 =	vld [tilespmem:$0xBD0];
	v24 =	vcvt.s32.f32 v17;
	v55 =	vmul.f32 v49, v48;
	[tilespmem:$0x320] =	vst v47  }
0xaf: {  	v62 =	vld [tilespmem:$0x3E0];
	v27 =	vadd.f32 v18, v0;
	v28 =	vcvt.s32.f32 v19;
	v59 =	vmul.f32 v53, v52;
	[tilespmem:$0x330] =	vst v51  }
0xb0: {  	v56 =	vadd.f32 v12, v0;
	v25 =	vld [tilespmem:$0xBE0];
	v57 =	vcvt.s32.f32 v13;
	v30 =	vmul.f32 v24, v16;
	[tilespmem:$0x340] =	vst v55  }
0xb1: {  	v61 =	vcvt.s32.f32 v15;
	v60 =	vadd.f32 v14, v0;
	v29 =	vld [tilespmem:$0x3F0];
	v34 =	vmul.f32 v28, v27;
	[tilespmem:$0x350] =	vst v59  }
0xb2: {  	v31 =	vadd.f32 v20, v0;
	v33 =	vld [tilespmem:$0xBF0];
	v32 =	vcvt.s32.f32 v32;
	v63 =	vmul.f32 v57, v56;
	[tilespmem:$0x380] =	vst v30  }
0xb3: {  	v35 =	vadd.f32 v36, v0;
	v36 =	vcvt.s32.f32 v43;
	v26 =	vmul.f32 v61, v60;
	[tilespmem:$0x390] =	vst v34  }
0xb4: {  	v38 =	vadd.f32 v46, v0;
	v39 =	vcvt.s32.f32 v50;
	v37 =	vmul.f32 v32, v31;
	[tilespmem:$0x360] =	vst v63  }
0xb5: {  	v40 =	vmul.f32 v36, v35;
	v41 =	vadd.f32 v54, v0;
	v42 =	vcvt.s32.f32 v58;
	[tilespmem:$0x370] =	vst v26  }
0xb6: {  	v43 =	vmul.f32 v39, v38;
	v44 =	vadd.f32 v62, v0;
	v45 =	vcvt.s32.f32 v25;
	[tilespmem:$0x3A0] =	vst v37  }
0xb7: {  	[tilespmem:$0x3B0] =	vst v40;
	v46 =	vmul.f32 v42, v41;
	v47 =	vadd.f32 v29, v0;
	v48 =	vcvt.s32.f32 v33  }
0xb8: {  	[tilespmem:$0x3C0] =	vst v43;
	v49 =	vmul.f32 v45, v44  }
0xb9: {  	[tilespmem:$0x3D0] =	vst v46;
	v50 =	vmul.f32 v48, v47  }
0xba: {  	[tilespmem:$0x3E0] =	vst v49  }
0xbb: {  	s9 =	sadd.s32 s2, s9;
	[tilespmem:$0x3F0] =	vst v50  }
0xbc: {  	[hbm4b:s9+s17] =	stream.strided.scatter [tilespmem:s10], [sflag:$0x2], $0x200, s18, s17, $0x38;
	[tilespmem:$0x1080] =	vst v63  }
0xbd: {  	_ =	swait.ge [sflag:s30], $0x200  }
0xbe: {  	[sflag:s30] =	ssyncset.done $0x0  }
0xbf: {  	[sflag:s30] =	ssyncadd.s32 $0xFFFFFE00  }
0xc0: {  	_ =	swait.ge [sflag:s30], $0x200  }
0xc1: {  	[sflag:s30] =	ssyncset.done $0x0  }
0xc2: {  	[sflag:s30] =	ssyncadd.s32 $0xFFFFFE00  }
0xc3: {  	v51 =	vld [tilespmem:$0x400]  }
0xc4: {  	v52 =	vld [tilespmem:$0xC00]  }
0xc5: {  	v53 =	vld [tilespmem:$0x410]  }
0xc6: {  	v54 =	vld [tilespmem:$0xC10]  }
0xc7: {  	v55 =	vld [tilespmem:$0x420]  }
0xc8: {  	v56 =	vld [tilespmem:$0xC20]  }
0xc9: {  	v57 =	vld [tilespmem:$0x430]  }
0xca: {  	v58 =	vld [tilespmem:$0xC30]  }
0xcb: {  	v59 =	vld [tilespmem:$0x440]  }
0xcc: {  	v60 =	vld [tilespmem:$0xC40]  }
0xcd: {  	v61 =	vld [tilespmem:$0x450]  }
0xce: {  	v62 =	vld [tilespmem:$0xC50]  }
0xcf: {  	v63 =	vld [tilespmem:$0x460]  }
0xd0: {  	v42 =	vld [tilespmem:$0xC60]  }
0xd1: {  	v43 =	vld [tilespmem:$0x470]  }
0xd2: {  	v44 =	vld [tilespmem:$0xC70]  }
0xd3: {  	v45 =	vld [tilespmem:$0x480]  }
0xd4: {  	v46 =	vld [tilespmem:$0xC80]  }
0xd5: {  	v47 =	vld [tilespmem:$0x490]  }
0xd6: {  	v48 =	vld [tilespmem:$0xC90]  }
0xd7: {  	v49 =	vld [tilespmem:$0x4A0]  }
0xd8: {  	v22 =	vld [tilespmem:$0xCA0]  }
0xd9: {  	v23 =	vld [tilespmem:$0x4B0]  }
0xda: {  	v24 =	vld [tilespmem:$0xCB0]  }
0xdb: {  	v25 =	vld [tilespmem:$0x4C0]  }
0xdc: {  	v26 =	vld [tilespmem:$0xCC0]  }
0xdd: {  	v27 =	vld [tilespmem:$0x4D0]  }
0xde: {  	v28 =	vld [tilespmem:$0xCD0]  }
0xdf: {  	v29 =	vld [tilespmem:$0x4E0]  }
0xe0: {  	v30 =	vld [tilespmem:$0xCE0]  }
0xe1: {  	v31 =	vld [tilespmem:$0x4F0]  }
0xe2: {  	v32 =	vld [tilespmem:$0xCF0]  }
0xe3: {  	v33 =	vld [tilespmem:$0x500]  }
0xe4: {  	v34 =	vld [tilespmem:$0xD00]  }
0xe5: {  	v35 =	vld [tilespmem:$0x510]  }
0xe6: {  	v36 =	vld [tilespmem:$0xD10]  }
0xe7: {  	v37 =	vld [tilespmem:$0x520]  }
0xe8: {  	v38 =	vld [tilespmem:$0xD20];
	v1 =	vadd.f32 v51, v0;
	v2 =	vcvt.s32.f32 v52  }
0xe9: {  	v39 =	vld [tilespmem:$0x530];
	v3 =	vadd.f32 v53, v0;
	v4 =	vcvt.s32.f32 v54  }
0xea: {  	v6 =	vld [tilespmem:$0xD30];
	v50 =	vadd.f32 v55, v0;
	v51 =	vcvt.s32.f32 v56;
	v1 =	vmul.f32 v2, v1  }
0xeb: {  	v8 =	vld [tilespmem:$0x540];
	v52 =	vadd.f32 v57, v0;
	v53 =	vcvt.s32.f32 v58;
	v3 =	vmul.f32 v4, v3  }
0xec: {  	v9 =	vld [tilespmem:$0xD40];
	v55 =	vadd.f32 v59, v0;
	v56 =	vcvt.s32.f32 v60;
	v54 =	vmul.f32 v51, v50;
	[tilespmem:$0x400] =	vst v1  }
0xed: {  	v10 =	vld [tilespmem:$0x550];
	v58 =	vadd.f32 v61, v0;
	v59 =	vcvt.s32.f32 v62;
	v57 =	vmul.f32 v53, v52;
	[tilespmem:$0x410] =	vst v3  }
0xee: {  	v11 =	vld [tilespmem:$0xD50];
	v61 =	vadd.f32 v63, v0;
	v62 =	vcvt.s32.f32 v42;
	v60 =	vmul.f32 v56, v55;
	[tilespmem:$0x420] =	vst v54  }
0xef: {  	v12 =	vld [tilespmem:$0x560];
	v40 =	vadd.f32 v43, v0;
	v41 =	vcvt.s32.f32 v44;
	v63 =	vmul.f32 v59, v58;
	[tilespmem:$0x430] =	vst v57  }
0xf0: {  	v13 =	vld [tilespmem:$0xD60];
	v43 =	vadd.f32 v45, v0;
	v44 =	vcvt.s32.f32 v46;
	v42 =	vmul.f32 v62, v61;
	[tilespmem:$0x440] =	vst v60  }
0xf1: {  	v14 =	vld [tilespmem:$0x570];
	v46 =	vadd.f32 v47, v0;
	v47 =	vcvt.s32.f32 v48;
	v45 =	vmul.f32 v41, v40;
	[tilespmem:$0x450] =	vst v63  }
0xf2: {  	v15 =	vld [tilespmem:$0xD70];
	v49 =	vadd.f32 v49, v0;
	v48 =	vmul.f32 v44, v43;
	v50 =	vcvt.s32.f32 v22;
	[tilespmem:$0x460] =	vst v42  }
0xf3: {  	v16 =	vld [tilespmem:$0x580];
	v51 =	vmul.f32 v47, v46;
	v52 =	vadd.f32 v23, v0;
	v53 =	vcvt.s32.f32 v24;
	[tilespmem:$0x470] =	vst v45  }
0xf4: {  	v17 =	vld [tilespmem:$0xD80];
	v55 =	vadd.f32 v25, v0;
	v56 =	vcvt.s32.f32 v26;
	[tilespmem:$0x480] =	vst v48;
	v54 =	vmul.f32 v50, v49  }
0xf5: {  	v18 =	vld [tilespmem:$0x590];
	v58 =	vadd.f32 v27, v0;
	v59 =	vcvt.s32.f32 v28;
	[tilespmem:$0x490] =	vst v51;
	v57 =	vmul.f32 v53, v52  }
0xf6: {  	v19 =	vld [tilespmem:$0xD90];
	v61 =	vadd.f32 v29, v0;
	v62 =	vcvt.s32.f32 v30;
	v60 =	vmul.f32 v56, v55;
	[tilespmem:$0x4A0] =	vst v54  }
0xf7: {  	v24 =	vadd.f32 v31, v0;
	v25 =	vcvt.s32.f32 v32;
	v26 =	vld [tilespmem:$0x5A0];
	v63 =	vmul.f32 v59, v58;
	[tilespmem:$0x4B0] =	vst v57  }
0xf8: {  	v28 =	vadd.f32 v33, v0;
	v29 =	vcvt.s32.f32 v34;
	v30 =	vld [tilespmem:$0xDA0];
	v27 =	vmul.f32 v62, v61;
	[tilespmem:$0x4C0] =	vst v60  }
0xf9: {  	v32 =	vadd.f32 v35, v0;
	v33 =	vcvt.s32.f32 v36;
	v34 =	vld [tilespmem:$0x5B0];
	v31 =	vmul.f32 v25, v24;
	[tilespmem:$0x4D0] =	vst v63  }
0xfa: {  	v36 =	vadd.f32 v37, v0;
	v37 =	vcvt.s32.f32 v38;
	v38 =	vld [tilespmem:$0xDB0];
	v35 =	vmul.f32 v29, v28;
	[tilespmem:$0x4E0] =	vst v27  }
0xfb: {  	v6 =	vcvt.s32.f32 v6;
	v41 =	vadd.f32 v39, v0;
	v46 =	vld [tilespmem:$0xDC0];
	v40 =	vmul.f32 v33, v32;
	[tilespmem:$0x4F0] =	vst v31  }
0xfc: {  	v44 =	vadd.f32 v8, v0;
	v42 =	vld [tilespmem:$0x5C0];
	v43 =	vmul.f32 v37, v36;
	v45 =	vcvt.s32.f32 v9;
	[tilespmem:$0x500] =	vst v35  }
0xfd: {  	v47 =	vmul.f32 v6, v41;
	v48 =	vadd.f32 v10, v0;
	v49 =	vcvt.s32.f32 v11;
	v50 =	vld [tilespmem:$0x5D0];
	[tilespmem:$0x510] =	vst v40  }
0xfe: {  	v52 =	vadd.f32 v12, v0;
	v53 =	vcvt.s32.f32 v13;
	v58 =	vld [tilespmem:$0x5E0];
	[tilespmem:$0x520] =	vst v43;
	v51 =	vmul.f32 v45, v44  }
0xff: {  	v56 =	vadd.f32 v14, v0;
	v62 =	vld [tilespmem:$0xDE0];
	[tilespmem:$0x530] =	vst v47;
	v55 =	vmul.f32 v49, v48;
	v57 =	vcvt.s32.f32 v15  }
0x100: {  	v61 =	vcvt.s32.f32 v17;
	v24 =	vld [tilespmem:$0xDF0];
	v59 =	vmul.f32 v53, v52;
	v60 =	vadd.f32 v16, v0;
	[tilespmem:$0x540] =	vst v51  }
0x101: {  	v17 =	vcvt.s32.f32 v19;
	v54 =	vld [tilespmem:$0xDD0];
	v16 =	vadd.f32 v18, v0;
	[tilespmem:$0x550] =	vst v55;
	v63 =	vmul.f32 v57, v56  }
0x102: {  	v18 =	vld [tilespmem:$0x5F0];
	v20 =	vadd.f32 v26, v0;
	v21 =	vcvt.s32.f32 v30;
	[tilespmem:$0x560] =	vst v59;
	v19 =	vmul.f32 v61, v60  }
0x103: {  	v26 =	vadd.f32 v34, v0;
	v27 =	vcvt.s32.f32 v38;
	v25 =	vmul.f32 v17, v16;
	[tilespmem:$0x570] =	vst v63  }
0x104: {  	v30 =	vcvt.s32.f32 v46;
	v28 =	vmul.f32 v21, v20;
	v29 =	vadd.f32 v42, v0;
	[tilespmem:$0x580] =	vst v19  }
0x105: {  	v31 =	vmul.f32 v27, v26;
	v35 =	vadd.f32 v58, v0;
	v36 =	vcvt.s32.f32 v62;
	[tilespmem:$0x590] =	vst v25  }
0x106: {  	v32 =	vadd.f32 v50, v0;
	v33 =	vcvt.s32.f32 v54;
	[tilespmem:$0x5A0] =	vst v28;
	v34 =	vmul.f32 v30, v29  }
0x107: {  	v39 =	vcvt.s32.f32 v24;
	[tilespmem:$0x5B0] =	vst v31;
	v38 =	vadd.f32 v18, v0;
	v40 =	vmul.f32 v36, v35  }
0x108: {  	v37 =	vmul.f32 v33, v32;
	[tilespmem:$0x5C0] =	vst v34  }
0x109: {  	v41 =	vmul.f32 v39, v38;
	[tilespmem:$0x5E0] =	vst v40  }
0x10a: {  	[tilespmem:$0x5D0] =	vst v37  }
0x10b: {  	s7 =	sadd.s32 s2, s22;
	[tilespmem:$0x5F0] =	vst v41  }
0x10c: {  	[hbm4b:s7+s17] =	stream.strided.scatter [tilespmem:s18], [sflag:$0x2], $0x200, s18, s17, $0x38;
	[tilespmem:$0x1080] =	vst v63  }
0x10d: {  	_ =	swait.ge [sflag:s30], $0x200  }
0x10e: {  	[sflag:s30] =	ssyncset.done $0x0  }
0x10f: {  	[sflag:s30] =	ssyncadd.s32 $0xFFFFFE00  }
0x110: {  	_ =	swait.ge [sflag:s30], $0x200  }
0x111: {  	[sflag:s30] =	ssyncset.done $0x0  }
0x112: {  	[sflag:s30] =	ssyncadd.s32 $0xFFFFFE00  }
0x113: {  	v42 =	vld [tilespmem:$0x600]  }
0x114: {  	v43 =	vld [tilespmem:$0xE00]  }
0x115: {  	v44 =	vld [tilespmem:$0x610]  }
0x116: {  	v45 =	vld [tilespmem:$0xE10]  }
0x117: {  	v46 =	vld [tilespmem:$0x620]  }
0x118: {  	v47 =	vld [tilespmem:$0xE20]  }
0x119: {  	v48 =	vld [tilespmem:$0x630]  }
0x11a: {  	v49 =	vld [tilespmem:$0xE30]  }
0x11b: {  	v50 =	vld [tilespmem:$0x640]  }
0x11c: {  	v51 =	vld [tilespmem:$0xE40]  }
0x11d: {  	v52 =	vld [tilespmem:$0x650]  }
0x11e: {  	v53 =	vld [tilespmem:$0xE50]  }
0x11f: {  	v54 =	vld [tilespmem:$0x660]  }
0x120: {  	v55 =	vld [tilespmem:$0xE60]  }
0x121: {  	v56 =	vld [tilespmem:$0x670]  }
0x122: {  	v57 =	vld [tilespmem:$0xE70]  }
0x123: {  	v58 =	vld [tilespmem:$0x680]  }
0x124: {  	v59 =	vld [tilespmem:$0xE80]  }
0x125: {  	v60 =	vld [tilespmem:$0x690]  }
0x126: {  	v61 =	vld [tilespmem:$0xE90]  }
0x127: {  	v62 =	vld [tilespmem:$0x6A0]  }
0x128: {  	v22 =	vld [tilespmem:$0xEA0]  }
0x129: {  	v23 =	vld [tilespmem:$0x6B0]  }
0x12a: {  	v24 =	vld [tilespmem:$0xEB0]  }
0x12b: {  	v25 =	vld [tilespmem:$0x6C0]  }
0x12c: {  	v26 =	vld [tilespmem:$0xEC0]  }
0x12d: {  	v27 =	vld [tilespmem:$0x6D0]  }
0x12e: {  	v28 =	vld [tilespmem:$0xED0]  }
0x12f: {  	v29 =	vld [tilespmem:$0x6E0]  }
0x130: {  	v30 =	vld [tilespmem:$0xEE0]  }
0x131: {  	v31 =	vld [tilespmem:$0x6F0]  }
0x132: {  	v32 =	vld [tilespmem:$0xEF0]  }
0x133: {  	v33 =	vld [tilespmem:$0x700]  }
0x134: {  	v34 =	vld [tilespmem:$0xF00]  }
0x135: {  	v35 =	vld [tilespmem:$0x710]  }
0x136: {  	v36 =	vld [tilespmem:$0xF10]  }
0x137: {  	v37 =	vld [tilespmem:$0x720];
	v1 =	vadd.f32 v42, v0  }
0x138: {  	v38 =	vld [tilespmem:$0xF20];
	v2 =	vcvt.s32.f32 v43;
	v3 =	vadd.f32 v44, v0;
	v4 =	vcvt.s32.f32 v45  }
0x139: {  	v39 =	vld [tilespmem:$0x730];
	v63 =	vadd.f32 v46, v0;
	v40 =	vcvt.s32.f32 v47;
	v42 =	vcvt.s32.f32 v49  }
0x13a: {  	v6 =	vld [tilespmem:$0xF30];
	v41 =	vadd.f32 v48, v0;
	v45 =	vcvt.s32.f32 v51;
	v1 =	vmul.f32 v2, v1  }
0x13b: {  	v8 =	vld [tilespmem:$0x740];
	v44 =	vadd.f32 v50, v0;
	v48 =	vcvt.s32.f32 v53;
	v3 =	vmul.f32 v4, v3  }
0x13c: {  	v9 =	vld [tilespmem:$0xF40];
	v47 =	vadd.f32 v52, v0;
	v51 =	vcvt.s32.f32 v55;
	v43 =	vmul.f32 v40, v63;
	[tilespmem:$0x600] =	vst v1  }
0x13d: {  	v10 =	vld [tilespmem:$0x750];
	v50 =	vadd.f32 v54, v0;
	v54 =	vcvt.s32.f32 v57;
	v46 =	vmul.f32 v42, v41;
	[tilespmem:$0x610] =	vst v3  }
0x13e: {  	v11 =	vld [tilespmem:$0xF50];
	v53 =	vadd.f32 v56, v0;
	v57 =	vcvt.s32.f32 v59;
	v49 =	vmul.f32 v45, v44;
	[tilespmem:$0x620] =	vst v43  }
0x13f: {  	v12 =	vld [tilespmem:$0x760];
	v59 =	vadd.f32 v60, v0;
	v60 =	vcvt.s32.f32 v61;
	v52 =	vmul.f32 v48, v47;
	[tilespmem:$0x630] =	vst v46  }
0x140: {  	v13 =	vld [tilespmem:$0xF60];
	v56 =	vadd.f32 v58, v0;
	v28 =	vcvt.s32.f32 v28;
	v55 =	vmul.f32 v51, v50;
	[tilespmem:$0x640] =	vst v49  }
0x141: {  	v14 =	vld [tilespmem:$0x770];
	v62 =	vadd.f32 v62, v0;
	v6 =	vcvt.s32.f32 v6;
	v58 =	vmul.f32 v54, v53;
	[tilespmem:$0x650] =	vst v52  }
0x142: {  	v15 =	vld [tilespmem:$0xF70];
	v21 =	vadd.f32 v23, v0;
	v61 =	vmul.f32 v57, v56;
	v63 =	vcvt.s32.f32 v22;
	[tilespmem:$0x660] =	vst v55  }
0x143: {  	v16 =	vld [tilespmem:$0x780];
	v27 =	vadd.f32 v27, v0;
	v20 =	vmul.f32 v60, v59;
	v22 =	vcvt.s32.f32 v24;
	[tilespmem:$0x670] =	vst v58  }
0x144: {  	v17 =	vld [tilespmem:$0xF80];
	v24 =	vadd.f32 v25, v0;
	v25 =	vcvt.s32.f32 v26;
	[tilespmem:$0x680] =	vst v61;
	v23 =	vmul.f32 v63, v62  }
0x145: {  	v18 =	vld [tilespmem:$0x790];
	v41 =	vadd.f32 v29, v0;
	v42 =	vcvt.s32.f32 v30;
	[tilespmem:$0x690] =	vst v20;
	v26 =	vmul.f32 v22, v21  }
0x146: {  	v19 =	vld [tilespmem:$0xF90];
	v44 =	vadd.f32 v31, v0;
	v45 =	vcvt.s32.f32 v32;
	v40 =	vmul.f32 v25, v24;
	[tilespmem:$0x6A0] =	vst v23  }
0x147: {  	v47 =	vadd.f32 v33, v0;
	v48 =	vcvt.s32.f32 v34;
	v53 =	vld [tilespmem:$0x7B0];
	v43 =	vmul.f32 v28, v27;
	[tilespmem:$0x6B0] =	vst v26  }
0x148: {  	v51 =	vadd.f32 v35, v0;
	v56 =	vcvt.s32.f32 v38;
	v57 =	vld [tilespmem:$0xFB0];
	v46 =	vmul.f32 v42, v41;
	[tilespmem:$0x6C0] =	vst v40  }
0x149: {  	v59 =	vadd.f32 v39, v0;
	v60 =	vld [tilespmem:$0x7C0];
	v30 =	vadd.f32 v12, v0;
	v50 =	vmul.f32 v45, v44;
	[tilespmem:$0x6D0] =	vst v43  }
0x14a: {  	v31 =	vcvt.s32.f32 v13;
	v32 =	vld [tilespmem:$0xFD0];
	v34 =	vadd.f32 v14, v0;
	v54 =	vmul.f32 v48, v47;
	[tilespmem:$0x6E0] =	vst v46  }
0x14b: {  	v35 =	vcvt.s32.f32 v15;
	v38 =	vadd.f32 v16, v0;
	v20 =	vld [tilespmem:$0x7A0];
	v25 =	vmul.f32 v6, v59;
	[tilespmem:$0x6F0] =	vst v50  }
0x14c: {  	v39 =	vcvt.s32.f32 v17;
	v49 =	vld [tilespmem:$0xFA0];
	v55 =	vadd.f32 v37, v0;
	v37 =	vmul.f32 v31, v30;
	[tilespmem:$0x700] =	vst v54  }
0x14d: {  	v52 =	vcvt.s32.f32 v36;
	v24 =	vld [tilespmem:$0xFC0];
	v41 =	vmul.f32 v35, v34;
	[tilespmem:$0x730] =	vst v25  }
0x14e: {  	v62 =	vadd.f32 v8, v0;
	v63 =	vcvt.s32.f32 v9;
	v28 =	vld [tilespmem:$0x7D0];
	v45 =	vmul.f32 v39, v38;
	[tilespmem:$0x760] =	vst v37  }
0x14f: {  	v27 =	vcvt.s32.f32 v11;
	v36 =	vld [tilespmem:$0x7E0];
	v58 =	vmul.f32 v52, v51;
	[tilespmem:$0x770] =	vst v41  }
0x150: {  	v44 =	vld [tilespmem:$0x7F0];
	v61 =	vmul.f32 v56, v55;
	v26 =	vadd.f32 v10, v0;
	v29 =	vmul.f32 v63, v62;
	[tilespmem:$0x780] =	vst v45  }
0x151: {  	v42 =	vadd.f32 v18, v0;
	v48 =	vld [tilespmem:$0xFF0];
	v43 =	vcvt.s32.f32 v19;
	v51 =	vcvt.s32.f32 v57;
	[tilespmem:$0x710] =	vst v58  }
0x152: {  	v40 =	vld [tilespmem:$0xFE0];
	v50 =	vadd.f32 v53, v0;
	v57 =	vcvt.s32.f32 v32;
	[tilespmem:$0x720] =	vst v61;
	v33 =	vmul.f32 v27, v26  }
0x153: {  	[tilespmem:$0x740] =	vst v29;
	v46 =	vadd.f32 v20, v0;
	v47 =	vcvt.s32.f32 v49;
	v49 =	vmul.f32 v43, v42  }
0x154: {  	v53 =	vadd.f32 v60, v0;
	v54 =	vcvt.s32.f32 v24;
	v55 =	vmul.f32 v51, v50;
	[tilespmem:$0x750] =	vst v33  }
0x155: {  	v56 =	vadd.f32 v28, v0;
	v59 =	vadd.f32 v36, v0;
	v52 =	vmul.f32 v47, v46;
	[tilespmem:$0x790] =	vst v49  }
0x156: {  	v0 =	vadd.f32 v44, v0;
	v62 =	vcvt.s32.f32 v48;
	v58 =	vmul.f32 v54, v53;
	[tilespmem:$0x7B0] =	vst v55  }
0x157: {  	v60 =	vcvt.s32.f32 v40;
	v61 =	vmul.f32 v57, v56;
	[tilespmem:$0x7A0] =	vst v52  }
0x158: {  	v0 =	vmul.f32 v62, v0;
	[tilespmem:$0x7C0] =	vst v58  }
0x159: {  	v63 =	vmul.f32 v60, v59;
	[tilespmem:$0x7D0] =	vst v61  }
0x15a: {  	[tilespmem:$0x7F0] =	vst v0  }
0x15b: {  	s31 =	simm.s32 $0x2;
	s2 =	sadd.s32 s2, s25;
	[tilespmem:$0x7E0] =	vst v63  }
0x15c: {  	[hbm4b:s2+s17] =	stream.strided.scatter [tilespmem:s28], [sflag:$0x2], $0x200, s18, s17, $0x38;
	[tilespmem:$0x1080] =	vst v63  }
0x15d: {  	_ =	swait.ge [sflag:s31], $0x200  }
0x15e: {  	[sflag:s31] =	ssyncset.done $0x0  }
0x15f: {  	[sflag:s31] =	ssyncadd.s32 $0xFFFFFE00  }
0x160: {  	_ =	swait.ge [sflag:s31], $0x200  }
0x161: {  	[sflag:s31] =	ssyncset.done $0x0  }
0x162: {  	[sflag:s31] =	ssyncadd.s32 $0xFFFFFE00  }
0x163: {  	_ =	swait.ge [sflag:s31], $0x200  }
0x164: {  	[sflag:s31] =	ssyncset.done $0x0  }
0x165: {  	[sflag:s31] =	ssyncadd.s32 $0xFFFFFE00  }
0x166: {  	_ =	swait.ge [sflag:s31], $0x200  }
0x167: {  	[sflag:s31] =	ssyncset.done $0x0  }
0x168: {  	[sflag:s31] =	ssyncadd.s32 $0xFFFFFE00  }
0x169: {  	_ =	sfence.sel $0x180000  }
0x16a: {  	[bflag:$0x0] =	sbarrier.arrive $0xFFFF  }
0x16b: {  	p0 =	sne.s32 s1, $0x0;
	_ =	strace $0x90000047  }
0x16c: {  	s0 =	sadd.s32 @!p0 $0x100000, s0;
	[bflag:$0x2] =	sbarrier.arrive $0xFFFF  }
0x16d: {  	[sflag:s0] =	ssyncadd.tile.s32 @!p0 $0x1;
	_ =	shalt  }
.Lfunc_end2:
_tile_overlayer_lowered:
.L_overlay_start_2:
0x16e: {  	(tag) =	ssettag $0x2  }
0x16f: {  	s0 =	rddreg [dreg:$0x0];
	s2 =	stileid.u32  }
0x170: {  	s1 =	rddreg [dreg:$0x1];
	p0 =	sne.s32 s2, $0x0  }
0x171: {  	s3 =	rddreg [dreg:$0x2];
	[bflag:$0x3] =	sbarrier.arrive $0xFFFF;
	s2 =	simm.s32 @!p0 $0x1C03  }
0x172: {  	[timem:s3], [sflag:s2] =	dma.local @!p0 [hbm:s0], s1  }
0x173: {  	s0 =	simm.s32 @!p0 $0x3  }
0x174: {  	_ =	swait.ge @!p0 [sflag:s0], s1  }
0x175: {  	s1 =	ssub.s32 @!p0 $0x0, s1;
	[sflag:s0] =	ssyncset.done @!p0 $0x0  }
0x176: {  	[sflag:s0] =	ssyncadd.s32 @!p0 s1  }
0x177: {  	[bflag:$0x3] =	sbarrier.arrive $0xFFFF  }
0x178: {  	_ =	shalt  }

</sc_bundles>
